<compile_context>
chip_gen: v7x
topology: tpu7x:2x2x1
jax: 0.10.2.dev20260603
libtpu: 0.0.44.dev20260713+nightly
codegen_flags: <defaults>
</compile_context>

<pallas_src>
import jax
import jax.numpy as jnp
from jax import lax
from jax.experimental import pallas as pl
from jax.experimental.pallas import tpu as pltpu
from jax.experimental.pallas import tpu_sc as plsc

_ROWS = 128
_COLS = 100000
_BLOCK = 2048

_MAIN_STEPS = 35
_SC_START = _MAIN_STEPS * _BLOCK
_SC_COLS = 28672
_TAIL_STEPS = _SC_COLS // _BLOCK

_NWORKERS = 32
_CPW = _SC_COLS // _NWORKERS
_NB = 64
_NBLKS = _CPW // _NB

_K1 = 0
_K2 = 42


def _threefry2x32(k1, k2, x0, x1):
    def rotl(x, d):
        return (x << jnp.uint32(d)) | (x >> jnp.uint32(32 - d))

    def rounds(v0, v1, rots):
        for r in rots:
            v0 = v0 + v1
            v1 = rotl(v1, r)
            v1 = v0 ^ v1
        return v0, v1

    rot_a = (13, 15, 26, 6)
    rot_b = (17, 29, 16, 24)
    ks0 = k1
    ks1 = k2
    ks2 = k1 ^ k2 ^ jnp.uint32(0x1BD11BDA)
    v0 = x0 + ks0
    v1 = x1 + ks1
    v0, v1 = rounds(v0, v1, rot_a)
    v0 = v0 + ks1
    v1 = v1 + (ks2 + jnp.uint32(1))
    v0, v1 = rounds(v0, v1, rot_b)
    v0 = v0 + ks2
    v1 = v1 + (ks0 + jnp.uint32(2))
    v0, v1 = rounds(v0, v1, rot_a)
    v0 = v0 + ks0
    v1 = v1 + (ks1 + jnp.uint32(3))
    v0, v1 = rounds(v0, v1, rot_b)
    v0 = v0 + ks1
    v1 = v1 + (ks2 + jnp.uint32(4))
    v0, v1 = rounds(v0, v1, rot_a)
    v0 = v0 + ks2
    v1 = v1 + (ks0 + jnp.uint32(5))
    return v0, v1


def _bits_to_gumbel(bits):
    fb = (bits >> jnp.uint32(9)) | jnp.uint32(0x3F800000)
    u = lax.bitcast_convert_type(fb, jnp.float32) - jnp.float32(1.0)
    u = u + jnp.float32(1e-20)
    u = jnp.maximum(jnp.float32(1e-20), u)
    return -jnp.log(-jnp.log(u))


def _main_kernel(lt_ref, vmax_ref, vidx_ref):
    step = pl.program_id(0)

    col = lax.broadcasted_iota(jnp.int32, (_ROWS, _BLOCK), 1) + step * _BLOCK
    row = lax.broadcasted_iota(jnp.int32, (_ROWS, _BLOCK), 0)
    lo = (row * _COLS + col).astype(jnp.uint32)

    o0, o1 = _threefry2x32(
        jnp.uint32(_K1), jnp.uint32(_K2), jnp.uint32(0), lo
    )
    gumbel = _bits_to_gumbel(o0 ^ o1)
    val = lt_ref[...].T + gumbel

    m = jnp.max(val, axis=1, keepdims=True)
    idx = jnp.min(
        jnp.where(val == m, col, jnp.int32(2**31 - 1)), axis=1, keepdims=True
    )

    @pl.when(step == 0)
    def _init():
        vmax_ref[...] = m
        vidx_ref[...] = idx

    @pl.when(step > 0)
    def _update():
        upd = m > vmax_ref[...]
        vmax_ref[...] = jnp.where(upd, m, vmax_ref[...])
        vidx_ref[...] = jnp.where(upd, idx, vidx_ref[...])


def _tail_kernel(
    vmax0_ref, vidx0_ref, bits_ref, lt_ref, vmax_ref, vidx_ref, samp_ref
):
    step = pl.program_id(0)

    @pl.when(step == 0)
    def _init():
        vmax_ref[...] = vmax0_ref[...]
        vidx_ref[...] = vidx0_ref[...]

    col = (
        lax.broadcasted_iota(jnp.int32, (_ROWS, _BLOCK), 1)
        + (_SC_START + step * _BLOCK)
    )
    gumbel = _bits_to_gumbel(bits_ref[...].T)
    val = lt_ref[...].T + gumbel
    val = jnp.where(col < _COLS, val, -jnp.inf)

    m = jnp.max(val, axis=1, keepdims=True)
    idx = jnp.min(
        jnp.where(val == m, col, jnp.int32(2**31 - 1)), axis=1, keepdims=True
    )
    upd = m > vmax_ref[...]
    new_idx = jnp.where(upd, idx, vidx_ref[...])
    vmax_ref[...] = jnp.where(upd, m, vmax_ref[...])
    vidx_ref[...] = new_idx

    @pl.when(step == _TAIL_STEPS - 1)
    def _emit():
        samp_ref[...] = new_idx.T


def _sc_hash_kernel(out_hbm, buf):
    cid = lax.axis_index("c")
    sid = lax.axis_index("s")
    wid = cid * 16 + sid
    base_col = _SC_START + wid * _CPW
    row_off = wid * _CPW
    rowmul = (jnp.arange(16, dtype=jnp.int32) * _COLS).astype(jnp.uint32)

    def blk_body(b, carry):
        def col_body(j, carry2):
            c = base_col + b * _NB + j
            for rg in range(8):
                scal = (c + rg * (16 * _COLS)).astype(jnp.uint32)
                o0, o1 = _threefry2x32(
                    jnp.uint32(_K1),
                    jnp.uint32(_K2),
                    jnp.uint32(0),
                    rowmul + scal,
                )
                buf[j, pl.ds(rg * 16, 16)] = o0 ^ o1
            return carry2

        lax.fori_loop(0, _NB, col_body, jnp.int32(0))
        pltpu.sync_copy(buf, out_hbm.at[pl.ds(row_off + b * _NB, _NB)])
        return carry

    lax.fori_loop(0, _NBLKS, blk_body, jnp.int32(0))


@jax.jit
def kernel(logits):
    lt = logits.T

    sc_hash = pl.kernel(
        _sc_hash_kernel,
        out_type=jax.ShapeDtypeStruct((_SC_COLS, _ROWS), jnp.uint32),
        mesh=plsc.VectorSubcoreMesh(core_axis_name="c", subcore_axis_name="s"),
        scratch_types=[pltpu.VMEM((_NB, _ROWS), jnp.uint32)],
    )
    bits = sc_hash()

    pmax, pidx = pl.pallas_call(
        _main_kernel,
        grid=(_MAIN_STEPS,),
        in_specs=[pl.BlockSpec((_BLOCK, _ROWS), lambda i: (i, 0))],
        out_specs=[
            pl.BlockSpec((_ROWS, 1), lambda i: (0, 0)),
            pl.BlockSpec((_ROWS, 1), lambda i: (0, 0)),
        ],
        out_shape=[
            jax.ShapeDtypeStruct((_ROWS, 1), jnp.float32),
            jax.ShapeDtypeStruct((_ROWS, 1), jnp.int32),
        ],
        compiler_params=pltpu.CompilerParams(
            dimension_semantics=("arbitrary",),
        ),
    )(lt)

    _, _, samples = pl.pallas_call(
        _tail_kernel,
        grid=(_TAIL_STEPS,),
        in_specs=[
            pl.BlockSpec((_ROWS, 1), lambda i: (0, 0)),
            pl.BlockSpec((_ROWS, 1), lambda i: (0, 0)),
            pl.BlockSpec((_BLOCK, _ROWS), lambda i: (i, 0)),
            pl.BlockSpec((_BLOCK, _ROWS), lambda i: (i + _MAIN_STEPS, 0)),
        ],
        out_specs=[
            pl.BlockSpec((_ROWS, 1), lambda i: (0, 0)),
            pl.BlockSpec((_ROWS, 1), lambda i: (0, 0)),
            pl.BlockSpec((1, _ROWS), lambda i: (0, 0)),
        ],
        out_shape=[
            jax.ShapeDtypeStruct((_ROWS, 1), jnp.float32),
            jax.ShapeDtypeStruct((_ROWS, 1), jnp.int32),
            jax.ShapeDtypeStruct((1, _ROWS), jnp.int32),
        ],
        compiler_params=pltpu.CompilerParams(
            dimension_semantics=("arbitrary",),
        ),
    )(pmax, pidx, bits, lt)

    return samples.reshape(_ROWS)

# --- scband reference (transcript-rebuilt; emitter-appended) ---
"""Pipeline reference for scband-categorical-sampler-65541200937517 (READ-ONLY COPY).

The authoritative reference and input builder live on the scoring server;
editing this copy changes nothing except your own understanding.
"""

import jax, jax.numpy as jnp
import numpy as np

def setup_inputs(seed: int = 0) -> dict:
    key = jax.random.key(seed)
    logits = jax.random.normal(key, (128, 100000), dtype=jnp.float32)
    return {"logits": logits}

def reference(logits):
    # tf.random.categorical samples one index per row from the categorical
    # distribution defined by unnormalized log-probs. Implemented faithfully
    # via the Gumbel-max trick (which is exactly how categorical sampling works).
    key = jax.random.key(42)
    u = jax.random.uniform(key, logits.shape, dtype=logits.dtype, minval=1e-20, maxval=1.0)
    gumbel = -jnp.log(-jnp.log(u))
    # tf.random.categorical(logits, 1) -> [B, 1]; squeeze(-1) -> [B]
    samples = jnp.argmax(logits + gumbel, axis=-1)
    return samples

if __name__ == "__main__":
    import jax
    _d = setup_inputs()
    print(jax.jit(kernel)(*tuple(_d.values())))

</pallas_src>

<mosaic_0001>
#map = affine_map<(d0, d1) -> (0, 0)>
module attributes {stable_mosaic.version = 14 : i64} {
  func.func @_sc_hash_kernel(%arg0: i32, %arg1: i32, %arg2: memref<28672x128xi32, #tpu.memory_space<hbm>>, %arg3: memref<64x128xi32, #tpu.memory_space<vmem>>) attributes {dimension_semantics = [#tpu.dimension_semantics<core_parallel>, #tpu.dimension_semantics<subcore_parallel>], iteration_bounds = array<i64: 2, 16>, scalar_prefetch = 0 : i64, scratch_operands = 1 : i64, tpu.core_type = #tpu.core_type<sc_vector_subcore>, window_params = [{transform_indices = #map}]} {
    %mul3A = arith.constant 16 : i32
    %mul3A_0 = arith.muli %arg0, %mul3A : i32
    %add3A = arith.addi %mul3A_0, %arg1 : i32
    %mul3A_1 = arith.constant 896 : i32
    %mul3A_2 = arith.muli %add3A, %mul3A_1 : i32
    %add3A_3 = arith.constant 71680 : i32
    %add3A_4 = arith.addi %add3A_3, %mul3A_2 : i32
    %mul3A_5 = arith.constant 896 : i32
    %mul3A_6 = arith.muli %add3A, %mul3A_5 : i32
    %iota3A = tpu.iota {dimensions = array<i32: 0>} : vector<16xi32>
    %mul3A_7 = arith.constant 100000 : i32
    %mul3A_8 = vector.broadcast %mul3A_7 : i32 to vector<16xi32>
    %mul3A_9 = arith.muli %iota3A, %mul3A_8 : vector<16xi32>
    %scan3A = arith.constant 0 : i32
    %scan3A_10 = arith.constant 0 : i32
    %scan3A_11 = arith.constant 14 : i32
    %scan3A_12 = arith.addi %scan3A_10, %scan3A_11 : i32
    %scan3A_13 = arith.constant 1 : i32
    scf.for %scan3A_15 = %scan3A_10 to %scan3A_12 step %scan3A_13  : i32 {
      %scan3A_16 = arith.constant 0 : i32
      %scan3A_17 = arith.constant 0 : i32
      %scan3A_18 = arith.constant 64 : i32
      %scan3A_19 = arith.addi %scan3A_17, %scan3A_18 : i32
      %scan3A_20 = arith.constant 1 : i32
      scf.for %scan3A_25 = %scan3A_17 to %scan3A_19 step %scan3A_20  : i32 {
        %mul3A_26 = arith.constant 64 : i32
        %mul3A_27 = arith.muli %scan3A_15, %mul3A_26 : i32
        %add3A_28 = arith.addi %add3A_4, %mul3A_27 : i32
        %add3A_29 = arith.addi %add3A_28, %scan3A_25 : i32
        %add3A_30 = arith.constant 0 : i32
        %add3A_31 = arith.addi %add3A_29, %add3A_30 : i32
        %add3A_32 = vector.broadcast %add3A_31 : i32 to vector<16xi32>
        %add3A_33 = arith.addi %mul3A_9, %add3A_32 : vector<16xi32>
        %xor3A = arith.constant 0 : i32
        %xor3A_34 = arith.constant 42 : i32
        %xor3A_35 = arith.xori %xor3A, %xor3A_34 : i32
        %xor3A_36 = arith.constant 466688986 : i32
        %xor3A_37 = arith.xori %xor3A_35, %xor3A_36 : i32
        %add3A_38 = arith.constant 0 : i32
        %add3A_39 = arith.constant 0 : i32
        %add3A_40 = arith.addi %add3A_38, %add3A_39 : i32
        %add3A_41 = arith.constant 42 : i32
        %add3A_42 = vector.broadcast %add3A_41 : i32 to vector<16xi32>
        %add3A_43 = arith.addi %add3A_33, %add3A_42 : vector<16xi32>
        %add3A_44 = vector.broadcast %add3A_40 : i32 to vector<16xi32>
        %add3A_45 = arith.addi %add3A_44, %add3A_43 : vector<16xi32>
        %shift_left3A = arith.constant 13 : i32
        %shift_left3A_46 = vector.broadcast %shift_left3A : i32 to vector<16xi32>
        %shift_left3A_47 = arith.shli %add3A_43, %shift_left3A_46 : vector<16xi32>
        %shift_right_logical3A = arith.constant 19 : i32
        %shift_right_logical3A_48 = vector.broadcast %shift_right_logical3A : i32 to vector<16xi32>
        %shift_right_logical3A_49 = arith.shrui %add3A_43, %shift_right_logical3A_48 : vector<16xi32>
        %or3A = arith.ori %shift_left3A_47, %shift_right_logical3A_49 : vector<16xi32>
        %xor3A_50 = arith.xori %add3A_45, %or3A : vector<16xi32>
        %add3A_51 = arith.addi %add3A_45, %xor3A_50 : vector<16xi32>
        %shift_left3A_52 = arith.constant 15 : i32
        %shift_left3A_53 = vector.broadcast %shift_left3A_52 : i32 to vector<16xi32>
        %shift_left3A_54 = arith.shli %xor3A_50, %shift_left3A_53 : vector<16xi32>
        %shift_right_logical3A_55 = arith.constant 17 : i32
        %shift_right_logical3A_56 = vector.broadcast %shift_right_logical3A_55 : i32 to vector<16xi32>
        %shift_right_logical3A_57 = arith.shrui %xor3A_50, %shift_right_logical3A_56 : vector<16xi32>
        %or3A_58 = arith.ori %shift_left3A_54, %shift_right_logical3A_57 : vector<16xi32>
        %xor3A_59 = arith.xori %add3A_51, %or3A_58 : vector<16xi32>
        %add3A_60 = arith.addi %add3A_51, %xor3A_59 : vector<16xi32>
        %shift_left3A_61 = arith.constant 26 : i32
        %shift_left3A_62 = vector.broadcast %shift_left3A_61 : i32 to vector<16xi32>
        %shift_left3A_63 = arith.shli %xor3A_59, %shift_left3A_62 : vector<16xi32>
        %shift_right_logical3A_64 = arith.constant 6 : i32
        %shift_right_logical3A_65 = vector.broadcast %shift_right_logical3A_64 : i32 to vector<16xi32>
        %shift_right_logical3A_66 = arith.shrui %xor3A_59, %shift_right_logical3A_65 : vector<16xi32>
        %or3A_67 = arith.ori %shift_left3A_63, %shift_right_logical3A_66 : vector<16xi32>
        %xor3A_68 = arith.xori %add3A_60, %or3A_67 : vector<16xi32>
        %add3A_69 = arith.addi %add3A_60, %xor3A_68 : vector<16xi32>
        %shift_left3A_70 = arith.constant 6 : i32
        %shift_left3A_71 = vector.broadcast %shift_left3A_70 : i32 to vector<16xi32>
        %shift_left3A_72 = arith.shli %xor3A_68, %shift_left3A_71 : vector<16xi32>
        %shift_right_logical3A_73 = arith.constant 26 : i32
        %shift_right_logical3A_74 = vector.broadcast %shift_right_logical3A_73 : i32 to vector<16xi32>
        %shift_right_logical3A_75 = arith.shrui %xor3A_68, %shift_right_logical3A_74 : vector<16xi32>
        %or3A_76 = arith.ori %shift_left3A_72, %shift_right_logical3A_75 : vector<16xi32>
        %xor3A_77 = arith.xori %add3A_69, %or3A_76 : vector<16xi32>
        %add3A_78 = arith.constant 42 : i32
        %add3A_79 = vector.broadcast %add3A_78 : i32 to vector<16xi32>
        %add3A_80 = arith.addi %add3A_69, %add3A_79 : vector<16xi32>
        %add3A_81 = arith.constant 1 : i32
        %add3A_82 = arith.addi %xor3A_37, %add3A_81 : i32
        %add3A_83 = vector.broadcast %add3A_82 : i32 to vector<16xi32>
        %add3A_84 = arith.addi %xor3A_77, %add3A_83 : vector<16xi32>
        %add3A_85 = arith.addi %add3A_80, %add3A_84 : vector<16xi32>
        %shift_left3A_86 = arith.constant 17 : i32
        %shift_left3A_87 = vector.broadcast %shift_left3A_86 : i32 to vector<16xi32>
        %shift_left3A_88 = arith.shli %add3A_84, %shift_left3A_87 : vector<16xi32>
        %shift_right_logical3A_89 = arith.constant 15 : i32
        %shift_right_logical3A_90 = vector.broadcast %shift_right_logical3A_89 : i32 to vector<16xi32>
        %shift_right_logical3A_91 = arith.shrui %add3A_84, %shift_right_logical3A_90 : vector<16xi32>
        %or3A_92 = arith.ori %shift_left3A_88, %shift_right_logical3A_91 : vector<16xi32>
        %xor3A_93 = arith.xori %add3A_85, %or3A_92 : vector<16xi32>
        %add3A_94 = arith.addi %add3A_85, %xor3A_93 : vector<16xi32>
        %shift_left3A_95 = arith.constant 29 : i32
        %shift_left3A_96 = vector.broadcast %shift_left3A_95 : i32 to vector<16xi32>
        %shift_left3A_97 = arith.shli %xor3A_93, %shift_left3A_96 : vector<16xi32>
        %shift_right_logical3A_98 = arith.constant 3 : i32
        %shift_right_logical3A_99 = vector.broadcast %shift_right_logical3A_98 : i32 to vector<16xi32>
        %shift_right_logical3A_100 = arith.shrui %xor3A_93, %shift_right_logical3A_99 : vector<16xi32>
        %or3A_101 = arith.ori %shift_left3A_97, %shift_right_logical3A_100 : vector<16xi32>
        %xor3A_102 = arith.xori %add3A_94, %or3A_101 : vector<16xi32>
        %add3A_103 = arith.addi %add3A_94, %xor3A_102 : vector<16xi32>
        %shift_left3A_104 = arith.constant 16 : i32
        %shift_left3A_105 = vector.broadcast %shift_left3A_104 : i32 to vector<16xi32>
        %shift_left3A_106 = arith.shli %xor3A_102, %shift_left3A_105 : vector<16xi32>
        %shift_right_logical3A_107 = arith.constant 16 : i32
        %shift_right_logical3A_108 = vector.broadcast %shift_right_logical3A_107 : i32 to vector<16xi32>
        %shift_right_logical3A_109 = arith.shrui %xor3A_102, %shift_right_logical3A_108 : vector<16xi32>
        %or3A_110 = arith.ori %shift_left3A_106, %shift_right_logical3A_109 : vector<16xi32>
        %xor3A_111 = arith.xori %add3A_103, %or3A_110 : vector<16xi32>
        %add3A_112 = arith.addi %add3A_103, %xor3A_111 : vector<16xi32>
        %shift_left3A_113 = arith.constant 24 : i32
        %shift_left3A_114 = vector.broadcast %shift_left3A_113 : i32 to vector<16xi32>
        %shift_left3A_115 = arith.shli %xor3A_111, %shift_left3A_114 : vector<16xi32>
        %shift_right_logical3A_116 = arith.constant 8 : i32
        %shift_right_logical3A_117 = vector.broadcast %shift_right_logical3A_116 : i32 to vector<16xi32>
        %shift_right_logical3A_118 = arith.shrui %xor3A_111, %shift_right_logical3A_117 : vector<16xi32>
        %or3A_119 = arith.ori %shift_left3A_115, %shift_right_logical3A_118 : vector<16xi32>
        %xor3A_120 = arith.xori %add3A_112, %or3A_119 : vector<16xi32>
        %add3A_121 = vector.broadcast %xor3A_37 : i32 to vector<16xi32>
        %add3A_122 = arith.addi %add3A_112, %add3A_121 : vector<16xi32>
        %add3A_123 = arith.constant 0 : i32
        %add3A_124 = arith.constant 2 : i32
        %add3A_125 = arith.addi %add3A_123, %add3A_124 : i32
        %add3A_126 = vector.broadcast %add3A_125 : i32 to vector<16xi32>
        %add3A_127 = arith.addi %xor3A_120, %add3A_126 : vector<16xi32>
        %add3A_128 = arith.addi %add3A_122, %add3A_127 : vector<16xi32>
        %shift_left3A_129 = arith.constant 13 : i32
        %shift_left3A_130 = vector.broadcast %shift_left3A_129 : i32 to vector<16xi32>
        %shift_left3A_131 = arith.shli %add3A_127, %shift_left3A_130 : vector<16xi32>
        %shift_right_logical3A_132 = arith.constant 19 : i32
        %shift_right_logical3A_133 = vector.broadcast %shift_right_logical3A_132 : i32 to vector<16xi32>
        %shift_right_logical3A_134 = arith.shrui %add3A_127, %shift_right_logical3A_133 : vector<16xi32>
        %or3A_135 = arith.ori %shift_left3A_131, %shift_right_logical3A_134 : vector<16xi32>
        %xor3A_136 = arith.xori %add3A_128, %or3A_135 : vector<16xi32>
        %add3A_137 = arith.addi %add3A_128, %xor3A_136 : vector<16xi32>
        %shift_left3A_138 = arith.constant 15 : i32
        %shift_left3A_139 = vector.broadcast %shift_left3A_138 : i32 to vector<16xi32>
        %shift_left3A_140 = arith.shli %xor3A_136, %shift_left3A_139 : vector<16xi32>
        %shift_right_logical3A_141 = arith.constant 17 : i32
        %shift_right_logical3A_142 = vector.broadcast %shift_right_logical3A_141 : i32 to vector<16xi32>
        %shift_right_logical3A_143 = arith.shrui %xor3A_136, %shift_right_logical3A_142 : vector<16xi32>
        %or3A_144 = arith.ori %shift_left3A_140, %shift_right_logical3A_143 : vector<16xi32>
        %xor3A_145 = arith.xori %add3A_137, %or3A_144 : vector<16xi32>
        %add3A_146 = arith.addi %add3A_137, %xor3A_145 : vector<16xi32>
        %shift_left3A_147 = arith.constant 26 : i32
        %shift_left3A_148 = vector.broadcast %shift_left3A_147 : i32 to vector<16xi32>
        %shift_left3A_149 = arith.shli %xor3A_145, %shift_left3A_148 : vector<16xi32>
        %shift_right_logical3A_150 = arith.constant 6 : i32
        %shift_right_logical3A_151 = vector.broadcast %shift_right_logical3A_150 : i32 to vector<16xi32>
        %shift_right_logical3A_152 = arith.shrui %xor3A_145, %shift_right_logical3A_151 : vector<16xi32>
        %or3A_153 = arith.ori %shift_left3A_149, %shift_right_logical3A_152 : vector<16xi32>
        %xor3A_154 = arith.xori %add3A_146, %or3A_153 : vector<16xi32>
        %add3A_155 = arith.addi %add3A_146, %xor3A_154 : vector<16xi32>
        %shift_left3A_156 = arith.constant 6 : i32
        %shift_left3A_157 = vector.broadcast %shift_left3A_156 : i32 to vector<16xi32>
        %shift_left3A_158 = arith.shli %xor3A_154, %shift_left3A_157 : vector<16xi32>
        %shift_right_logical3A_159 = arith.constant 26 : i32
        %shift_right_logical3A_160 = vector.broadcast %shift_right_logical3A_159 : i32 to vector<16xi32>
        %shift_right_logical3A_161 = arith.shrui %xor3A_154, %shift_right_logical3A_160 : vector<16xi32>
        %or3A_162 = arith.ori %shift_left3A_158, %shift_right_logical3A_161 : vector<16xi32>
        %xor3A_163 = arith.xori %add3A_155, %or3A_162 : vector<16xi32>
        %add3A_164 = arith.constant 0 : i32
        %add3A_165 = vector.broadcast %add3A_164 : i32 to vector<16xi32>
        %add3A_166 = arith.addi %add3A_155, %add3A_165 : vector<16xi32>
        %add3A_167 = arith.constant 42 : i32
        %add3A_168 = arith.constant 3 : i32
        %add3A_169 = arith.addi %add3A_167, %add3A_168 : i32
        %add3A_170 = vector.broadcast %add3A_169 : i32 to vector<16xi32>
        %add3A_171 = arith.addi %xor3A_163, %add3A_170 : vector<16xi32>
        %add3A_172 = arith.addi %add3A_166, %add3A_171 : vector<16xi32>
        %shift_left3A_173 = arith.constant 17 : i32
        %shift_left3A_174 = vector.broadcast %shift_left3A_173 : i32 to vector<16xi32>
        %shift_left3A_175 = arith.shli %add3A_171, %shift_left3A_174 : vector<16xi32>
        %shift_right_logical3A_176 = arith.constant 15 : i32
        %shift_right_logical3A_177 = vector.broadcast %shift_right_logical3A_176 : i32 to vector<16xi32>
        %shift_right_logical3A_178 = arith.shrui %add3A_171, %shift_right_logical3A_177 : vector<16xi32>
        %or3A_179 = arith.ori %shift_left3A_175, %shift_right_logical3A_178 : vector<16xi32>
        %xor3A_180 = arith.xori %add3A_172, %or3A_179 : vector<16xi32>
        %add3A_181 = arith.addi %add3A_172, %xor3A_180 : vector<16xi32>
        %shift_left3A_182 = arith.constant 29 : i32
        %shift_left3A_183 = vector.broadcast %shift_left3A_182 : i32 to vector<16xi32>
        %shift_left3A_184 = arith.shli %xor3A_180, %shift_left3A_183 : vector<16xi32>
        %shift_right_logical3A_185 = arith.constant 3 : i32
        %shift_right_logical3A_186 = vector.broadcast %shift_right_logical3A_185 : i32 to vector<16xi32>
        %shift_right_logical3A_187 = arith.shrui %xor3A_180, %shift_right_logical3A_186 : vector<16xi32>
        %or3A_188 = arith.ori %shift_left3A_184, %shift_right_logical3A_187 : vector<16xi32>
        %xor3A_189 = arith.xori %add3A_181, %or3A_188 : vector<16xi32>
        %add3A_190 = arith.addi %add3A_181, %xor3A_189 : vector<16xi32>
        %shift_left3A_191 = arith.constant 16 : i32
        %shift_left3A_192 = vector.broadcast %shift_left3A_191 : i32 to vector<16xi32>
        %shift_left3A_193 = arith.shli %xor3A_189, %shift_left3A_192 : vector<16xi32>
        %shift_right_logical3A_194 = arith.constant 16 : i32
        %shift_right_logical3A_195 = vector.broadcast %shift_right_logical3A_194 : i32 to vector<16xi32>
        %shift_right_logical3A_196 = arith.shrui %xor3A_189, %shift_right_logical3A_195 : vector<16xi32>
        %or3A_197 = arith.ori %shift_left3A_193, %shift_right_logical3A_196 : vector<16xi32>
        %xor3A_198 = arith.xori %add3A_190, %or3A_197 : vector<16xi32>
        %add3A_199 = arith.addi %add3A_190, %xor3A_198 : vector<16xi32>
        %shift_left3A_200 = arith.constant 24 : i32
        %shift_left3A_201 = vector.broadcast %shift_left3A_200 : i32 to vector<16xi32>
        %shift_left3A_202 = arith.shli %xor3A_198, %shift_left3A_201 : vector<16xi32>
        %shift_right_logical3A_203 = arith.constant 8 : i32
        %shift_right_logical3A_204 = vector.broadcast %shift_right_logical3A_203 : i32 to vector<16xi32>
        %shift_right_logical3A_205 = arith.shrui %xor3A_198, %shift_right_logical3A_204 : vector<16xi32>
        %or3A_206 = arith.ori %shift_left3A_202, %shift_right_logical3A_205 : vector<16xi32>
        %xor3A_207 = arith.xori %add3A_199, %or3A_206 : vector<16xi32>
        %add3A_208 = arith.constant 42 : i32
        %add3A_209 = vector.broadcast %add3A_208 : i32 to vector<16xi32>
        %add3A_210 = arith.addi %add3A_199, %add3A_209 : vector<16xi32>
        %add3A_211 = arith.constant 4 : i32
        %add3A_212 = arith.addi %xor3A_37, %add3A_211 : i32
        %add3A_213 = vector.broadcast %add3A_212 : i32 to vector<16xi32>
        %add3A_214 = arith.addi %xor3A_207, %add3A_213 : vector<16xi32>
        %add3A_215 = arith.addi %add3A_210, %add3A_214 : vector<16xi32>
        %shift_left3A_216 = arith.constant 13 : i32
        %shift_left3A_217 = vector.broadcast %shift_left3A_216 : i32 to vector<16xi32>
        %shift_left3A_218 = arith.shli %add3A_214, %shift_left3A_217 : vector<16xi32>
        %shift_right_logical3A_219 = arith.constant 19 : i32
        %shift_right_logical3A_220 = vector.broadcast %shift_right_logical3A_219 : i32 to vector<16xi32>
        %shift_right_logical3A_221 = arith.shrui %add3A_214, %shift_right_logical3A_220 : vector<16xi32>
        %or3A_222 = arith.ori %shift_left3A_218, %shift_right_logical3A_221 : vector<16xi32>
        %xor3A_223 = arith.xori %add3A_215, %or3A_222 : vector<16xi32>
        %add3A_224 = arith.addi %add3A_215, %xor3A_223 : vector<16xi32>
        %shift_left3A_225 = arith.constant 15 : i32
        %shift_left3A_226 = vector.broadcast %shift_left3A_225 : i32 to vector<16xi32>
        %shift_left3A_227 = arith.shli %xor3A_223, %shift_left3A_226 : vector<16xi32>
        %shift_right_logical3A_228 = arith.constant 17 : i32
        %shift_right_logical3A_229 = vector.broadcast %shift_right_logical3A_228 : i32 to vector<16xi32>
        %shift_right_logical3A_230 = arith.shrui %xor3A_223, %shift_right_logical3A_229 : vector<16xi32>
        %or3A_231 = arith.ori %shift_left3A_227, %shift_right_logical3A_230 : vector<16xi32>
        %xor3A_232 = arith.xori %add3A_224, %or3A_231 : vector<16xi32>
        %add3A_233 = arith.addi %add3A_224, %xor3A_232 : vector<16xi32>
        %shift_left3A_234 = arith.constant 26 : i32
        %shift_left3A_235 = vector.broadcast %shift_left3A_234 : i32 to vector<16xi32>
        %shift_left3A_236 = arith.shli %xor3A_232, %shift_left3A_235 : vector<16xi32>
        %shift_right_logical3A_237 = arith.constant 6 : i32
        %shift_right_logical3A_238 = vector.broadcast %shift_right_logical3A_237 : i32 to vector<16xi32>
        %shift_right_logical3A_239 = arith.shrui %xor3A_232, %shift_right_logical3A_238 : vector<16xi32>
        %or3A_240 = arith.ori %shift_left3A_236, %shift_right_logical3A_239 : vector<16xi32>
        %xor3A_241 = arith.xori %add3A_233, %or3A_240 : vector<16xi32>
        %add3A_242 = arith.addi %add3A_233, %xor3A_241 : vector<16xi32>
        %shift_left3A_243 = arith.constant 6 : i32
        %shift_left3A_244 = vector.broadcast %shift_left3A_243 : i32 to vector<16xi32>
        %shift_left3A_245 = arith.shli %xor3A_241, %shift_left3A_244 : vector<16xi32>
        %shift_right_logical3A_246 = arith.constant 26 : i32
        %shift_right_logical3A_247 = vector.broadcast %shift_right_logical3A_246 : i32 to vector<16xi32>
        %shift_right_logical3A_248 = arith.shrui %xor3A_241, %shift_right_logical3A_247 : vector<16xi32>
        %or3A_249 = arith.ori %shift_left3A_245, %shift_right_logical3A_248 : vector<16xi32>
        %xor3A_250 = arith.xori %add3A_242, %or3A_249 : vector<16xi32>
        %add3A_251 = vector.broadcast %xor3A_37 : i32 to vector<16xi32>
        %add3A_252 = arith.addi %add3A_242, %add3A_251 : vector<16xi32>
        %add3A_253 = arith.constant 0 : i32
        %add3A_254 = arith.constant 5 : i32
        %add3A_255 = arith.addi %add3A_253, %add3A_254 : i32
        %add3A_256 = vector.broadcast %add3A_255 : i32 to vector<16xi32>
        %add3A_257 = arith.addi %xor3A_250, %add3A_256 : vector<16xi32>
        %xor3A_258 = arith.xori %add3A_252, %add3A_257 : vector<16xi32>
        %swap3A = arith.index_cast %scan3A_25 : i32 to index
        %swap3A_259 = arith.constant 0 : index
        %swap3A_260 = tpu.vector_load %arg3[%swap3A, %swap3A_259] {strides = array<i32>} : memref<64x128xi32, #tpu.memory_space<vmem>>, vector<1x16xi32>,
        %swap3A_261 = vector.shape_cast %swap3A_260 : vector<1x16xi32> to vector<16xi32>
        %swap3A_262 = vector.shape_cast %xor3A_258 : vector<16xi32> to vector<1x16xi32>
        tpu.vector_store %arg3[%swap3A, %swap3A_259], %swap3A_262 {strides = array<i32>} : memref<64x128xi32, #tpu.memory_space<vmem>>, vector<1x16xi32>,
        %add3A_263 = arith.constant 1600000 : i32
        %add3A_264 = arith.addi %add3A_29, %add3A_263 : i32
        %add3A_265 = vector.broadcast %add3A_264 : i32 to vector<16xi32>
        %add3A_266 = arith.addi %mul3A_9, %add3A_265 : vector<16xi32>
        %xor3A_267 = arith.constant 0 : i32
        %xor3A_268 = arith.constant 42 : i32
        %xor3A_269 = arith.xori %xor3A_267, %xor3A_268 : i32
        %xor3A_270 = arith.constant 466688986 : i32
        %xor3A_271 = arith.xori %xor3A_269, %xor3A_270 : i32
        %add3A_272 = arith.constant 0 : i32
        %add3A_273 = arith.constant 0 : i32
        %add3A_274 = arith.addi %add3A_272, %add3A_273 : i32
        %add3A_275 = arith.constant 42 : i32
        %add3A_276 = vector.broadcast %add3A_275 : i32 to vector<16xi32>
        %add3A_277 = arith.addi %add3A_266, %add3A_276 : vector<16xi32>
        %add3A_278 = vector.broadcast %add3A_274 : i32 to vector<16xi32>
        %add3A_279 = arith.addi %add3A_278, %add3A_277 : vector<16xi32>
        %shift_left3A_280 = arith.constant 13 : i32
        %shift_left3A_281 = vector.broadcast %shift_left3A_280 : i32 to vector<16xi32>
        %shift_left3A_282 = arith.shli %add3A_277, %shift_left3A_281 : vector<16xi32>
        %shift_right_logical3A_283 = arith.constant 19 : i32
        %shift_right_logical3A_284 = vector.broadcast %shift_right_logical3A_283 : i32 to vector<16xi32>
        %shift_right_logical3A_285 = arith.shrui %add3A_277, %shift_right_logical3A_284 : vector<16xi32>
        %or3A_286 = arith.ori %shift_left3A_282, %shift_right_logical3A_285 : vector<16xi32>
        %xor3A_287 = arith.xori %add3A_279, %or3A_286 : vector<16xi32>
        %add3A_288 = arith.addi %add3A_279, %xor3A_287 : vector<16xi32>
        %shift_left3A_289 = arith.constant 15 : i32
        %shift_left3A_290 = vector.broadcast %shift_left3A_289 : i32 to vector<16xi32>
        %shift_left3A_291 = arith.shli %xor3A_287, %shift_left3A_290 : vector<16xi32>
        %shift_right_logical3A_292 = arith.constant 17 : i32
        %shift_right_logical3A_293 = vector.broadcast %shift_right_logical3A_292 : i32 to vector<16xi32>
        %shift_right_logical3A_294 = arith.shrui %xor3A_287, %shift_right_logical3A_293 : vector<16xi32>
        %or3A_295 = arith.ori %shift_left3A_291, %shift_right_logical3A_294 : vector<16xi32>
        %xor3A_296 = arith.xori %add3A_288, %or3A_295 : vector<16xi32>
        %add3A_297 = arith.addi %add3A_288, %xor3A_296 : vector<16xi32>
        %shift_left3A_298 = arith.constant 26 : i32
        %shift_left3A_299 = vector.broadcast %shift_left3A_298 : i32 to vector<16xi32>
        %shift_left3A_300 = arith.shli %xor3A_296, %shift_left3A_299 : vector<16xi32>
        %shift_right_logical3A_301 = arith.constant 6 : i32
        %shift_right_logical3A_302 = vector.broadcast %shift_right_logical3A_301 : i32 to vector<16xi32>
        %shift_right_logical3A_303 = arith.shrui %xor3A_296, %shift_right_logical3A_302 : vector<16xi32>
        %or3A_304 = arith.ori %shift_left3A_300, %shift_right_logical3A_303 : vector<16xi32>
        %xor3A_305 = arith.xori %add3A_297, %or3A_304 : vector<16xi32>
        %add3A_306 = arith.addi %add3A_297, %xor3A_305 : vector<16xi32>
        %shift_left3A_307 = arith.constant 6 : i32
        %shift_left3A_308 = vector.broadcast %shift_left3A_307 : i32 to vector<16xi32>
        %shift_left3A_309 = arith.shli %xor3A_305, %shift_left3A_308 : vector<16xi32>
        %shift_right_logical3A_310 = arith.constant 26 : i32
        %shift_right_logical3A_311 = vector.broadcast %shift_right_logical3A_310 : i32 to vector<16xi32>
        %shift_right_logical3A_312 = arith.shrui %xor3A_305, %shift_right_logical3A_311 : vector<16xi32>
        %or3A_313 = arith.ori %shift_left3A_309, %shift_right_logical3A_312 : vector<16xi32>
        %xor3A_314 = arith.xori %add3A_306, %or3A_313 : vector<16xi32>
        %add3A_315 = arith.constant 42 : i32
        %add3A_316 = vector.broadcast %add3A_315 : i32 to vector<16xi32>
        %add3A_317 = arith.addi %add3A_306, %add3A_316 : vector<16xi32>
        %add3A_318 = arith.constant 1 : i32
        %add3A_319 = arith.addi %xor3A_271, %add3A_318 : i32
        %add3A_320 = vector.broadcast %add3A_319 : i32 to vector<16xi32>
        %add3A_321 = arith.addi %xor3A_314, %add3A_320 : vector<16xi32>
        %add3A_322 = arith.addi %add3A_317, %add3A_321 : vector<16xi32>
        %shift_left3A_323 = arith.constant 17 : i32
        %shift_left3A_324 = vector.broadcast %shift_left3A_323 : i32 to vector<16xi32>
        %shift_left3A_325 = arith.shli %add3A_321, %shift_left3A_324 : vector<16xi32>
        %shift_right_logical3A_326 = arith.constant 15 : i32
        %shift_right_logical3A_327 = vector.broadcast %shift_right_logical3A_326 : i32 to vector<16xi32>
        %shift_right_logical3A_328 = arith.shrui %add3A_321, %shift_right_logical3A_327 : vector<16xi32>
        %or3A_329 = arith.ori %shift_left3A_325, %shift_right_logical3A_328 : vector<16xi32>
        %xor3A_330 = arith.xori %add3A_322, %or3A_329 : vector<16xi32>
        %add3A_331 = arith.addi %add3A_322, %xor3A_330 : vector<16xi32>
        %shift_left3A_332 = arith.constant 29 : i32
        %shift_left3A_333 = vector.broadcast %shift_left3A_332 : i32 to vector<16xi32>
        %shift_left3A_334 = arith.shli %xor3A_330, %shift_left3A_333 : vector<16xi32>
        %shift_right_logical3A_335 = arith.constant 3 : i32
        %shift_right_logical3A_336 = vector.broadcast %shift_right_logical3A_335 : i32 to vector<16xi32>
        %shift_right_logical3A_337 = arith.shrui %xor3A_330, %shift_right_logical3A_336 : vector<16xi32>
        %or3A_338 = arith.ori %shift_left3A_334, %shift_right_logical3A_337 : vector<16xi32>
        %xor3A_339 = arith.xori %add3A_331, %or3A_338 : vector<16xi32>
        %add3A_340 = arith.addi %add3A_331, %xor3A_339 : vector<16xi32>
        %shift_left3A_341 = arith.constant 16 : i32
        %shift_left3A_342 = vector.broadcast %shift_left3A_341 : i32 to vector<16xi32>
        %shift_left3A_343 = arith.shli %xor3A_339, %shift_left3A_342 : vector<16xi32>
        %shift_right_logical3A_344 = arith.constant 16 : i32
        %shift_right_logical3A_345 = vector.broadcast %shift_right_logical3A_344 : i32 to vector<16xi32>
        %shift_right_logical3A_346 = arith.shrui %xor3A_339, %shift_right_logical3A_345 : vector<16xi32>
        %or3A_347 = arith.ori %shift_left3A_343, %shift_right_logical3A_346 : vector<16xi32>
        %xor3A_348 = arith.xori %add3A_340, %or3A_347 : vector<16xi32>
        %add3A_349 = arith.addi %add3A_340, %xor3A_348 : vector<16xi32>
        %shift_left3A_350 = arith.constant 24 : i32
        %shift_left3A_351 = vector.broadcast %shift_left3A_350 : i32 to vector<16xi32>
        %shift_left3A_352 = arith.shli %xor3A_348, %shift_left3A_351 : vector<16xi32>
        %shift_right_logical3A_353 = arith.constant 8 : i32
        %shift_right_logical3A_354 = vector.broadcast %shift_right_logical3A_353 : i32 to vector<16xi32>
        %shift_right_logical3A_355 = arith.shrui %xor3A_348, %shift_right_logical3A_354 : vector<16xi32>
        %or3A_356 = arith.ori %shift_left3A_352, %shift_right_logical3A_355 : vector<16xi32>
        %xor3A_357 = arith.xori %add3A_349, %or3A_356 : vector<16xi32>
        %add3A_358 = vector.broadcast %xor3A_271 : i32 to vector<16xi32>
        %add3A_359 = arith.addi %add3A_349, %add3A_358 : vector<16xi32>
        %add3A_360 = arith.constant 0 : i32
        %add3A_361 = arith.constant 2 : i32
        %add3A_362 = arith.addi %add3A_360, %add3A_361 : i32
        %add3A_363 = vector.broadcast %add3A_362 : i32 to vector<16xi32>
        %add3A_364 = arith.addi %xor3A_357, %add3A_363 : vector<16xi32>
        %add3A_365 = arith.addi %add3A_359, %add3A_364 : vector<16xi32>
        %shift_left3A_366 = arith.constant 13 : i32
        %shift_left3A_367 = vector.broadcast %shift_left3A_366 : i32 to vector<16xi32>
        %shift_left3A_368 = arith.shli %add3A_364, %shift_left3A_367 : vector<16xi32>
        %shift_right_logical3A_369 = arith.constant 19 : i32
        %shift_right_logical3A_370 = vector.broadcast %shift_right_logical3A_369 : i32 to vector<16xi32>
        %shift_right_logical3A_371 = arith.shrui %add3A_364, %shift_right_logical3A_370 : vector<16xi32>
        %or3A_372 = arith.ori %shift_left3A_368, %shift_right_logical3A_371 : vector<16xi32>
        %xor3A_373 = arith.xori %add3A_365, %or3A_372 : vector<16xi32>
        %add3A_374 = arith.addi %add3A_365, %xor3A_373 : vector<16xi32>
        %shift_left3A_375 = arith.constant 15 : i32
        %shift_left3A_376 = vector.broadcast %shift_left3A_375 : i32 to vector<16xi32>
        %shift_left3A_377 = arith.shli %xor3A_373, %shift_left3A_376 : vector<16xi32>
        %shift_right_logical3A_378 = arith.constant 17 : i32
        %shift_right_logical3A_379 = vector.broadcast %shift_right_logical3A_378 : i32 to vector<16xi32>
        %shift_right_logical3A_380 = arith.shrui %xor3A_373, %shift_right_logical3A_379 : vector<16xi32>
        %or3A_381 = arith.ori %shift_left3A_377, %shift_right_logical3A_380 : vector<16xi32>
        %xor3A_382 = arith.xori %add3A_374, %or3A_381 : vector<16xi32>
        %add3A_383 = arith.addi %add3A_374, %xor3A_382 : vector<16xi32>
        %shift_left3A_384 = arith.constant 26 : i32
        %shift_left3A_385 = vector.broadcast %shift_left3A_384 : i32 to vector<16xi32>
        %shift_left3A_386 = arith.shli %xor3A_382, %shift_left3A_385 : vector<16xi32>
        %shift_right_logical3A_387 = arith.constant 6 : i32
        %shift_right_logical3A_388 = vector.broadcast %shift_right_logical3A_387 : i32 to vector<16xi32>
        %shift_right_logical3A_389 = arith.shrui %xor3A_382, %shift_right_logical3A_388 : vector<16xi32>
        %or3A_390 = arith.ori %shift_left3A_386, %shift_right_logical3A_389 : vector<16xi32>
        %xor3A_391 = arith.xori %add3A_383, %or3A_390 : vector<16xi32>
        %add3A_392 = arith.addi %add3A_383, %xor3A_391 : vector<16xi32>
        %shift_left3A_393 = arith.constant 6 : i32
        %shift_left3A_394 = vector.broadcast %shift_left3A_393 : i32 to vector<16xi32>
        %shift_left3A_395 = arith.shli %xor3A_391, %shift_left3A_394 : vector<16xi32>
        %shift_right_logical3A_396 = arith.constant 26 : i32
        %shift_right_logical3A_397 = vector.broadcast %shift_right_logical3A_396 : i32 to vector<16xi32>
        %shift_right_logical3A_398 = arith.shrui %xor3A_391, %shift_right_logical3A_397 : vector<16xi32>
        %or3A_399 = arith.ori %shift_left3A_395, %shift_right_logical3A_398 : vector<16xi32>
        %xor3A_400 = arith.xori %add3A_392, %or3A_399 : vector<16xi32>
        %add3A_401 = arith.constant 0 : i32
        %add3A_402 = vector.broadcast %add3A_401 : i32 to vector<16xi32>
        %add3A_403 = arith.addi %add3A_392, %add3A_402 : vector<16xi32>
        %add3A_404 = arith.constant 42 : i32
        %add3A_405 = arith.constant 3 : i32
        %add3A_406 = arith.addi %add3A_404, %add3A_405 : i32
        %add3A_407 = vector.broadcast %add3A_406 : i32 to vector<16xi32>
        %add3A_408 = arith.addi %xor3A_400, %add3A_407 : vector<16xi32>
        %add3A_409 = arith.addi %add3A_403, %add3A_408 : vector<16xi32>
        %shift_left3A_410 = arith.constant 17 : i32
        %shift_left3A_411 = vector.broadcast %shift_left3A_410 : i32 to vector<16xi32>
        %shift_left3A_412 = arith.shli %add3A_408, %shift_left3A_411 : vector<16xi32>
        %shift_right_logical3A_413 = arith.constant 15 : i32
        %shift_right_logical3A_414 = vector.broadcast %shift_right_logical3A_413 : i32 to vector<16xi32>
        %shift_right_logical3A_415 = arith.shrui %add3A_408, %shift_right_logical3A_414 : vector<16xi32>
        %or3A_416 = arith.ori %shift_left3A_412, %shift_right_logical3A_415 : vector<16xi32>
        %xor3A_417 = arith.xori %add3A_409, %or3A_416 : vector<16xi32>
        %add3A_418 = arith.addi %add3A_409, %xor3A_417 : vector<16xi32>
        %shift_left3A_419 = arith.constant 29 : i32
        %shift_left3A_420 = vector.broadcast %shift_left3A_419 : i32 to vector<16xi32>
        %shift_left3A_421 = arith.shli %xor3A_417, %shift_left3A_420 : vector<16xi32>
        %shift_right_logical3A_422 = arith.constant 3 : i32
        %shift_right_logical3A_423 = vector.broadcast %shift_right_logical3A_422 : i32 to vector<16xi32>
        %shift_right_logical3A_424 = arith.shrui %xor3A_417, %shift_right_logical3A_423 : vector<16xi32>
        %or3A_425 = arith.ori %shift_left3A_421, %shift_right_logical3A_424 : vector<16xi32>
        %xor3A_426 = arith.xori %add3A_418, %or3A_425 : vector<16xi32>
        %add3A_427 = arith.addi %add3A_418, %xor3A_426 : vector<16xi32>
        %shift_left3A_428 = arith.constant 16 : i32
        %shift_left3A_429 = vector.broadcast %shift_left3A_428 : i32 to vector<16xi32>
        %shift_left3A_430 = arith.shli %xor3A_426, %shift_left3A_429 : vector<16xi32>
        %shift_right_logical3A_431 = arith.constant 16 : i32
        %shift_right_logical3A_432 = vector.broadcast %shift_right_logical3A_431 : i32 to vector<16xi32>
        %shift_right_logical3A_433 = arith.shrui %xor3A_426, %shift_right_logical3A_432 : vector<16xi32>
        %or3A_434 = arith.ori %shift_left3A_430, %shift_right_logical3A_433 : vector<16xi32>
        %xor3A_435 = arith.xori %add3A_427, %or3A_434 : vector<16xi32>
        %add3A_436 = arith.addi %add3A_427, %xor3A_435 : vector<16xi32>
        %shift_left3A_437 = arith.constant 24 : i32
        %shift_left3A_438 = vector.broadcast %shift_left3A_437 : i32 to vector<16xi32>
        %shift_left3A_439 = arith.shli %xor3A_435, %shift_left3A_438 : vector<16xi32>
        %shift_right_logical3A_440 = arith.constant 8 : i32
        %shift_right_logical3A_441 = vector.broadcast %shift_right_logical3A_440 : i32 to vector<16xi32>
        %shift_right_logical3A_442 = arith.shrui %xor3A_435, %shift_right_logical3A_441 : vector<16xi32>
        %or3A_443 = arith.ori %shift_left3A_439, %shift_right_logical3A_442 : vector<16xi32>
        %xor3A_444 = arith.xori %add3A_436, %or3A_443 : vector<16xi32>
        %add3A_445 = arith.constant 42 : i32
        %add3A_446 = vector.broadcast %add3A_445 : i32 to vector<16xi32>
        %add3A_447 = arith.addi %add3A_436, %add3A_446 : vector<16xi32>
        %add3A_448 = arith.constant 4 : i32
        %add3A_449 = arith.addi %xor3A_271, %add3A_448 : i32
        %add3A_450 = vector.broadcast %add3A_449 : i32 to vector<16xi32>
        %add3A_451 = arith.addi %xor3A_444, %add3A_450 : vector<16xi32>
        %add3A_452 = arith.addi %add3A_447, %add3A_451 : vector<16xi32>
        %shift_left3A_453 = arith.constant 13 : i32
        %shift_left3A_454 = vector.broadcast %shift_left3A_453 : i32 to vector<16xi32>
        %shift_left3A_455 = arith.shli %add3A_451, %shift_left3A_454 : vector<16xi32>
        %shift_right_logical3A_456 = arith.constant 19 : i32
        %shift_right_logical3A_457 = vector.broadcast %shift_right_logical3A_456 : i32 to vector<16xi32>
        %shift_right_logical3A_458 = arith.shrui %add3A_451, %shift_right_logical3A_457 : vector<16xi32>
        %or3A_459 = arith.ori %shift_left3A_455, %shift_right_logical3A_458 : vector<16xi32>
        %xor3A_460 = arith.xori %add3A_452, %or3A_459 : vector<16xi32>
        %add3A_461 = arith.addi %add3A_452, %xor3A_460 : vector<16xi32>
        %shift_left3A_462 = arith.constant 15 : i32
        %shift_left3A_463 = vector.broadcast %shift_left3A_462 : i32 to vector<16xi32>
        %shift_left3A_464 = arith.shli %xor3A_460, %shift_left3A_463 : vector<16xi32>
        %shift_right_logical3A_465 = arith.constant 17 : i32
        %shift_right_logical3A_466 = vector.broadcast %shift_right_logical3A_465 : i32 to vector<16xi32>
        %shift_right_logical3A_467 = arith.shrui %xor3A_460, %shift_right_logical3A_466 : vector<16xi32>
        %or3A_468 = arith.ori %shift_left3A_464, %shift_right_logical3A_467 : vector<16xi32>
        %xor3A_469 = arith.xori %add3A_461, %or3A_468 : vector<16xi32>
        %add3A_470 = arith.addi %add3A_461, %xor3A_469 : vector<16xi32>
        %shift_left3A_471 = arith.constant 26 : i32
        %shift_left3A_472 = vector.broadcast %shift_left3A_471 : i32 to vector<16xi32>
        %shift_left3A_473 = arith.shli %xor3A_469, %shift_left3A_472 : vector<16xi32>
        %shift_right_logical3A_474 = arith.constant 6 : i32
        %shift_right_logical3A_475 = vector.broadcast %shift_right_logical3A_474 : i32 to vector<16xi32>
        %shift_right_logical3A_476 = arith.shrui %xor3A_469, %shift_right_logical3A_475 : vector<16xi32>
        %or3A_477 = arith.ori %shift_left3A_473, %shift_right_logical3A_476 : vector<16xi32>
        %xor3A_478 = arith.xori %add3A_470, %or3A_477 : vector<16xi32>
        %add3A_479 = arith.addi %add3A_470, %xor3A_478 : vector<16xi32>
        %shift_left3A_480 = arith.constant 6 : i32
        %shift_left3A_481 = vector.broadcast %shift_left3A_480 : i32 to vector<16xi32>
        %shift_left3A_482 = arith.shli %xor3A_478, %shift_left3A_481 : vector<16xi32>
        %shift_right_logical3A_483 = arith.constant 26 : i32
        %shift_right_logical3A_484 = vector.broadcast %shift_right_logical3A_483 : i32 to vector<16xi32>
        %shift_right_logical3A_485 = arith.shrui %xor3A_478, %shift_right_logical3A_484 : vector<16xi32>
        %or3A_486 = arith.ori %shift_left3A_482, %shift_right_logical3A_485 : vector<16xi32>
        %xor3A_487 = arith.xori %add3A_479, %or3A_486 : vector<16xi32>
        %add3A_488 = vector.broadcast %xor3A_271 : i32 to vector<16xi32>
        %add3A_489 = arith.addi %add3A_479, %add3A_488 : vector<16xi32>
        %add3A_490 = arith.constant 0 : i32
        %add3A_491 = arith.constant 5 : i32
        %add3A_492 = arith.addi %add3A_490, %add3A_491 : i32
        %add3A_493 = vector.broadcast %add3A_492 : i32 to vector<16xi32>
        %add3A_494 = arith.addi %xor3A_487, %add3A_493 : vector<16xi32>
        %xor3A_495 = arith.xori %add3A_489, %add3A_494 : vector<16xi32>
        %swap3A_496 = arith.index_cast %scan3A_25 : i32 to index
        %swap3A_497 = arith.constant 16 : index
        %swap3A_498 = tpu.vector_load %arg3[%swap3A_496, %swap3A_497] {strides = array<i32>} : memref<64x128xi32, #tpu.memory_space<vmem>>, vector<1x16xi32>,
        %swap3A_499 = vector.shape_cast %swap3A_498 : vector<1x16xi32> to vector<16xi32>
        %swap3A_500 = vector.shape_cast %xor3A_495 : vector<16xi32> to vector<1x16xi32>
        tpu.vector_store %arg3[%swap3A_496, %swap3A_497], %swap3A_500 {strides = array<i32>} : memref<64x128xi32, #tpu.memory_space<vmem>>, vector<1x16xi32>,
        %add3A_501 = arith.constant 3200000 : i32
        %add3A_502 = arith.addi %add3A_29, %add3A_501 : i32
        %add3A_503 = vector.broadcast %add3A_502 : i32 to vector<16xi32>
        %add3A_504 = arith.addi %mul3A_9, %add3A_503 : vector<16xi32>
        %xor3A_505 = arith.constant 0 : i32
        %xor3A_506 = arith.constant 42 : i32
        %xor3A_507 = arith.xori %xor3A_505, %xor3A_506 : i32
        %xor3A_508 = arith.constant 466688986 : i32
        %xor3A_509 = arith.xori %xor3A_507, %xor3A_508 : i32
        %add3A_510 = arith.constant 0 : i32
        %add3A_511 = arith.constant 0 : i32
        %add3A_512 = arith.addi %add3A_510, %add3A_511 : i32
        %add3A_513 = arith.constant 42 : i32
        %add3A_514 = vector.broadcast %add3A_513 : i32 to vector<16xi32>
        %add3A_515 = arith.addi %add3A_504, %add3A_514 : vector<16xi32>
        %add3A_516 = vector.broadcast %add3A_512 : i32 to vector<16xi32>
        %add3A_517 = arith.addi %add3A_516, %add3A_515 : vector<16xi32>
        %shift_left3A_518 = arith.constant 13 : i32
        %shift_left3A_519 = vector.broadcast %shift_left3A_518 : i32 to vector<16xi32>
        %shift_left3A_520 = arith.shli %add3A_515, %shift_left3A_519 : vector<16xi32>
        %shift_right_logical3A_521 = arith.constant 19 : i32
        %shift_right_logical3A_522 = vector.broadcast %shift_right_logical3A_521 : i32 to vector<16xi32>
        %shift_right_logical3A_523 = arith.shrui %add3A_515, %shift_right_logical3A_522 : vector<16xi32>
        %or3A_524 = arith.ori %shift_left3A_520, %shift_right_logical3A_523 : vector<16xi32>
        %xor3A_525 = arith.xori %add3A_517, %or3A_524 : vector<16xi32>
        %add3A_526 = arith.addi %add3A_517, %xor3A_525 : vector<16xi32>
        %shift_left3A_527 = arith.constant 15 : i32
        %shift_left3A_528 = vector.broadcast %shift_left3A_527 : i32 to vector<16xi32>
        %shift_left3A_529 = arith.shli %xor3A_525, %shift_left3A_528 : vector<16xi32>
        %shift_right_logical3A_530 = arith.constant 17 : i32
        %shift_right_logical3A_531 = vector.broadcast %shift_right_logical3A_530 : i32 to vector<16xi32>
        %shift_right_logical3A_532 = arith.shrui %xor3A_525, %shift_right_logical3A_531 : vector<16xi32>
        %or3A_533 = arith.ori %shift_left3A_529, %shift_right_logical3A_532 : vector<16xi32>
        %xor3A_534 = arith.xori %add3A_526, %or3A_533 : vector<16xi32>
        %add3A_535 = arith.addi %add3A_526, %xor3A_534 : vector<16xi32>
        %shift_left3A_536 = arith.constant 26 : i32
        %shift_left3A_537 = vector.broadcast %shift_left3A_536 : i32 to vector<16xi32>
        %shift_left3A_538 = arith.shli %xor3A_534, %shift_left3A_537 : vector<16xi32>
        %shift_right_logical3A_539 = arith.constant 6 : i32
        %shift_right_logical3A_540 = vector.broadcast %shift_right_logical3A_539 : i32 to vector<16xi32>
        %shift_right_logical3A_541 = arith.shrui %xor3A_534, %shift_right_logical3A_540 : vector<16xi32>
        %or3A_542 = arith.ori %shift_left3A_538, %shift_right_logical3A_541 : vector<16xi32>
        %xor3A_543 = arith.xori %add3A_535, %or3A_542 : vector<16xi32>
        %add3A_544 = arith.addi %add3A_535, %xor3A_543 : vector<16xi32>
        %shift_left3A_545 = arith.constant 6 : i32
        %shift_left3A_546 = vector.broadcast %shift_left3A_545 : i32 to vector<16xi32>
        %shift_left3A_547 = arith.shli %xor3A_543, %shift_left3A_546 : vector<16xi32>
        %shift_right_logical3A_548 = arith.constant 26 : i32
        %shift_right_logical3A_549 = vector.broadcast %shift_right_logical3A_548 : i32 to vector<16xi32>
        %shift_right_logical3A_550 = arith.shrui %xor3A_543, %shift_right_logical3A_549 : vector<16xi32>
        %or3A_551 = arith.ori %shift_left3A_547, %shift_right_logical3A_550 : vector<16xi32>
        %xor3A_552 = arith.xori %add3A_544, %or3A_551 : vector<16xi32>
        %add3A_553 = arith.constant 42 : i32
        %add3A_554 = vector.broadcast %add3A_553 : i32 to vector<16xi32>
        %add3A_555 = arith.addi %add3A_544, %add3A_554 : vector<16xi32>
        %add3A_556 = arith.constant 1 : i32
        %add3A_557 = arith.addi %xor3A_509, %add3A_556 : i32
        %add3A_558 = vector.broadcast %add3A_557 : i32 to vector<16xi32>
        %add3A_559 = arith.addi %xor3A_552, %add3A_558 : vector<16xi32>
        %add3A_560 = arith.addi %add3A_555, %add3A_559 : vector<16xi32>
        %shift_left3A_561 = arith.constant 17 : i32
        %shift_left3A_562 = vector.broadcast %shift_left3A_561 : i32 to vector<16xi32>
        %shift_left3A_563 = arith.shli %add3A_559, %shift_left3A_562 : vector<16xi32>
        %shift_right_logical3A_564 = arith.constant 15 : i32
        %shift_right_logical3A_565 = vector.broadcast %shift_right_logical3A_564 : i32 to vector<16xi32>
        %shift_right_logical3A_566 = arith.shrui %add3A_559, %shift_right_logical3A_565 : vector<16xi32>
        %or3A_567 = arith.ori %shift_left3A_563, %shift_right_logical3A_566 : vector<16xi32>
        %xor3A_568 = arith.xori %add3A_560, %or3A_567 : vector<16xi32>
        %add3A_569 = arith.addi %add3A_560, %xor3A_568 : vector<16xi32>
        %shift_left3A_570 = arith.constant 29 : i32
        %shift_left3A_571 = vector.broadcast %shift_left3A_570 : i32 to vector<16xi32>
        %shift_left3A_572 = arith.shli %xor3A_568, %shift_left3A_571 : vector<16xi32>
        %shift_right_logical3A_573 = arith.constant 3 : i32
        %shift_right_logical3A_574 = vector.broadcast %shift_right_logical3A_573 : i32 to vector<16xi32>
        %shift_right_logical3A_575 = arith.shrui %xor3A_568, %shift_right_logical3A_574 : vector<16xi32>
        %or3A_576 = arith.ori %shift_left3A_572, %shift_right_logical3A_575 : vector<16xi32>
        %xor3A_577 = arith.xori %add3A_569, %or3A_576 : vector<16xi32>
        %add3A_578 = arith.addi %add3A_569, %xor3A_577 : vector<16xi32>
        %shift_left3A_579 = arith.constant 16 : i32
        %shift_left3A_580 = vector.broadcast %shift_left3A_579 : i32 to vector<16xi32>
        %shift_left3A_581 = arith.shli %xor3A_577, %shift_left3A_580 : vector<16xi32>
        %shift_right_logical3A_582 = arith.constant 16 : i32
        %shift_right_logical3A_583 = vector.broadcast %shift_right_logical3A_582 : i32 to vector<16xi32>
        %shift_right_logical3A_584 = arith.shrui %xor3A_577, %shift_right_logical3A_583 : vector<16xi32>
        %or3A_585 = arith.ori %shift_left3A_581, %shift_right_logical3A_584 : vector<16xi32>
        %xor3A_586 = arith.xori %add3A_578, %or3A_585 : vector<16xi32>
        %add3A_587 = arith.addi %add3A_578, %xor3A_586 : vector<16xi32>
        %shift_left3A_588 = arith.constant 24 : i32
        %shift_left3A_589 = vector.broadcast %shift_left3A_588 : i32 to vector<16xi32>
        %shift_left3A_590 = arith.shli %xor3A_586, %shift_left3A_589 : vector<16xi32>
        %shift_right_logical3A_591 = arith.constant 8 : i32
        %shift_right_logical3A_592 = vector.broadcast %shift_right_logical3A_591 : i32 to vector<16xi32>
        %shift_right_logical3A_593 = arith.shrui %xor3A_586, %shift_right_logical3A_592 : vector<16xi32>
        %or3A_594 = arith.ori %shift_left3A_590, %shift_right_logical3A_593 : vector<16xi32>
        %xor3A_595 = arith.xori %add3A_587, %or3A_594 : vector<16xi32>
        %add3A_596 = vector.broadcast %xor3A_509 : i32 to vector<16xi32>
        %add3A_597 = arith.addi %add3A_587, %add3A_596 : vector<16xi32>
        %add3A_598 = arith.constant 0 : i32
        %add3A_599 = arith.constant 2 : i32
        %add3A_600 = arith.addi %add3A_598, %add3A_599 : i32
        %add3A_601 = vector.broadcast %add3A_600 : i32 to vector<16xi32>
        %add3A_602 = arith.addi %xor3A_595, %add3A_601 : vector<16xi32>
        %add3A_603 = arith.addi %add3A_597, %add3A_602 : vector<16xi32>
        %shift_left3A_604 = arith.constant 13 : i32
        %shift_left3A_605 = vector.broadcast %shift_left3A_604 : i32 to vector<16xi32>
        %shift_left3A_606 = arith.shli %add3A_602, %shift_left3A_605 : vector<16xi32>
        %shift_right_logical3A_607 = arith.constant 19 : i32
        %shift_right_logical3A_608 = vector.broadcast %shift_right_logical3A_607 : i32 to vector<16xi32>
        %shift_right_logical3A_609 = arith.shrui %add3A_602, %shift_right_logical3A_608 : vector<16xi32>
        %or3A_610 = arith.ori %shift_left3A_606, %shift_right_logical3A_609 : vector<16xi32>
        %xor3A_611 = arith.xori %add3A_603, %or3A_610 : vector<16xi32>
        %add3A_612 = arith.addi %add3A_603, %xor3A_611 : vector<16xi32>
        %shift_left3A_613 = arith.constant 15 : i32
        %shift_left3A_614 = vector.broadcast %shift_left3A_613 : i32 to vector<16xi32>
        %shift_left3A_615 = arith.shli %xor3A_611, %shift_left3A_614 : vector<16xi32>
        %shift_right_logical3A_616 = arith.constant 17 : i32
        %shift_right_logical3A_617 = vector.broadcast %shift_right_logical3A_616 : i32 to vector<16xi32>
        %shift_right_logical3A_618 = arith.shrui %xor3A_611, %shift_right_logical3A_617 : vector<16xi32>
        %or3A_619 = arith.ori %shift_left3A_615, %shift_right_logical3A_618 : vector<16xi32>
        %xor3A_620 = arith.xori %add3A_612, %or3A_619 : vector<16xi32>
        %add3A_621 = arith.addi %add3A_612, %xor3A_620 : vector<16xi32>
        %shift_left3A_622 = arith.constant 26 : i32
        %shift_left3A_623 = vector.broadcast %shift_left3A_622 : i32 to vector<16xi32>
        %shift_left3A_624 = arith.shli %xor3A_620, %shift_left3A_623 : vector<16xi32>
        %shift_right_logical3A_625 = arith.constant 6 : i32
        %shift_right_logical3A_626 = vector.broadcast %shift_right_logical3A_625 : i32 to vector<16xi32>
        %shift_right_logical3A_627 = arith.shrui %xor3A_620, %shift_right_logical3A_626 : vector<16xi32>
        %or3A_628 = arith.ori %shift_left3A_624, %shift_right_logical3A_627 : vector<16xi32>
        %xor3A_629 = arith.xori %add3A_621, %or3A_628 : vector<16xi32>
        %add3A_630 = arith.addi %add3A_621, %xor3A_629 : vector<16xi32>
        %shift_left3A_631 = arith.constant 6 : i32
        %shift_left3A_632 = vector.broadcast %shift_left3A_631 : i32 to vector<16xi32>
        %shift_left3A_633 = arith.shli %xor3A_629, %shift_left3A_632 : vector<16xi32>
        %shift_right_logical3A_634 = arith.constant 26 : i32
        %shift_right_logical3A_635 = vector.broadcast %shift_right_logical3A_634 : i32 to vector<16xi32>
        %shift_right_logical3A_636 = arith.shrui %xor3A_629, %shift_right_logical3A_635 : vector<16xi32>
        %or3A_637 = arith.ori %shift_left3A_633, %shift_right_logical3A_636 : vector<16xi32>
        %xor3A_638 = arith.xori %add3A_630, %or3A_637 : vector<16xi32>
        %add3A_639 = arith.constant 0 : i32
        %add3A_640 = vector.broadcast %add3A_639 : i32 to vector<16xi32>
        %add3A_641 = arith.addi %add3A_630, %add3A_640 : vector<16xi32>
        %add3A_642 = arith.constant 42 : i32
        %add3A_643 = arith.constant 3 : i32
        %add3A_644 = arith.addi %add3A_642, %add3A_643 : i32
        %add3A_645 = vector.broadcast %add3A_644 : i32 to vector<16xi32>
        %add3A_646 = arith.addi %xor3A_638, %add3A_645 : vector<16xi32>
        %add3A_647 = arith.addi %add3A_641, %add3A_646 : vector<16xi32>
        %shift_left3A_648 = arith.constant 17 : i32
        %shift_left3A_649 = vector.broadcast %shift_left3A_648 : i32 to vector<16xi32>
        %shift_left3A_650 = arith.shli %add3A_646, %shift_left3A_649 : vector<16xi32>
        %shift_right_logical3A_651 = arith.constant 15 : i32
        %shift_right_logical3A_652 = vector.broadcast %shift_right_logical3A_651 : i32 to vector<16xi32>
        %shift_right_logical3A_653 = arith.shrui %add3A_646, %shift_right_logical3A_652 : vector<16xi32>
        %or3A_654 = arith.ori %shift_left3A_650, %shift_right_logical3A_653 : vector<16xi32>
        %xor3A_655 = arith.xori %add3A_647, %or3A_654 : vector<16xi32>
        %add3A_656 = arith.addi %add3A_647, %xor3A_655 : vector<16xi32>
        %shift_left3A_657 = arith.constant 29 : i32
        %shift_left3A_658 = vector.broadcast %shift_left3A_657 : i32 to vector<16xi32>
        %shift_left3A_659 = arith.shli %xor3A_655, %shift_left3A_658 : vector<16xi32>
        %shift_right_logical3A_660 = arith.constant 3 : i32
        %shift_right_logical3A_661 = vector.broadcast %shift_right_logical3A_660 : i32 to vector<16xi32>
        %shift_right_logical3A_662 = arith.shrui %xor3A_655, %shift_right_logical3A_661 : vector<16xi32>
        %or3A_663 = arith.ori %shift_left3A_659, %shift_right_logical3A_662 : vector<16xi32>
        %xor3A_664 = arith.xori %add3A_656, %or3A_663 : vector<16xi32>
        %add3A_665 = arith.addi %add3A_656, %xor3A_664 : vector<16xi32>
        %shift_left3A_666 = arith.constant 16 : i32
        %shift_left3A_667 = vector.broadcast %shift_left3A_666 : i32 to vector<16xi32>
        %shift_left3A_668 = arith.shli %xor3A_664, %shift_left3A_667 : vector<16xi32>
        %shift_right_logical3A_669 = arith.constant 16 : i32
        %shift_right_logical3A_670 = vector.broadcast %shift_right_logical3A_669 : i32 to vector<16xi32>
        %shift_right_logical3A_671 = arith.shrui %xor3A_664, %shift_right_logical3A_670 : vector<16xi32>
        %or3A_672 = arith.ori %shift_left3A_668, %shift_right_logical3A_671 : vector<16xi32>
        %xor3A_673 = arith.xori %add3A_665, %or3A_672 : vector<16xi32>
        %add3A_674 = arith.addi %add3A_665, %xor3A_673 : vector<16xi32>
        %shift_left3A_675 = arith.constant 24 : i32
        %shift_left3A_676 = vector.broadcast %shift_left3A_675 : i32 to vector<16xi32>
        %shift_left3A_677 = arith.shli %xor3A_673, %shift_left3A_676 : vector<16xi32>
        %shift_right_logical3A_678 = arith.constant 8 : i32
        %shift_right_logical3A_679 = vector.broadcast %shift_right_logical3A_678 : i32 to vector<16xi32>
        %shift_right_logical3A_680 = arith.shrui %xor3A_673, %shift_right_logical3A_679 : vector<16xi32>
        %or3A_681 = arith.ori %shift_left3A_677, %shift_right_logical3A_680 : vector<16xi32>
        %xor3A_682 = arith.xori %add3A_674, %or3A_681 : vector<16xi32>
        %add3A_683 = arith.constant 42 : i32
        %add3A_684 = vector.broadcast %add3A_683 : i32 to vector<16xi32>
        %add3A_685 = arith.addi %add3A_674, %add3A_684 : vector<16xi32>
        %add3A_686 = arith.constant 4 : i32
        %add3A_687 = arith.addi %xor3A_509, %add3A_686 : i32
        %add3A_688 = vector.broadcast %add3A_687 : i32 to vector<16xi32>
        %add3A_689 = arith.addi %xor3A_682, %add3A_688 : vector<16xi32>
        %add3A_690 = arith.addi %add3A_685, %add3A_689 : vector<16xi32>
        %shift_left3A_691 = arith.constant 13 : i32
        %shift_left3A_692 = vector.broadcast %shift_left3A_691 : i32 to vector<16xi32>
        %shift_left3A_693 = arith.shli %add3A_689, %shift_left3A_692 : vector<16xi32>
        %shift_right_logical3A_694 = arith.constant 19 : i32
        %shift_right_logical3A_695 = vector.broadcast %shift_right_logical3A_694 : i32 to vector<16xi32>
        %shift_right_logical3A_696 = arith.shrui %add3A_689, %shift_right_logical3A_695 : vector<16xi32>
        %or3A_697 = arith.ori %shift_left3A_693, %shift_right_logical3A_696 : vector<16xi32>
        %xor3A_698 = arith.xori %add3A_690, %or3A_697 : vector<16xi32>
        %add3A_699 = arith.addi %add3A_690, %xor3A_698 : vector<16xi32>
        %shift_left3A_700 = arith.constant 15 : i32
        %shift_left3A_701 = vector.broadcast %shift_left3A_700 : i32 to vector<16xi32>
        %shift_left3A_702 = arith.shli %xor3A_698, %shift_left3A_701 : vector<16xi32>
        %shift_right_logical3A_703 = arith.constant 17 : i32
        %shift_right_logical3A_704 = vector.broadcast %shift_right_logical3A_703 : i32 to vector<16xi32>
        %shift_right_logical3A_705 = arith.shrui %xor3A_698, %shift_right_logical3A_704 : vector<16xi32>
        %or3A_706 = arith.ori %shift_left3A_702, %shift_right_logical3A_705 : vector<16xi32>
        %xor3A_707 = arith.xori %add3A_699, %or3A_706 : vector<16xi32>
        %add3A_708 = arith.addi %add3A_699, %xor3A_707 : vector<16xi32>
        %shift_left3A_709 = arith.constant 26 : i32
        %shift_left3A_710 = vector.broadcast %shift_left3A_709 : i32 to vector<16xi32>
        %shift_left3A_711 = arith.shli %xor3A_707, %shift_left3A_710 : vector<16xi32>
        %shift_right_logical3A_712 = arith.constant 6 : i32
        %shift_right_logical3A_713 = vector.broadcast %shift_right_logical3A_712 : i32 to vector<16xi32>
        %shift_right_logical3A_714 = arith.shrui %xor3A_707, %shift_right_logical3A_713 : vector<16xi32>
        %or3A_715 = arith.ori %shift_left3A_711, %shift_right_logical3A_714 : vector<16xi32>
        %xor3A_716 = arith.xori %add3A_708, %or3A_715 : vector<16xi32>
        %add3A_717 = arith.addi %add3A_708, %xor3A_716 : vector<16xi32>
        %shift_left3A_718 = arith.constant 6 : i32
        %shift_left3A_719 = vector.broadcast %shift_left3A_718 : i32 to vector<16xi32>
        %shift_left3A_720 = arith.shli %xor3A_716, %shift_left3A_719 : vector<16xi32>
        %shift_right_logical3A_721 = arith.constant 26 : i32
        %shift_right_logical3A_722 = vector.broadcast %shift_right_logical3A_721 : i32 to vector<16xi32>
        %shift_right_logical3A_723 = arith.shrui %xor3A_716, %shift_right_logical3A_722 : vector<16xi32>
        %or3A_724 = arith.ori %shift_left3A_720, %shift_right_logical3A_723 : vector<16xi32>
        %xor3A_725 = arith.xori %add3A_717, %or3A_724 : vector<16xi32>
        %add3A_726 = vector.broadcast %xor3A_509 : i32 to vector<16xi32>
        %add3A_727 = arith.addi %add3A_717, %add3A_726 : vector<16xi32>
        %add3A_728 = arith.constant 0 : i32
        %add3A_729 = arith.constant 5 : i32
        %add3A_730 = arith.addi %add3A_728, %add3A_729 : i32
        %add3A_731 = vector.broadcast %add3A_730 : i32 to vector<16xi32>
        %add3A_732 = arith.addi %xor3A_725, %add3A_731 : vector<16xi32>
        %xor3A_733 = arith.xori %add3A_727, %add3A_732 : vector<16xi32>
        %swap3A_734 = arith.index_cast %scan3A_25 : i32 to index
        %swap3A_735 = arith.constant 32 : index
        %swap3A_736 = tpu.vector_load %arg3[%swap3A_734, %swap3A_735] {strides = array<i32>} : memref<64x128xi32, #tpu.memory_space<vmem>>, vector<1x16xi32>,
        %swap3A_737 = vector.shape_cast %swap3A_736 : vector<1x16xi32> to vector<16xi32>
        %swap3A_738 = vector.shape_cast %xor3A_733 : vector<16xi32> to vector<1x16xi32>
        tpu.vector_store %arg3[%swap3A_734, %swap3A_735], %swap3A_738 {strides = array<i32>} : memref<64x128xi32, #tpu.memory_space<vmem>>, vector<1x16xi32>,
        %add3A_739 = arith.constant 4800000 : i32
        %add3A_740 = arith.addi %add3A_29, %add3A_739 : i32
        %add3A_741 = vector.broadcast %add3A_740 : i32 to vector<16xi32>
        %add3A_742 = arith.addi %mul3A_9, %add3A_741 : vector<16xi32>
        %xor3A_743 = arith.constant 0 : i32
        %xor3A_744 = arith.constant 42 : i32
        %xor3A_745 = arith.xori %xor3A_743, %xor3A_744 : i32
        %xor3A_746 = arith.constant 466688986 : i32
        %xor3A_747 = arith.xori %xor3A_745, %xor3A_746 : i32
        %add3A_748 = arith.constant 0 : i32
        %add3A_749 = arith.constant 0 : i32
        %add3A_750 = arith.addi %add3A_748, %add3A_749 : i32
        %add3A_751 = arith.constant 42 : i32
        %add3A_752 = vector.broadcast %add3A_751 : i32 to vector<16xi32>
        %add3A_753 = arith.addi %add3A_742, %add3A_752 : vector<16xi32>
        %add3A_754 = vector.broadcast %add3A_750 : i32 to vector<16xi32>
        %add3A_755 = arith.addi %add3A_754, %add3A_753 : vector<16xi32>
        %shift_left3A_756 = arith.constant 13 : i32
        %shift_left3A_757 = vector.broadcast %shift_left3A_756 : i32 to vector<16xi32>
        %shift_left3A_758 = arith.shli %add3A_753, %shift_left3A_757 : vector<16xi32>
        %shift_right_logical3A_759 = arith.constant 19 : i32
        %shift_right_logical3A_760 = vector.broadcast %shift_right_logical3A_759 : i32 to vector<16xi32>
        %shift_right_logical3A_761 = arith.shrui %add3A_753, %shift_right_logical3A_760 : vector<16xi32>
        %or3A_762 = arith.ori %shift_left3A_758, %shift_right_logical3A_761 : vector<16xi32>
        %xor3A_763 = arith.xori %add3A_755, %or3A_762 : vector<16xi32>
        %add3A_764 = arith.addi %add3A_755, %xor3A_763 : vector<16xi32>
        %shift_left3A_765 = arith.constant 15 : i32
        %shift_left3A_766 = vector.broadcast %shift_left3A_765 : i32 to vector<16xi32>
        %shift_left3A_767 = arith.shli %xor3A_763, %shift_left3A_766 : vector<16xi32>
        %shift_right_logical3A_768 = arith.constant 17 : i32
        %shift_right_logical3A_769 = vector.broadcast %shift_right_logical3A_768 : i32 to vector<16xi32>
        %shift_right_logical3A_770 = arith.shrui %xor3A_763, %shift_right_logical3A_769 : vector<16xi32>
        %or3A_771 = arith.ori %shift_left3A_767, %shift_right_logical3A_770 : vector<16xi32>
        %xor3A_772 = arith.xori %add3A_764, %or3A_771 : vector<16xi32>
        %add3A_773 = arith.addi %add3A_764, %xor3A_772 : vector<16xi32>
        %shift_left3A_774 = arith.constant 26 : i32
        %shift_left3A_775 = vector.broadcast %shift_left3A_774 : i32 to vector<16xi32>
        %shift_left3A_776 = arith.shli %xor3A_772, %shift_left3A_775 : vector<16xi32>
        %shift_right_logical3A_777 = arith.constant 6 : i32
        %shift_right_logical3A_778 = vector.broadcast %shift_right_logical3A_777 : i32 to vector<16xi32>
        %shift_right_logical3A_779 = arith.shrui %xor3A_772, %shift_right_logical3A_778 : vector<16xi32>
        %or3A_780 = arith.ori %shift_left3A_776, %shift_right_logical3A_779 : vector<16xi32>
        %xor3A_781 = arith.xori %add3A_773, %or3A_780 : vector<16xi32>
        %add3A_782 = arith.addi %add3A_773, %xor3A_781 : vector<16xi32>
        %shift_left3A_783 = arith.constant 6 : i32
        %shift_left3A_784 = vector.broadcast %shift_left3A_783 : i32 to vector<16xi32>
        %shift_left3A_785 = arith.shli %xor3A_781, %shift_left3A_784 : vector<16xi32>
        %shift_right_logical3A_786 = arith.constant 26 : i32
        %shift_right_logical3A_787 = vector.broadcast %shift_right_logical3A_786 : i32 to vector<16xi32>
        %shift_right_logical3A_788 = arith.shrui %xor3A_781, %shift_right_logical3A_787 : vector<16xi32>
        %or3A_789 = arith.ori %shift_left3A_785, %shift_right_logical3A_788 : vector<16xi32>
        %xor3A_790 = arith.xori %add3A_782, %or3A_789 : vector<16xi32>
        %add3A_791 = arith.constant 42 : i32
        %add3A_792 = vector.broadcast %add3A_791 : i32 to vector<16xi32>
        %add3A_793 = arith.addi %add3A_782, %add3A_792 : vector<16xi32>
        %add3A_794 = arith.constant 1 : i32
        %add3A_795 = arith.addi %xor3A_747, %add3A_794 : i32
        %add3A_796 = vector.broadcast %add3A_795 : i32 to vector<16xi32>
        %add3A_797 = arith.addi %xor3A_790, %add3A_796 : vector<16xi32>
        %add3A_798 = arith.addi %add3A_793, %add3A_797 : vector<16xi32>
        %shift_left3A_799 = arith.constant 17 : i32
        %shift_left3A_800 = vector.broadcast %shift_left3A_799 : i32 to vector<16xi32>
        %shift_left3A_801 = arith.shli %add3A_797, %shift_left3A_800 : vector<16xi32>
        %shift_right_logical3A_802 = arith.constant 15 : i32
        %shift_right_logical3A_803 = vector.broadcast %shift_right_logical3A_802 : i32 to vector<16xi32>
        %shift_right_logical3A_804 = arith.shrui %add3A_797, %shift_right_logical3A_803 : vector<16xi32>
        %or3A_805 = arith.ori %shift_left3A_801, %shift_right_logical3A_804 : vector<16xi32>
        %xor3A_806 = arith.xori %add3A_798, %or3A_805 : vector<16xi32>
        %add3A_807 = arith.addi %add3A_798, %xor3A_806 : vector<16xi32>
        %shift_left3A_808 = arith.constant 29 : i32
        %shift_left3A_809 = vector.broadcast %shift_left3A_808 : i32 to vector<16xi32>
        %shift_left3A_810 = arith.shli %xor3A_806, %shift_left3A_809 : vector<16xi32>
        %shift_right_logical3A_811 = arith.constant 3 : i32
        %shift_right_logical3A_812 = vector.broadcast %shift_right_logical3A_811 : i32 to vector<16xi32>
        %shift_right_logical3A_813 = arith.shrui %xor3A_806, %shift_right_logical3A_812 : vector<16xi32>
        %or3A_814 = arith.ori %shift_left3A_810, %shift_right_logical3A_813 : vector<16xi32>
        %xor3A_815 = arith.xori %add3A_807, %or3A_814 : vector<16xi32>
        %add3A_816 = arith.addi %add3A_807, %xor3A_815 : vector<16xi32>
        %shift_left3A_817 = arith.constant 16 : i32
        %shift_left3A_818 = vector.broadcast %shift_left3A_817 : i32 to vector<16xi32>
        %shift_left3A_819 = arith.shli %xor3A_815, %shift_left3A_818 : vector<16xi32>
        %shift_right_logical3A_820 = arith.constant 16 : i32
        %shift_right_logical3A_821 = vector.broadcast %shift_right_logical3A_820 : i32 to vector<16xi32>
        %shift_right_logical3A_822 = arith.shrui %xor3A_815, %shift_right_logical3A_821 : vector<16xi32>
        %or3A_823 = arith.ori %shift_left3A_819, %shift_right_logical3A_822 : vector<16xi32>
        %xor3A_824 = arith.xori %add3A_816, %or3A_823 : vector<16xi32>
        %add3A_825 = arith.addi %add3A_816, %xor3A_824 : vector<16xi32>
        %shift_left3A_826 = arith.constant 24 : i32
        %shift_left3A_827 = vector.broadcast %shift_left3A_826 : i32 to vector<16xi32>
        %shift_left3A_828 = arith.shli %xor3A_824, %shift_left3A_827 : vector<16xi32>
        %shift_right_logical3A_829 = arith.constant 8 : i32
        %shift_right_logical3A_830 = vector.broadcast %shift_right_logical3A_829 : i32 to vector<16xi32>
        %shift_right_logical3A_831 = arith.shrui %xor3A_824, %shift_right_logical3A_830 : vector<16xi32>
        %or3A_832 = arith.ori %shift_left3A_828, %shift_right_logical3A_831 : vector<16xi32>
        %xor3A_833 = arith.xori %add3A_825, %or3A_832 : vector<16xi32>
        %add3A_834 = vector.broadcast %xor3A_747 : i32 to vector<16xi32>
        %add3A_835 = arith.addi %add3A_825, %add3A_834 : vector<16xi32>
        %add3A_836 = arith.constant 0 : i32
        %add3A_837 = arith.constant 2 : i32
        %add3A_838 = arith.addi %add3A_836, %add3A_837 : i32
        %add3A_839 = vector.broadcast %add3A_838 : i32 to vector<16xi32>
        %add3A_840 = arith.addi %xor3A_833, %add3A_839 : vector<16xi32>
        %add3A_841 = arith.addi %add3A_835, %add3A_840 : vector<16xi32>
        %shift_left3A_842 = arith.constant 13 : i32
        %shift_left3A_843 = vector.broadcast %shift_left3A_842 : i32 to vector<16xi32>
        %shift_left3A_844 = arith.shli %add3A_840, %shift_left3A_843 : vector<16xi32>
        %shift_right_logical3A_845 = arith.constant 19 : i32
        %shift_right_logical3A_846 = vector.broadcast %shift_right_logical3A_845 : i32 to vector<16xi32>
        %shift_right_logical3A_847 = arith.shrui %add3A_840, %shift_right_logical3A_846 : vector<16xi32>
        %or3A_848 = arith.ori %shift_left3A_844, %shift_right_logical3A_847 : vector<16xi32>
        %xor3A_849 = arith.xori %add3A_841, %or3A_848 : vector<16xi32>
        %add3A_850 = arith.addi %add3A_841, %xor3A_849 : vector<16xi32>
        %shift_left3A_851 = arith.constant 15 : i32
        %shift_left3A_852 = vector.broadcast %shift_left3A_851 : i32 to vector<16xi32>
        %shift_left3A_853 = arith.shli %xor3A_849, %shift_left3A_852 : vector<16xi32>
        %shift_right_logical3A_854 = arith.constant 17 : i32
        %shift_right_logical3A_855 = vector.broadcast %shift_right_logical3A_854 : i32 to vector<16xi32>
        %shift_right_logical3A_856 = arith.shrui %xor3A_849, %shift_right_logical3A_855 : vector<16xi32>
        %or3A_857 = arith.ori %shift_left3A_853, %shift_right_logical3A_856 : vector<16xi32>
        %xor3A_858 = arith.xori %add3A_850, %or3A_857 : vector<16xi32>
        %add3A_859 = arith.addi %add3A_850, %xor3A_858 : vector<16xi32>
        %shift_left3A_860 = arith.constant 26 : i32
        %shift_left3A_861 = vector.broadcast %shift_left3A_860 : i32 to vector<16xi32>
        %shift_left3A_862 = arith.shli %xor3A_858, %shift_left3A_861 : vector<16xi32>
        %shift_right_logical3A_863 = arith.constant 6 : i32
        %shift_right_logical3A_864 = vector.broadcast %shift_right_logical3A_863 : i32 to vector<16xi32>
        %shift_right_logical3A_865 = arith.shrui %xor3A_858, %shift_right_logical3A_864 : vector<16xi32>
        %or3A_866 = arith.ori %shift_left3A_862, %shift_right_logical3A_865 : vector<16xi32>
        %xor3A_867 = arith.xori %add3A_859, %or3A_866 : vector<16xi32>
        %add3A_868 = arith.addi %add3A_859, %xor3A_867 : vector<16xi32>
        %shift_left3A_869 = arith.constant 6 : i32
        %shift_left3A_870 = vector.broadcast %shift_left3A_869 : i32 to vector<16xi32>
        %shift_left3A_871 = arith.shli %xor3A_867, %shift_left3A_870 : vector<16xi32>
        %shift_right_logical3A_872 = arith.constant 26 : i32
        %shift_right_logical3A_873 = vector.broadcast %shift_right_logical3A_872 : i32 to vector<16xi32>
        %shift_right_logical3A_874 = arith.shrui %xor3A_867, %shift_right_logical3A_873 : vector<16xi32>
        %or3A_875 = arith.ori %shift_left3A_871, %shift_right_logical3A_874 : vector<16xi32>
        %xor3A_876 = arith.xori %add3A_868, %or3A_875 : vector<16xi32>
        %add3A_877 = arith.constant 0 : i32
        %add3A_878 = vector.broadcast %add3A_877 : i32 to vector<16xi32>
        %add3A_879 = arith.addi %add3A_868, %add3A_878 : vector<16xi32>
        %add3A_880 = arith.constant 42 : i32
        %add3A_881 = arith.constant 3 : i32
        %add3A_882 = arith.addi %add3A_880, %add3A_881 : i32
        %add3A_883 = vector.broadcast %add3A_882 : i32 to vector<16xi32>
        %add3A_884 = arith.addi %xor3A_876, %add3A_883 : vector<16xi32>
        %add3A_885 = arith.addi %add3A_879, %add3A_884 : vector<16xi32>
        %shift_left3A_886 = arith.constant 17 : i32
        %shift_left3A_887 = vector.broadcast %shift_left3A_886 : i32 to vector<16xi32>
        %shift_left3A_888 = arith.shli %add3A_884, %shift_left3A_887 : vector<16xi32>
        %shift_right_logical3A_889 = arith.constant 15 : i32
        %shift_right_logical3A_890 = vector.broadcast %shift_right_logical3A_889 : i32 to vector<16xi32>
        %shift_right_logical3A_891 = arith.shrui %add3A_884, %shift_right_logical3A_890 : vector<16xi32>
        %or3A_892 = arith.ori %shift_left3A_888, %shift_right_logical3A_891 : vector<16xi32>
        %xor3A_893 = arith.xori %add3A_885, %or3A_892 : vector<16xi32>
        %add3A_894 = arith.addi %add3A_885, %xor3A_893 : vector<16xi32>
        %shift_left3A_895 = arith.constant 29 : i32
        %shift_left3A_896 = vector.broadcast %shift_left3A_895 : i32 to vector<16xi32>
        %shift_left3A_897 = arith.shli %xor3A_893, %shift_left3A_896 : vector<16xi32>
        %shift_right_logical3A_898 = arith.constant 3 : i32
        %shift_right_logical3A_899 = vector.broadcast %shift_right_logical3A_898 : i32 to vector<16xi32>
        %shift_right_logical3A_900 = arith.shrui %xor3A_893, %shift_right_logical3A_899 : vector<16xi32>
        %or3A_901 = arith.ori %shift_left3A_897, %shift_right_logical3A_900 : vector<16xi32>
        %xor3A_902 = arith.xori %add3A_894, %or3A_901 : vector<16xi32>
        %add3A_903 = arith.addi %add3A_894, %xor3A_902 : vector<16xi32>
        %shift_left3A_904 = arith.constant 16 : i32
        %shift_left3A_905 = vector.broadcast %shift_left3A_904 : i32 to vector<16xi32>
        %shift_left3A_906 = arith.shli %xor3A_902, %shift_left3A_905 : vector<16xi32>
        %shift_right_logical3A_907 = arith.constant 16 : i32
        %shift_right_logical3A_908 = vector.broadcast %shift_right_logical3A_907 : i32 to vector<16xi32>
        %shift_right_logical3A_909 = arith.shrui %xor3A_902, %shift_right_logical3A_908 : vector<16xi32>
        %or3A_910 = arith.ori %shift_left3A_906, %shift_right_logical3A_909 : vector<16xi32>
        %xor3A_911 = arith.xori %add3A_903, %or3A_910 : vector<16xi32>
        %add3A_912 = arith.addi %add3A_903, %xor3A_911 : vector<16xi32>
        %shift_left3A_913 = arith.constant 24 : i32
        %shift_left3A_914 = vector.broadcast %shift_left3A_913 : i32 to vector<16xi32>
        %shift_left3A_915 = arith.shli %xor3A_911, %shift_left3A_914 : vector<16xi32>
        %shift_right_logical3A_916 = arith.constant 8 : i32
        %shift_right_logical3A_917 = vector.broadcast %shift_right_logical3A_916 : i32 to vector<16xi32>
        %shift_right_logical3A_918 = arith.shrui %xor3A_911, %shift_right_logical3A_917 : vector<16xi32>
        %or3A_919 = arith.ori %shift_left3A_915, %shift_right_logical3A_918 : vector<16xi32>
        %xor3A_920 = arith.xori %add3A_912, %or3A_919 : vector<16xi32>
        %add3A_921 = arith.constant 42 : i32
        %add3A_922 = vector.broadcast %add3A_921 : i32 to vector<16xi32>
        %add3A_923 = arith.addi %add3A_912, %add3A_922 : vector<16xi32>
        %add3A_924 = arith.constant 4 : i32
        %add3A_925 = arith.addi %xor3A_747, %add3A_924 : i32
        %add3A_926 = vector.broadcast %add3A_925 : i32 to vector<16xi32>
        %add3A_927 = arith.addi %xor3A_920, %add3A_926 : vector<16xi32>
        %add3A_928 = arith.addi %add3A_923, %add3A_927 : vector<16xi32>
        %shift_left3A_929 = arith.constant 13 : i32
        %shift_left3A_930 = vector.broadcast %shift_left3A_929 : i32 to vector<16xi32>
        %shift_left3A_931 = arith.shli %add3A_927, %shift_left3A_930 : vector<16xi32>
        %shift_right_logical3A_932 = arith.constant 19 : i32
        %shift_right_logical3A_933 = vector.broadcast %shift_right_logical3A_932 : i32 to vector<16xi32>
        %shift_right_logical3A_934 = arith.shrui %add3A_927, %shift_right_logical3A_933 : vector<16xi32>
        %or3A_935 = arith.ori %shift_left3A_931, %shift_right_logical3A_934 : vector<16xi32>
        %xor3A_936 = arith.xori %add3A_928, %or3A_935 : vector<16xi32>
        %add3A_937 = arith.addi %add3A_928, %xor3A_936 : vector<16xi32>
        %shift_left3A_938 = arith.constant 15 : i32
        %shift_left3A_939 = vector.broadcast %shift_left3A_938 : i32 to vector<16xi32>
        %shift_left3A_940 = arith.shli %xor3A_936, %shift_left3A_939 : vector<16xi32>
        %shift_right_logical3A_941 = arith.constant 17 : i32
        %shift_right_logical3A_942 = vector.broadcast %shift_right_logical3A_941 : i32 to vector<16xi32>
        %shift_right_logical3A_943 = arith.shrui %xor3A_936, %shift_right_logical3A_942 : vector<16xi32>
        %or3A_944 = arith.ori %shift_left3A_940, %shift_right_logical3A_943 : vector<16xi32>
        %xor3A_945 = arith.xori %add3A_937, %or3A_944 : vector<16xi32>
        %add3A_946 = arith.addi %add3A_937, %xor3A_945 : vector<16xi32>
        %shift_left3A_947 = arith.constant 26 : i32
        %shift_left3A_948 = vector.broadcast %shift_left3A_947 : i32 to vector<16xi32>
        %shift_left3A_949 = arith.shli %xor3A_945, %shift_left3A_948 : vector<16xi32>
        %shift_right_logical3A_950 = arith.constant 6 : i32
        %shift_right_logical3A_951 = vector.broadcast %shift_right_logical3A_950 : i32 to vector<16xi32>
        %shift_right_logical3A_952 = arith.shrui %xor3A_945, %shift_right_logical3A_951 : vector<16xi32>
        %or3A_953 = arith.ori %shift_left3A_949, %shift_right_logical3A_952 : vector<16xi32>
        %xor3A_954 = arith.xori %add3A_946, %or3A_953 : vector<16xi32>
        %add3A_955 = arith.addi %add3A_946, %xor3A_954 : vector<16xi32>
        %shift_left3A_956 = arith.constant 6 : i32
        %shift_left3A_957 = vector.broadcast %shift_left3A_956 : i32 to vector<16xi32>
        %shift_left3A_958 = arith.shli %xor3A_954, %shift_left3A_957 : vector<16xi32>
        %shift_right_logical3A_959 = arith.constant 26 : i32
        %shift_right_logical3A_960 = vector.broadcast %shift_right_logical3A_959 : i32 to vector<16xi32>
        %shift_right_logical3A_961 = arith.shrui %xor3A_954, %shift_right_logical3A_960 : vector<16xi32>
        %or3A_962 = arith.ori %shift_left3A_958, %shift_right_logical3A_961 : vector<16xi32>
        %xor3A_963 = arith.xori %add3A_955, %or3A_962 : vector<16xi32>
        %add3A_964 = vector.broadcast %xor3A_747 : i32 to vector<16xi32>
        %add3A_965 = arith.addi %add3A_955, %add3A_964 : vector<16xi32>
        %add3A_966 = arith.constant 0 : i32
        %add3A_967 = arith.constant 5 : i32
        %add3A_968 = arith.addi %add3A_966, %add3A_967 : i32
        %add3A_969 = vector.broadcast %add3A_968 : i32 to vector<16xi32>
        %add3A_970 = arith.addi %xor3A_963, %add3A_969 : vector<16xi32>
        %xor3A_971 = arith.xori %add3A_965, %add3A_970 : vector<16xi32>
        %swap3A_972 = arith.index_cast %scan3A_25 : i32 to index
        %swap3A_973 = arith.constant 48 : index
        %swap3A_974 = tpu.vector_load %arg3[%swap3A_972, %swap3A_973] {strides = array<i32>} : memref<64x128xi32, #tpu.memory_space<vmem>>, vector<1x16xi32>,
        %swap3A_975 = vector.shape_cast %swap3A_974 : vector<1x16xi32> to vector<16xi32>
        %swap3A_976 = vector.shape_cast %xor3A_971 : vector<16xi32> to vector<1x16xi32>
        tpu.vector_store %arg3[%swap3A_972, %swap3A_973], %swap3A_976 {strides = array<i32>} : memref<64x128xi32, #tpu.memory_space<vmem>>, vector<1x16xi32>,
        %add3A_977 = arith.constant 6400000 : i32
        %add3A_978 = arith.addi %add3A_29, %add3A_977 : i32
        %add3A_979 = vector.broadcast %add3A_978 : i32 to vector<16xi32>
        %add3A_980 = arith.addi %mul3A_9, %add3A_979 : vector<16xi32>
        %xor3A_981 = arith.constant 0 : i32
        %xor3A_982 = arith.constant 42 : i32
        %xor3A_983 = arith.xori %xor3A_981, %xor3A_982 : i32
        %xor3A_984 = arith.constant 466688986 : i32
        %xor3A_985 = arith.xori %xor3A_983, %xor3A_984 : i32
        %add3A_986 = arith.constant 0 : i32
        %add3A_987 = arith.constant 0 : i32
        %add3A_988 = arith.addi %add3A_986, %add3A_987 : i32
        %add3A_989 = arith.constant 42 : i32
        %add3A_990 = vector.broadcast %add3A_989 : i32 to vector<16xi32>
        %add3A_991 = arith.addi %add3A_980, %add3A_990 : vector<16xi32>
        %add3A_992 = vector.broadcast %add3A_988 : i32 to vector<16xi32>
        %add3A_993 = arith.addi %add3A_992, %add3A_991 : vector<16xi32>
        %shift_left3A_994 = arith.constant 13 : i32
        %shift_left3A_995 = vector.broadcast %shift_left3A_994 : i32 to vector<16xi32>
        %shift_left3A_996 = arith.shli %add3A_991, %shift_left3A_995 : vector<16xi32>
        %shift_right_logical3A_997 = arith.constant 19 : i32
        %shift_right_logical3A_998 = vector.broadcast %shift_right_logical3A_997 : i32 to vector<16xi32>
        %shift_right_logical3A_999 = arith.shrui %add3A_991, %shift_right_logical3A_998 : vector<16xi32>
        %or3A_1000 = arith.ori %shift_left3A_996, %shift_right_logical3A_999 : vector<16xi32>
        %xor3A_1001 = arith.xori %add3A_993, %or3A_1000 : vector<16xi32>
        %add3A_1002 = arith.addi %add3A_993, %xor3A_1001 : vector<16xi32>
        %shift_left3A_1003 = arith.constant 15 : i32
        %shift_left3A_1004 = vector.broadcast %shift_left3A_1003 : i32 to vector<16xi32>
        %shift_left3A_1005 = arith.shli %xor3A_1001, %shift_left3A_1004 : vector<16xi32>
        %shift_right_logical3A_1006 = arith.constant 17 : i32
        %shift_right_logical3A_1007 = vector.broadcast %shift_right_logical3A_1006 : i32 to vector<16xi32>
        %shift_right_logical3A_1008 = arith.shrui %xor3A_1001, %shift_right_logical3A_1007 : vector<16xi32>
        %or3A_1009 = arith.ori %shift_left3A_1005, %shift_right_logical3A_1008 : vector<16xi32>
        %xor3A_1010 = arith.xori %add3A_1002, %or3A_1009 : vector<16xi32>
        %add3A_1011 = arith.addi %add3A_1002, %xor3A_1010 : vector<16xi32>
        %shift_left3A_1012 = arith.constant 26 : i32
        %shift_left3A_1013 = vector.broadcast %shift_left3A_1012 : i32 to vector<16xi32>
        %shift_left3A_1014 = arith.shli %xor3A_1010, %shift_left3A_1013 : vector<16xi32>
        %shift_right_logical3A_1015 = arith.constant 6 : i32
        %shift_right_logical3A_1016 = vector.broadcast %shift_right_logical3A_1015 : i32 to vector<16xi32>
        %shift_right_logical3A_1017 = arith.shrui %xor3A_1010, %shift_right_logical3A_1016 : vector<16xi32>
        %or3A_1018 = arith.ori %shift_left3A_1014, %shift_right_logical3A_1017 : vector<16xi32>
        %xor3A_1019 = arith.xori %add3A_1011, %or3A_1018 : vector<16xi32>
        %add3A_1020 = arith.addi %add3A_1011, %xor3A_1019 : vector<16xi32>
        %shift_left3A_1021 = arith.constant 6 : i32
        %shift_left3A_1022 = vector.broadcast %shift_left3A_1021 : i32 to vector<16xi32>
        %shift_left3A_1023 = arith.shli %xor3A_1019, %shift_left3A_1022 : vector<16xi32>
        %shift_right_logical3A_1024 = arith.constant 26 : i32
        %shift_right_logical3A_1025 = vector.broadcast %shift_right_logical3A_1024 : i32 to vector<16xi32>
        %shift_right_logical3A_1026 = arith.shrui %xor3A_1019, %shift_right_logical3A_1025 : vector<16xi32>
        %or3A_1027 = arith.ori %shift_left3A_1023, %shift_right_logical3A_1026 : vector<16xi32>
        %xor3A_1028 = arith.xori %add3A_1020, %or3A_1027 : vector<16xi32>
        %add3A_1029 = arith.constant 42 : i32
        %add3A_1030 = vector.broadcast %add3A_1029 : i32 to vector<16xi32>
        %add3A_1031 = arith.addi %add3A_1020, %add3A_1030 : vector<16xi32>
        %add3A_1032 = arith.constant 1 : i32
        %add3A_1033 = arith.addi %xor3A_985, %add3A_1032 : i32
        %add3A_1034 = vector.broadcast %add3A_1033 : i32 to vector<16xi32>
        %add3A_1035 = arith.addi %xor3A_1028, %add3A_1034 : vector<16xi32>
        %add3A_1036 = arith.addi %add3A_1031, %add3A_1035 : vector<16xi32>
        %shift_left3A_1037 = arith.constant 17 : i32
        %shift_left3A_1038 = vector.broadcast %shift_left3A_1037 : i32 to vector<16xi32>
        %shift_left3A_1039 = arith.shli %add3A_1035, %shift_left3A_1038 : vector<16xi32>
        %shift_right_logical3A_1040 = arith.constant 15 : i32
        %shift_right_logical3A_1041 = vector.broadcast %shift_right_logical3A_1040 : i32 to vector<16xi32>
        %shift_right_logical3A_1042 = arith.shrui %add3A_1035, %shift_right_logical3A_1041 : vector<16xi32>
        %or3A_1043 = arith.ori %shift_left3A_1039, %shift_right_logical3A_1042 : vector<16xi32>
        %xor3A_1044 = arith.xori %add3A_1036, %or3A_1043 : vector<16xi32>
        %add3A_1045 = arith.addi %add3A_1036, %xor3A_1044 : vector<16xi32>
        %shift_left3A_1046 = arith.constant 29 : i32
        %shift_left3A_1047 = vector.broadcast %shift_left3A_1046 : i32 to vector<16xi32>
        %shift_left3A_1048 = arith.shli %xor3A_1044, %shift_left3A_1047 : vector<16xi32>
        %shift_right_logical3A_1049 = arith.constant 3 : i32
        %shift_right_logical3A_1050 = vector.broadcast %shift_right_logical3A_1049 : i32 to vector<16xi32>
        %shift_right_logical3A_1051 = arith.shrui %xor3A_1044, %shift_right_logical3A_1050 : vector<16xi32>
        %or3A_1052 = arith.ori %shift_left3A_1048, %shift_right_logical3A_1051 : vector<16xi32>
        %xor3A_1053 = arith.xori %add3A_1045, %or3A_1052 : vector<16xi32>
        %add3A_1054 = arith.addi %add3A_1045, %xor3A_1053 : vector<16xi32>
        %shift_left3A_1055 = arith.constant 16 : i32
        %shift_left3A_1056 = vector.broadcast %shift_left3A_1055 : i32 to vector<16xi32>
        %shift_left3A_1057 = arith.shli %xor3A_1053, %shift_left3A_1056 : vector<16xi32>
        %shift_right_logical3A_1058 = arith.constant 16 : i32
        %shift_right_logical3A_1059 = vector.broadcast %shift_right_logical3A_1058 : i32 to vector<16xi32>
        %shift_right_logical3A_1060 = arith.shrui %xor3A_1053, %shift_right_logical3A_1059 : vector<16xi32>
        %or3A_1061 = arith.ori %shift_left3A_1057, %shift_right_logical3A_1060 : vector<16xi32>
        %xor3A_1062 = arith.xori %add3A_1054, %or3A_1061 : vector<16xi32>
        %add3A_1063 = arith.addi %add3A_1054, %xor3A_1062 : vector<16xi32>
        %shift_left3A_1064 = arith.constant 24 : i32
        %shift_left3A_1065 = vector.broadcast %shift_left3A_1064 : i32 to vector<16xi32>
        %shift_left3A_1066 = arith.shli %xor3A_1062, %shift_left3A_1065 : vector<16xi32>
        %shift_right_logical3A_1067 = arith.constant 8 : i32
        %shift_right_logical3A_1068 = vector.broadcast %shift_right_logical3A_1067 : i32 to vector<16xi32>
        %shift_right_logical3A_1069 = arith.shrui %xor3A_1062, %shift_right_logical3A_1068 : vector<16xi32>
        %or3A_1070 = arith.ori %shift_left3A_1066, %shift_right_logical3A_1069 : vector<16xi32>
        %xor3A_1071 = arith.xori %add3A_1063, %or3A_1070 : vector<16xi32>
        %add3A_1072 = vector.broadcast %xor3A_985 : i32 to vector<16xi32>
        %add3A_1073 = arith.addi %add3A_1063, %add3A_1072 : vector<16xi32>
        %add3A_1074 = arith.constant 0 : i32
        %add3A_1075 = arith.constant 2 : i32
        %add3A_1076 = arith.addi %add3A_1074, %add3A_1075 : i32
        %add3A_1077 = vector.broadcast %add3A_1076 : i32 to vector<16xi32>
        %add3A_1078 = arith.addi %xor3A_1071, %add3A_1077 : vector<16xi32>
        %add3A_1079 = arith.addi %add3A_1073, %add3A_1078 : vector<16xi32>
        %shift_left3A_1080 = arith.constant 13 : i32
        %shift_left3A_1081 = vector.broadcast %shift_left3A_1080 : i32 to vector<16xi32>
        %shift_left3A_1082 = arith.shli %add3A_1078, %shift_left3A_1081 : vector<16xi32>
        %shift_right_logical3A_1083 = arith.constant 19 : i32
        %shift_right_logical3A_1084 = vector.broadcast %shift_right_logical3A_1083 : i32 to vector<16xi32>
        %shift_right_logical3A_1085 = arith.shrui %add3A_1078, %shift_right_logical3A_1084 : vector<16xi32>
        %or3A_1086 = arith.ori %shift_left3A_1082, %shift_right_logical3A_1085 : vector<16xi32>
        %xor3A_1087 = arith.xori %add3A_1079, %or3A_1086 : vector<16xi32>
        %add3A_1088 = arith.addi %add3A_1079, %xor3A_1087 : vector<16xi32>
        %shift_left3A_1089 = arith.constant 15 : i32
        %shift_left3A_1090 = vector.broadcast %shift_left3A_1089 : i32 to vector<16xi32>
        %shift_left3A_1091 = arith.shli %xor3A_1087, %shift_left3A_1090 : vector<16xi32>
        %shift_right_logical3A_1092 = arith.constant 17 : i32
        %shift_right_logical3A_1093 = vector.broadcast %shift_right_logical3A_1092 : i32 to vector<16xi32>
        %shift_right_logical3A_1094 = arith.shrui %xor3A_1087, %shift_right_logical3A_1093 : vector<16xi32>
        %or3A_1095 = arith.ori %shift_left3A_1091, %shift_right_logical3A_1094 : vector<16xi32>
        %xor3A_1096 = arith.xori %add3A_1088, %or3A_1095 : vector<16xi32>
        %add3A_1097 = arith.addi %add3A_1088, %xor3A_1096 : vector<16xi32>
        %shift_left3A_1098 = arith.constant 26 : i32
        %shift_left3A_1099 = vector.broadcast %shift_left3A_1098 : i32 to vector<16xi32>
        %shift_left3A_1100 = arith.shli %xor3A_1096, %shift_left3A_1099 : vector<16xi32>
        %shift_right_logical3A_1101 = arith.constant 6 : i32
        %shift_right_logical3A_1102 = vector.broadcast %shift_right_logical3A_1101 : i32 to vector<16xi32>
        %shift_right_logical3A_1103 = arith.shrui %xor3A_1096, %shift_right_logical3A_1102 : vector<16xi32>
        %or3A_1104 = arith.ori %shift_left3A_1100, %shift_right_logical3A_1103 : vector<16xi32>
        %xor3A_1105 = arith.xori %add3A_1097, %or3A_1104 : vector<16xi32>
        %add3A_1106 = arith.addi %add3A_1097, %xor3A_1105 : vector<16xi32>
        %shift_left3A_1107 = arith.constant 6 : i32
        %shift_left3A_1108 = vector.broadcast %shift_left3A_1107 : i32 to vector<16xi32>
        %shift_left3A_1109 = arith.shli %xor3A_1105, %shift_left3A_1108 : vector<16xi32>
        %shift_right_logical3A_1110 = arith.constant 26 : i32
        %shift_right_logical3A_1111 = vector.broadcast %shift_right_logical3A_1110 : i32 to vector<16xi32>
        %shift_right_logical3A_1112 = arith.shrui %xor3A_1105, %shift_right_logical3A_1111 : vector<16xi32>
        %or3A_1113 = arith.ori %shift_left3A_1109, %shift_right_logical3A_1112 : vector<16xi32>
        %xor3A_1114 = arith.xori %add3A_1106, %or3A_1113 : vector<16xi32>
        %add3A_1115 = arith.constant 0 : i32
        %add3A_1116 = vector.broadcast %add3A_1115 : i32 to vector<16xi32>
        %add3A_1117 = arith.addi %add3A_1106, %add3A_1116 : vector<16xi32>
        %add3A_1118 = arith.constant 42 : i32
        %add3A_1119 = arith.constant 3 : i32
        %add3A_1120 = arith.addi %add3A_1118, %add3A_1119 : i32
        %add3A_1121 = vector.broadcast %add3A_1120 : i32 to vector<16xi32>
        %add3A_1122 = arith.addi %xor3A_1114, %add3A_1121 : vector<16xi32>
        %add3A_1123 = arith.addi %add3A_1117, %add3A_1122 : vector<16xi32>
        %shift_left3A_1124 = arith.constant 17 : i32
        %shift_left3A_1125 = vector.broadcast %shift_left3A_1124 : i32 to vector<16xi32>
        %shift_left3A_1126 = arith.shli %add3A_1122, %shift_left3A_1125 : vector<16xi32>
        %shift_right_logical3A_1127 = arith.constant 15 : i32
        %shift_right_logical3A_1128 = vector.broadcast %shift_right_logical3A_1127 : i32 to vector<16xi32>
        %shift_right_logical3A_1129 = arith.shrui %add3A_1122, %shift_right_logical3A_1128 : vector<16xi32>
        %or3A_1130 = arith.ori %shift_left3A_1126, %shift_right_logical3A_1129 : vector<16xi32>
        %xor3A_1131 = arith.xori %add3A_1123, %or3A_1130 : vector<16xi32>
        %add3A_1132 = arith.addi %add3A_1123, %xor3A_1131 : vector<16xi32>
        %shift_left3A_1133 = arith.constant 29 : i32
        %shift_left3A_1134 = vector.broadcast %shift_left3A_1133 : i32 to vector<16xi32>
        %shift_left3A_1135 = arith.shli %xor3A_1131, %shift_left3A_1134 : vector<16xi32>
        %shift_right_logical3A_1136 = arith.constant 3 : i32
        %shift_right_logical3A_1137 = vector.broadcast %shift_right_logical3A_1136 : i32 to vector<16xi32>
        %shift_right_logical3A_1138 = arith.shrui %xor3A_1131, %shift_right_logical3A_1137 : vector<16xi32>
        %or3A_1139 = arith.ori %shift_left3A_1135, %shift_right_logical3A_1138 : vector<16xi32>
        %xor3A_1140 = arith.xori %add3A_1132, %or3A_1139 : vector<16xi32>
        %add3A_1141 = arith.addi %add3A_1132, %xor3A_1140 : vector<16xi32>
        %shift_left3A_1142 = arith.constant 16 : i32
        %shift_left3A_1143 = vector.broadcast %shift_left3A_1142 : i32 to vector<16xi32>
        %shift_left3A_1144 = arith.shli %xor3A_1140, %shift_left3A_1143 : vector<16xi32>
        %shift_right_logical3A_1145 = arith.constant 16 : i32
        %shift_right_logical3A_1146 = vector.broadcast %shift_right_logical3A_1145 : i32 to vector<16xi32>
        %shift_right_logical3A_1147 = arith.shrui %xor3A_1140, %shift_right_logical3A_1146 : vector<16xi32>
        %or3A_1148 = arith.ori %shift_left3A_1144, %shift_right_logical3A_1147 : vector<16xi32>
        %xor3A_1149 = arith.xori %add3A_1141, %or3A_1148 : vector<16xi32>
        %add3A_1150 = arith.addi %add3A_1141, %xor3A_1149 : vector<16xi32>
        %shift_left3A_1151 = arith.constant 24 : i32
        %shift_left3A_1152 = vector.broadcast %shift_left3A_1151 : i32 to vector<16xi32>
        %shift_left3A_1153 = arith.shli %xor3A_1149, %shift_left3A_1152 : vector<16xi32>
        %shift_right_logical3A_1154 = arith.constant 8 : i32
        %shift_right_logical3A_1155 = vector.broadcast %shift_right_logical3A_1154 : i32 to vector<16xi32>
        %shift_right_logical3A_1156 = arith.shrui %xor3A_1149, %shift_right_logical3A_1155 : vector<16xi32>
        %or3A_1157 = arith.ori %shift_left3A_1153, %shift_right_logical3A_1156 : vector<16xi32>
        %xor3A_1158 = arith.xori %add3A_1150, %or3A_1157 : vector<16xi32>
        %add3A_1159 = arith.constant 42 : i32
        %add3A_1160 = vector.broadcast %add3A_1159 : i32 to vector<16xi32>
        %add3A_1161 = arith.addi %add3A_1150, %add3A_1160 : vector<16xi32>
        %add3A_1162 = arith.constant 4 : i32
        %add3A_1163 = arith.addi %xor3A_985, %add3A_1162 : i32
        %add3A_1164 = vector.broadcast %add3A_1163 : i32 to vector<16xi32>
        %add3A_1165 = arith.addi %xor3A_1158, %add3A_1164 : vector<16xi32>
        %add3A_1166 = arith.addi %add3A_1161, %add3A_1165 : vector<16xi32>
        %shift_left3A_1167 = arith.constant 13 : i32
        %shift_left3A_1168 = vector.broadcast %shift_left3A_1167 : i32 to vector<16xi32>
        %shift_left3A_1169 = arith.shli %add3A_1165, %shift_left3A_1168 : vector<16xi32>
        %shift_right_logical3A_1170 = arith.constant 19 : i32
        %shift_right_logical3A_1171 = vector.broadcast %shift_right_logical3A_1170 : i32 to vector<16xi32>
        %shift_right_logical3A_1172 = arith.shrui %add3A_1165, %shift_right_logical3A_1171 : vector<16xi32>
        %or3A_1173 = arith.ori %shift_left3A_1169, %shift_right_logical3A_1172 : vector<16xi32>
        %xor3A_1174 = arith.xori %add3A_1166, %or3A_1173 : vector<16xi32>
        %add3A_1175 = arith.addi %add3A_1166, %xor3A_1174 : vector<16xi32>
        %shift_left3A_1176 = arith.constant 15 : i32
        %shift_left3A_1177 = vector.broadcast %shift_left3A_1176 : i32 to vector<16xi32>
        %shift_left3A_1178 = arith.shli %xor3A_1174, %shift_left3A_1177 : vector<16xi32>
        %shift_right_logical3A_1179 = arith.constant 17 : i32
        %shift_right_logical3A_1180 = vector.broadcast %shift_right_logical3A_1179 : i32 to vector<16xi32>
        %shift_right_logical3A_1181 = arith.shrui %xor3A_1174, %shift_right_logical3A_1180 : vector<16xi32>
        %or3A_1182 = arith.ori %shift_left3A_1178, %shift_right_logical3A_1181 : vector<16xi32>
        %xor3A_1183 = arith.xori %add3A_1175, %or3A_1182 : vector<16xi32>
        %add3A_1184 = arith.addi %add3A_1175, %xor3A_1183 : vector<16xi32>
        %shift_left3A_1185 = arith.constant 26 : i32
        %shift_left3A_1186 = vector.broadcast %shift_left3A_1185 : i32 to vector<16xi32>
        %shift_left3A_1187 = arith.shli %xor3A_1183, %shift_left3A_1186 : vector<16xi32>
        %shift_right_logical3A_1188 = arith.constant 6 : i32
        %shift_right_logical3A_1189 = vector.broadcast %shift_right_logical3A_1188 : i32 to vector<16xi32>
        %shift_right_logical3A_1190 = arith.shrui %xor3A_1183, %shift_right_logical3A_1189 : vector<16xi32>
        %or3A_1191 = arith.ori %shift_left3A_1187, %shift_right_logical3A_1190 : vector<16xi32>
        %xor3A_1192 = arith.xori %add3A_1184, %or3A_1191 : vector<16xi32>
        %add3A_1193 = arith.addi %add3A_1184, %xor3A_1192 : vector<16xi32>
        %shift_left3A_1194 = arith.constant 6 : i32
        %shift_left3A_1195 = vector.broadcast %shift_left3A_1194 : i32 to vector<16xi32>
        %shift_left3A_1196 = arith.shli %xor3A_1192, %shift_left3A_1195 : vector<16xi32>
        %shift_right_logical3A_1197 = arith.constant 26 : i32
        %shift_right_logical3A_1198 = vector.broadcast %shift_right_logical3A_1197 : i32 to vector<16xi32>
        %shift_right_logical3A_1199 = arith.shrui %xor3A_1192, %shift_right_logical3A_1198 : vector<16xi32>
        %or3A_1200 = arith.ori %shift_left3A_1196, %shift_right_logical3A_1199 : vector<16xi32>
        %xor3A_1201 = arith.xori %add3A_1193, %or3A_1200 : vector<16xi32>
        %add3A_1202 = vector.broadcast %xor3A_985 : i32 to vector<16xi32>
        %add3A_1203 = arith.addi %add3A_1193, %add3A_1202 : vector<16xi32>
        %add3A_1204 = arith.constant 0 : i32
        %add3A_1205 = arith.constant 5 : i32
        %add3A_1206 = arith.addi %add3A_1204, %add3A_1205 : i32
        %add3A_1207 = vector.broadcast %add3A_1206 : i32 to vector<16xi32>
        %add3A_1208 = arith.addi %xor3A_1201, %add3A_1207 : vector<16xi32>
        %xor3A_1209 = arith.xori %add3A_1203, %add3A_1208 : vector<16xi32>
        %swap3A_1210 = arith.index_cast %scan3A_25 : i32 to index
        %swap3A_1211 = arith.constant 64 : index
        %swap3A_1212 = tpu.vector_load %arg3[%swap3A_1210, %swap3A_1211] {strides = array<i32>} : memref<64x128xi32, #tpu.memory_space<vmem>>, vector<1x16xi32>,
        %swap3A_1213 = vector.shape_cast %swap3A_1212 : vector<1x16xi32> to vector<16xi32>
        %swap3A_1214 = vector.shape_cast %xor3A_1209 : vector<16xi32> to vector<1x16xi32>
        tpu.vector_store %arg3[%swap3A_1210, %swap3A_1211], %swap3A_1214 {strides = array<i32>} : memref<64x128xi32, #tpu.memory_space<vmem>>, vector<1x16xi32>,
        %add3A_1215 = arith.constant 8000000 : i32
        %add3A_1216 = arith.addi %add3A_29, %add3A_1215 : i32
        %add3A_1217 = vector.broadcast %add3A_1216 : i32 to vector<16xi32>
        %add3A_1218 = arith.addi %mul3A_9, %add3A_1217 : vector<16xi32>
        %xor3A_1219 = arith.constant 0 : i32
        %xor3A_1220 = arith.constant 42 : i32
        %xor3A_1221 = arith.xori %xor3A_1219, %xor3A_1220 : i32
        %xor3A_1222 = arith.constant 466688986 : i32
        %xor3A_1223 = arith.xori %xor3A_1221, %xor3A_1222 : i32
        %add3A_1224 = arith.constant 0 : i32
        %add3A_1225 = arith.constant 0 : i32
        %add3A_1226 = arith.addi %add3A_1224, %add3A_1225 : i32
        %add3A_1227 = arith.constant 42 : i32
        %add3A_1228 = vector.broadcast %add3A_1227 : i32 to vector<16xi32>
        %add3A_1229 = arith.addi %add3A_1218, %add3A_1228 : vector<16xi32>
        %add3A_1230 = vector.broadcast %add3A_1226 : i32 to vector<16xi32>
        %add3A_1231 = arith.addi %add3A_1230, %add3A_1229 : vector<16xi32>
        %shift_left3A_1232 = arith.constant 13 : i32
        %shift_left3A_1233 = vector.broadcast %shift_left3A_1232 : i32 to vector<16xi32>
        %shift_left3A_1234 = arith.shli %add3A_1229, %shift_left3A_1233 : vector<16xi32>
        %shift_right_logical3A_1235 = arith.constant 19 : i32
        %shift_right_logical3A_1236 = vector.broadcast %shift_right_logical3A_1235 : i32 to vector<16xi32>
        %shift_right_logical3A_1237 = arith.shrui %add3A_1229, %shift_right_logical3A_1236 : vector<16xi32>
        %or3A_1238 = arith.ori %shift_left3A_1234, %shift_right_logical3A_1237 : vector<16xi32>
        %xor3A_1239 = arith.xori %add3A_1231, %or3A_1238 : vector<16xi32>
        %add3A_1240 = arith.addi %add3A_1231, %xor3A_1239 : vector<16xi32>
        %shift_left3A_1241 = arith.constant 15 : i32
        %shift_left3A_1242 = vector.broadcast %shift_left3A_1241 : i32 to vector<16xi32>
        %shift_left3A_1243 = arith.shli %xor3A_1239, %shift_left3A_1242 : vector<16xi32>
        %shift_right_logical3A_1244 = arith.constant 17 : i32
        %shift_right_logical3A_1245 = vector.broadcast %shift_right_logical3A_1244 : i32 to vector<16xi32>
        %shift_right_logical3A_1246 = arith.shrui %xor3A_1239, %shift_right_logical3A_1245 : vector<16xi32>
        %or3A_1247 = arith.ori %shift_left3A_1243, %shift_right_logical3A_1246 : vector<16xi32>
        %xor3A_1248 = arith.xori %add3A_1240, %or3A_1247 : vector<16xi32>
        %add3A_1249 = arith.addi %add3A_1240, %xor3A_1248 : vector<16xi32>
        %shift_left3A_1250 = arith.constant 26 : i32
        %shift_left3A_1251 = vector.broadcast %shift_left3A_1250 : i32 to vector<16xi32>
        %shift_left3A_1252 = arith.shli %xor3A_1248, %shift_left3A_1251 : vector<16xi32>
        %shift_right_logical3A_1253 = arith.constant 6 : i32
        %shift_right_logical3A_1254 = vector.broadcast %shift_right_logical3A_1253 : i32 to vector<16xi32>
        %shift_right_logical3A_1255 = arith.shrui %xor3A_1248, %shift_right_logical3A_1254 : vector<16xi32>
        %or3A_1256 = arith.ori %shift_left3A_1252, %shift_right_logical3A_1255 : vector<16xi32>
        %xor3A_1257 = arith.xori %add3A_1249, %or3A_1256 : vector<16xi32>
        %add3A_1258 = arith.addi %add3A_1249, %xor3A_1257 : vector<16xi32>
        %shift_left3A_1259 = arith.constant 6 : i32
        %shift_left3A_1260 = vector.broadcast %shift_left3A_1259 : i32 to vector<16xi32>
        %shift_left3A_1261 = arith.shli %xor3A_1257, %shift_left3A_1260 : vector<16xi32>
        %shift_right_logical3A_1262 = arith.constant 26 : i32
        %shift_right_logical3A_1263 = vector.broadcast %shift_right_logical3A_1262 : i32 to vector<16xi32>
        %shift_right_logical3A_1264 = arith.shrui %xor3A_1257, %shift_right_logical3A_1263 : vector<16xi32>
        %or3A_1265 = arith.ori %shift_left3A_1261, %shift_right_logical3A_1264 : vector<16xi32>
        %xor3A_1266 = arith.xori %add3A_1258, %or3A_1265 : vector<16xi32>
        %add3A_1267 = arith.constant 42 : i32
        %add3A_1268 = vector.broadcast %add3A_1267 : i32 to vector<16xi32>
        %add3A_1269 = arith.addi %add3A_1258, %add3A_1268 : vector<16xi32>
        %add3A_1270 = arith.constant 1 : i32
        %add3A_1271 = arith.addi %xor3A_1223, %add3A_1270 : i32
        %add3A_1272 = vector.broadcast %add3A_1271 : i32 to vector<16xi32>
        %add3A_1273 = arith.addi %xor3A_1266, %add3A_1272 : vector<16xi32>
        %add3A_1274 = arith.addi %add3A_1269, %add3A_1273 : vector<16xi32>
        %shift_left3A_1275 = arith.constant 17 : i32
        %shift_left3A_1276 = vector.broadcast %shift_left3A_1275 : i32 to vector<16xi32>
        %shift_left3A_1277 = arith.shli %add3A_1273, %shift_left3A_1276 : vector<16xi32>
        %shift_right_logical3A_1278 = arith.constant 15 : i32
        %shift_right_logical3A_1279 = vector.broadcast %shift_right_logical3A_1278 : i32 to vector<16xi32>
        %shift_right_logical3A_1280 = arith.shrui %add3A_1273, %shift_right_logical3A_1279 : vector<16xi32>
        %or3A_1281 = arith.ori %shift_left3A_1277, %shift_right_logical3A_1280 : vector<16xi32>
        %xor3A_1282 = arith.xori %add3A_1274, %or3A_1281 : vector<16xi32>
        %add3A_1283 = arith.addi %add3A_1274, %xor3A_1282 : vector<16xi32>
        %shift_left3A_1284 = arith.constant 29 : i32
        %shift_left3A_1285 = vector.broadcast %shift_left3A_1284 : i32 to vector<16xi32>
        %shift_left3A_1286 = arith.shli %xor3A_1282, %shift_left3A_1285 : vector<16xi32>
        %shift_right_logical3A_1287 = arith.constant 3 : i32
        %shift_right_logical3A_1288 = vector.broadcast %shift_right_logical3A_1287 : i32 to vector<16xi32>
        %shift_right_logical3A_1289 = arith.shrui %xor3A_1282, %shift_right_logical3A_1288 : vector<16xi32>
        %or3A_1290 = arith.ori %shift_left3A_1286, %shift_right_logical3A_1289 : vector<16xi32>
        %xor3A_1291 = arith.xori %add3A_1283, %or3A_1290 : vector<16xi32>
        %add3A_1292 = arith.addi %add3A_1283, %xor3A_1291 : vector<16xi32>
        %shift_left3A_1293 = arith.constant 16 : i32
        %shift_left3A_1294 = vector.broadcast %shift_left3A_1293 : i32 to vector<16xi32>
        %shift_left3A_1295 = arith.shli %xor3A_1291, %shift_left3A_1294 : vector<16xi32>
        %shift_right_logical3A_1296 = arith.constant 16 : i32
        %shift_right_logical3A_1297 = vector.broadcast %shift_right_logical3A_1296 : i32 to vector<16xi32>
        %shift_right_logical3A_1298 = arith.shrui %xor3A_1291, %shift_right_logical3A_1297 : vector<16xi32>
        %or3A_1299 = arith.ori %shift_left3A_1295, %shift_right_logical3A_1298 : vector<16xi32>
        %xor3A_1300 = arith.xori %add3A_1292, %or3A_1299 : vector<16xi32>
        %add3A_1301 = arith.addi %add3A_1292, %xor3A_1300 : vector<16xi32>
        %shift_left3A_1302 = arith.constant 24 : i32
        %shift_left3A_1303 = vector.broadcast %shift_left3A_1302 : i32 to vector<16xi32>
        %shift_left3A_1304 = arith.shli %xor3A_1300, %shift_left3A_1303 : vector<16xi32>
        %shift_right_logical3A_1305 = arith.constant 8 : i32
        %shift_right_logical3A_1306 = vector.broadcast %shift_right_logical3A_1305 : i32 to vector<16xi32>
        %shift_right_logical3A_1307 = arith.shrui %xor3A_1300, %shift_right_logical3A_1306 : vector<16xi32>
        %or3A_1308 = arith.ori %shift_left3A_1304, %shift_right_logical3A_1307 : vector<16xi32>
        %xor3A_1309 = arith.xori %add3A_1301, %or3A_1308 : vector<16xi32>
        %add3A_1310 = vector.broadcast %xor3A_1223 : i32 to vector<16xi32>
        %add3A_1311 = arith.addi %add3A_1301, %add3A_1310 : vector<16xi32>
        %add3A_1312 = arith.constant 0 : i32
        %add3A_1313 = arith.constant 2 : i32
        %add3A_1314 = arith.addi %add3A_1312, %add3A_1313 : i32
        %add3A_1315 = vector.broadcast %add3A_1314 : i32 to vector<16xi32>
        %add3A_1316 = arith.addi %xor3A_1309, %add3A_1315 : vector<16xi32>
        %add3A_1317 = arith.addi %add3A_1311, %add3A_1316 : vector<16xi32>
        %shift_left3A_1318 = arith.constant 13 : i32
        %shift_left3A_1319 = vector.broadcast %shift_left3A_1318 : i32 to vector<16xi32>
        %shift_left3A_1320 = arith.shli %add3A_1316, %shift_left3A_1319 : vector<16xi32>
        %shift_right_logical3A_1321 = arith.constant 19 : i32
        %shift_right_logical3A_1322 = vector.broadcast %shift_right_logical3A_1321 : i32 to vector<16xi32>
        %shift_right_logical3A_1323 = arith.shrui %add3A_1316, %shift_right_logical3A_1322 : vector<16xi32>
        %or3A_1324 = arith.ori %shift_left3A_1320, %shift_right_logical3A_1323 : vector<16xi32>
        %xor3A_1325 = arith.xori %add3A_1317, %or3A_1324 : vector<16xi32>
        %add3A_1326 = arith.addi %add3A_1317, %xor3A_1325 : vector<16xi32>
        %shift_left3A_1327 = arith.constant 15 : i32
        %shift_left3A_1328 = vector.broadcast %shift_left3A_1327 : i32 to vector<16xi32>
        %shift_left3A_1329 = arith.shli %xor3A_1325, %shift_left3A_1328 : vector<16xi32>
        %shift_right_logical3A_1330 = arith.constant 17 : i32
        %shift_right_logical3A_1331 = vector.broadcast %shift_right_logical3A_1330 : i32 to vector<16xi32>
        %shift_right_logical3A_1332 = arith.shrui %xor3A_1325, %shift_right_logical3A_1331 : vector<16xi32>
        %or3A_1333 = arith.ori %shift_left3A_1329, %shift_right_logical3A_1332 : vector<16xi32>
        %xor3A_1334 = arith.xori %add3A_1326, %or3A_1333 : vector<16xi32>
        %add3A_1335 = arith.addi %add3A_1326, %xor3A_1334 : vector<16xi32>
        %shift_left3A_1336 = arith.constant 26 : i32
        %shift_left3A_1337 = vector.broadcast %shift_left3A_1336 : i32 to vector<16xi32>
        %shift_left3A_1338 = arith.shli %xor3A_1334, %shift_left3A_1337 : vector<16xi32>
        %shift_right_logical3A_1339 = arith.constant 6 : i32
        %shift_right_logical3A_1340 = vector.broadcast %shift_right_logical3A_1339 : i32 to vector<16xi32>
        %shift_right_logical3A_1341 = arith.shrui %xor3A_1334, %shift_right_logical3A_1340 : vector<16xi32>
        %or3A_1342 = arith.ori %shift_left3A_1338, %shift_right_logical3A_1341 : vector<16xi32>
        %xor3A_1343 = arith.xori %add3A_1335, %or3A_1342 : vector<16xi32>
        %add3A_1344 = arith.addi %add3A_1335, %xor3A_1343 : vector<16xi32>
        %shift_left3A_1345 = arith.constant 6 : i32
        %shift_left3A_1346 = vector.broadcast %shift_left3A_1345 : i32 to vector<16xi32>
        %shift_left3A_1347 = arith.shli %xor3A_1343, %shift_left3A_1346 : vector<16xi32>
        %shift_right_logical3A_1348 = arith.constant 26 : i32
        %shift_right_logical3A_1349 = vector.broadcast %shift_right_logical3A_1348 : i32 to vector<16xi32>
        %shift_right_logical3A_1350 = arith.shrui %xor3A_1343, %shift_right_logical3A_1349 : vector<16xi32>
        %or3A_1351 = arith.ori %shift_left3A_1347, %shift_right_logical3A_1350 : vector<16xi32>
        %xor3A_1352 = arith.xori %add3A_1344, %or3A_1351 : vector<16xi32>
        %add3A_1353 = arith.constant 0 : i32
        %add3A_1354 = vector.broadcast %add3A_1353 : i32 to vector<16xi32>
        %add3A_1355 = arith.addi %add3A_1344, %add3A_1354 : vector<16xi32>
        %add3A_1356 = arith.constant 42 : i32
        %add3A_1357 = arith.constant 3 : i32
        %add3A_1358 = arith.addi %add3A_1356, %add3A_1357 : i32
        %add3A_1359 = vector.broadcast %add3A_1358 : i32 to vector<16xi32>
        %add3A_1360 = arith.addi %xor3A_1352, %add3A_1359 : vector<16xi32>
        %add3A_1361 = arith.addi %add3A_1355, %add3A_1360 : vector<16xi32>
        %shift_left3A_1362 = arith.constant 17 : i32
        %shift_left3A_1363 = vector.broadcast %shift_left3A_1362 : i32 to vector<16xi32>
        %shift_left3A_1364 = arith.shli %add3A_1360, %shift_left3A_1363 : vector<16xi32>
        %shift_right_logical3A_1365 = arith.constant 15 : i32
        %shift_right_logical3A_1366 = vector.broadcast %shift_right_logical3A_1365 : i32 to vector<16xi32>
        %shift_right_logical3A_1367 = arith.shrui %add3A_1360, %shift_right_logical3A_1366 : vector<16xi32>
        %or3A_1368 = arith.ori %shift_left3A_1364, %shift_right_logical3A_1367 : vector<16xi32>
        %xor3A_1369 = arith.xori %add3A_1361, %or3A_1368 : vector<16xi32>
        %add3A_1370 = arith.addi %add3A_1361, %xor3A_1369 : vector<16xi32>
        %shift_left3A_1371 = arith.constant 29 : i32
        %shift_left3A_1372 = vector.broadcast %shift_left3A_1371 : i32 to vector<16xi32>
        %shift_left3A_1373 = arith.shli %xor3A_1369, %shift_left3A_1372 : vector<16xi32>
        %shift_right_logical3A_1374 = arith.constant 3 : i32
        %shift_right_logical3A_1375 = vector.broadcast %shift_right_logical3A_1374 : i32 to vector<16xi32>
        %shift_right_logical3A_1376 = arith.shrui %xor3A_1369, %shift_right_logical3A_1375 : vector<16xi32>
        %or3A_1377 = arith.ori %shift_left3A_1373, %shift_right_logical3A_1376 : vector<16xi32>
        %xor3A_1378 = arith.xori %add3A_1370, %or3A_1377 : vector<16xi32>
        %add3A_1379 = arith.addi %add3A_1370, %xor3A_1378 : vector<16xi32>
        %shift_left3A_1380 = arith.constant 16 : i32
        %shift_left3A_1381 = vector.broadcast %shift_left3A_1380 : i32 to vector<16xi32>
        %shift_left3A_1382 = arith.shli %xor3A_1378, %shift_left3A_1381 : vector<16xi32>
        %shift_right_logical3A_1383 = arith.constant 16 : i32
        %shift_right_logical3A_1384 = vector.broadcast %shift_right_logical3A_1383 : i32 to vector<16xi32>
        %shift_right_logical3A_1385 = arith.shrui %xor3A_1378, %shift_right_logical3A_1384 : vector<16xi32>
        %or3A_1386 = arith.ori %shift_left3A_1382, %shift_right_logical3A_1385 : vector<16xi32>
        %xor3A_1387 = arith.xori %add3A_1379, %or3A_1386 : vector<16xi32>
        %add3A_1388 = arith.addi %add3A_1379, %xor3A_1387 : vector<16xi32>
        %shift_left3A_1389 = arith.constant 24 : i32
        %shift_left3A_1390 = vector.broadcast %shift_left3A_1389 : i32 to vector<16xi32>
        %shift_left3A_1391 = arith.shli %xor3A_1387, %shift_left3A_1390 : vector<16xi32>
        %shift_right_logical3A_1392 = arith.constant 8 : i32
        %shift_right_logical3A_1393 = vector.broadcast %shift_right_logical3A_1392 : i32 to vector<16xi32>
        %shift_right_logical3A_1394 = arith.shrui %xor3A_1387, %shift_right_logical3A_1393 : vector<16xi32>
        %or3A_1395 = arith.ori %shift_left3A_1391, %shift_right_logical3A_1394 : vector<16xi32>
        %xor3A_1396 = arith.xori %add3A_1388, %or3A_1395 : vector<16xi32>
        %add3A_1397 = arith.constant 42 : i32
        %add3A_1398 = vector.broadcast %add3A_1397 : i32 to vector<16xi32>
        %add3A_1399 = arith.addi %add3A_1388, %add3A_1398 : vector<16xi32>
        %add3A_1400 = arith.constant 4 : i32
        %add3A_1401 = arith.addi %xor3A_1223, %add3A_1400 : i32
        %add3A_1402 = vector.broadcast %add3A_1401 : i32 to vector<16xi32>
        %add3A_1403 = arith.addi %xor3A_1396, %add3A_1402 : vector<16xi32>
        %add3A_1404 = arith.addi %add3A_1399, %add3A_1403 : vector<16xi32>
        %shift_left3A_1405 = arith.constant 13 : i32
        %shift_left3A_1406 = vector.broadcast %shift_left3A_1405 : i32 to vector<16xi32>
        %shift_left3A_1407 = arith.shli %add3A_1403, %shift_left3A_1406 : vector<16xi32>
        %shift_right_logical3A_1408 = arith.constant 19 : i32
        %shift_right_logical3A_1409 = vector.broadcast %shift_right_logical3A_1408 : i32 to vector<16xi32>
        %shift_right_logical3A_1410 = arith.shrui %add3A_1403, %shift_right_logical3A_1409 : vector<16xi32>
        %or3A_1411 = arith.ori %shift_left3A_1407, %shift_right_logical3A_1410 : vector<16xi32>
        %xor3A_1412 = arith.xori %add3A_1404, %or3A_1411 : vector<16xi32>
        %add3A_1413 = arith.addi %add3A_1404, %xor3A_1412 : vector<16xi32>
        %shift_left3A_1414 = arith.constant 15 : i32
        %shift_left3A_1415 = vector.broadcast %shift_left3A_1414 : i32 to vector<16xi32>
        %shift_left3A_1416 = arith.shli %xor3A_1412, %shift_left3A_1415 : vector<16xi32>
        %shift_right_logical3A_1417 = arith.constant 17 : i32
        %shift_right_logical3A_1418 = vector.broadcast %shift_right_logical3A_1417 : i32 to vector<16xi32>
        %shift_right_logical3A_1419 = arith.shrui %xor3A_1412, %shift_right_logical3A_1418 : vector<16xi32>
        %or3A_1420 = arith.ori %shift_left3A_1416, %shift_right_logical3A_1419 : vector<16xi32>
        %xor3A_1421 = arith.xori %add3A_1413, %or3A_1420 : vector<16xi32>
        %add3A_1422 = arith.addi %add3A_1413, %xor3A_1421 : vector<16xi32>
        %shift_left3A_1423 = arith.constant 26 : i32
        %shift_left3A_1424 = vector.broadcast %shift_left3A_1423 : i32 to vector<16xi32>
        %shift_left3A_1425 = arith.shli %xor3A_1421, %shift_left3A_1424 : vector<16xi32>
        %shift_right_logical3A_1426 = arith.constant 6 : i32
        %shift_right_logical3A_1427 = vector.broadcast %shift_right_logical3A_1426 : i32 to vector<16xi32>
        %shift_right_logical3A_1428 = arith.shrui %xor3A_1421, %shift_right_logical3A_1427 : vector<16xi32>
        %or3A_1429 = arith.ori %shift_left3A_1425, %shift_right_logical3A_1428 : vector<16xi32>
        %xor3A_1430 = arith.xori %add3A_1422, %or3A_1429 : vector<16xi32>
        %add3A_1431 = arith.addi %add3A_1422, %xor3A_1430 : vector<16xi32>
        %shift_left3A_1432 = arith.constant 6 : i32
        %shift_left3A_1433 = vector.broadcast %shift_left3A_1432 : i32 to vector<16xi32>
        %shift_left3A_1434 = arith.shli %xor3A_1430, %shift_left3A_1433 : vector<16xi32>
        %shift_right_logical3A_1435 = arith.constant 26 : i32
        %shift_right_logical3A_1436 = vector.broadcast %shift_right_logical3A_1435 : i32 to vector<16xi32>
        %shift_right_logical3A_1437 = arith.shrui %xor3A_1430, %shift_right_logical3A_1436 : vector<16xi32>
        %or3A_1438 = arith.ori %shift_left3A_1434, %shift_right_logical3A_1437 : vector<16xi32>
        %xor3A_1439 = arith.xori %add3A_1431, %or3A_1438 : vector<16xi32>
        %add3A_1440 = vector.broadcast %xor3A_1223 : i32 to vector<16xi32>
        %add3A_1441 = arith.addi %add3A_1431, %add3A_1440 : vector<16xi32>
        %add3A_1442 = arith.constant 0 : i32
        %add3A_1443 = arith.constant 5 : i32
        %add3A_1444 = arith.addi %add3A_1442, %add3A_1443 : i32
        %add3A_1445 = vector.broadcast %add3A_1444 : i32 to vector<16xi32>
        %add3A_1446 = arith.addi %xor3A_1439, %add3A_1445 : vector<16xi32>
        %xor3A_1447 = arith.xori %add3A_1441, %add3A_1446 : vector<16xi32>
        %swap3A_1448 = arith.index_cast %scan3A_25 : i32 to index
        %swap3A_1449 = arith.constant 80 : index
        %swap3A_1450 = tpu.vector_load %arg3[%swap3A_1448, %swap3A_1449] {strides = array<i32>} : memref<64x128xi32, #tpu.memory_space<vmem>>, vector<1x16xi32>,
        %swap3A_1451 = vector.shape_cast %swap3A_1450 : vector<1x16xi32> to vector<16xi32>
        %swap3A_1452 = vector.shape_cast %xor3A_1447 : vector<16xi32> to vector<1x16xi32>
        tpu.vector_store %arg3[%swap3A_1448, %swap3A_1449], %swap3A_1452 {strides = array<i32>} : memref<64x128xi32, #tpu.memory_space<vmem>>, vector<1x16xi32>,
        %add3A_1453 = arith.constant 9600000 : i32
        %add3A_1454 = arith.addi %add3A_29, %add3A_1453 : i32
        %add3A_1455 = vector.broadcast %add3A_1454 : i32 to vector<16xi32>
        %add3A_1456 = arith.addi %mul3A_9, %add3A_1455 : vector<16xi32>
        %xor3A_1457 = arith.constant 0 : i32
        %xor3A_1458 = arith.constant 42 : i32
        %xor3A_1459 = arith.xori %xor3A_1457, %xor3A_1458 : i32
        %xor3A_1460 = arith.constant 466688986 : i32
        %xor3A_1461 = arith.xori %xor3A_1459, %xor3A_1460 : i32
        %add3A_1462 = arith.constant 0 : i32
        %add3A_1463 = arith.constant 0 : i32
        %add3A_1464 = arith.addi %add3A_1462, %add3A_1463 : i32
        %add3A_1465 = arith.constant 42 : i32
        %add3A_1466 = vector.broadcast %add3A_1465 : i32 to vector<16xi32>
        %add3A_1467 = arith.addi %add3A_1456, %add3A_1466 : vector<16xi32>
        %add3A_1468 = vector.broadcast %add3A_1464 : i32 to vector<16xi32>
        %add3A_1469 = arith.addi %add3A_1468, %add3A_1467 : vector<16xi32>
        %shift_left3A_1470 = arith.constant 13 : i32
        %shift_left3A_1471 = vector.broadcast %shift_left3A_1470 : i32 to vector<16xi32>
        %shift_left3A_1472 = arith.shli %add3A_1467, %shift_left3A_1471 : vector<16xi32>
        %shift_right_logical3A_1473 = arith.constant 19 : i32
        %shift_right_logical3A_1474 = vector.broadcast %shift_right_logical3A_1473 : i32 to vector<16xi32>
        %shift_right_logical3A_1475 = arith.shrui %add3A_1467, %shift_right_logical3A_1474 : vector<16xi32>
        %or3A_1476 = arith.ori %shift_left3A_1472, %shift_right_logical3A_1475 : vector<16xi32>
        %xor3A_1477 = arith.xori %add3A_1469, %or3A_1476 : vector<16xi32>
        %add3A_1478 = arith.addi %add3A_1469, %xor3A_1477 : vector<16xi32>
        %shift_left3A_1479 = arith.constant 15 : i32
        %shift_left3A_1480 = vector.broadcast %shift_left3A_1479 : i32 to vector<16xi32>
        %shift_left3A_1481 = arith.shli %xor3A_1477, %shift_left3A_1480 : vector<16xi32>
        %shift_right_logical3A_1482 = arith.constant 17 : i32
        %shift_right_logical3A_1483 = vector.broadcast %shift_right_logical3A_1482 : i32 to vector<16xi32>
        %shift_right_logical3A_1484 = arith.shrui %xor3A_1477, %shift_right_logical3A_1483 : vector<16xi32>
        %or3A_1485 = arith.ori %shift_left3A_1481, %shift_right_logical3A_1484 : vector<16xi32>
        %xor3A_1486 = arith.xori %add3A_1478, %or3A_1485 : vector<16xi32>
        %add3A_1487 = arith.addi %add3A_1478, %xor3A_1486 : vector<16xi32>
        %shift_left3A_1488 = arith.constant 26 : i32
        %shift_left3A_1489 = vector.broadcast %shift_left3A_1488 : i32 to vector<16xi32>
        %shift_left3A_1490 = arith.shli %xor3A_1486, %shift_left3A_1489 : vector<16xi32>
        %shift_right_logical3A_1491 = arith.constant 6 : i32
        %shift_right_logical3A_1492 = vector.broadcast %shift_right_logical3A_1491 : i32 to vector<16xi32>
        %shift_right_logical3A_1493 = arith.shrui %xor3A_1486, %shift_right_logical3A_1492 : vector<16xi32>
        %or3A_1494 = arith.ori %shift_left3A_1490, %shift_right_logical3A_1493 : vector<16xi32>
        %xor3A_1495 = arith.xori %add3A_1487, %or3A_1494 : vector<16xi32>
        %add3A_1496 = arith.addi %add3A_1487, %xor3A_1495 : vector<16xi32>
        %shift_left3A_1497 = arith.constant 6 : i32
        %shift_left3A_1498 = vector.broadcast %shift_left3A_1497 : i32 to vector<16xi32>
        %shift_left3A_1499 = arith.shli %xor3A_1495, %shift_left3A_1498 : vector<16xi32>
        %shift_right_logical3A_1500 = arith.constant 26 : i32
        %shift_right_logical3A_1501 = vector.broadcast %shift_right_logical3A_1500 : i32 to vector<16xi32>
        %shift_right_logical3A_1502 = arith.shrui %xor3A_1495, %shift_right_logical3A_1501 : vector<16xi32>
        %or3A_1503 = arith.ori %shift_left3A_1499, %shift_right_logical3A_1502 : vector<16xi32>
        %xor3A_1504 = arith.xori %add3A_1496, %or3A_1503 : vector<16xi32>
        %add3A_1505 = arith.constant 42 : i32
        %add3A_1506 = vector.broadcast %add3A_1505 : i32 to vector<16xi32>
        %add3A_1507 = arith.addi %add3A_1496, %add3A_1506 : vector<16xi32>
        %add3A_1508 = arith.constant 1 : i32
        %add3A_1509 = arith.addi %xor3A_1461, %add3A_1508 : i32
        %add3A_1510 = vector.broadcast %add3A_1509 : i32 to vector<16xi32>
        %add3A_1511 = arith.addi %xor3A_1504, %add3A_1510 : vector<16xi32>
        %add3A_1512 = arith.addi %add3A_1507, %add3A_1511 : vector<16xi32>
        %shift_left3A_1513 = arith.constant 17 : i32
        %shift_left3A_1514 = vector.broadcast %shift_left3A_1513 : i32 to vector<16xi32>
        %shift_left3A_1515 = arith.shli %add3A_1511, %shift_left3A_1514 : vector<16xi32>
        %shift_right_logical3A_1516 = arith.constant 15 : i32
        %shift_right_logical3A_1517 = vector.broadcast %shift_right_logical3A_1516 : i32 to vector<16xi32>
        %shift_right_logical3A_1518 = arith.shrui %add3A_1511, %shift_right_logical3A_1517 : vector<16xi32>
        %or3A_1519 = arith.ori %shift_left3A_1515, %shift_right_logical3A_1518 : vector<16xi32>
        %xor3A_1520 = arith.xori %add3A_1512, %or3A_1519 : vector<16xi32>
        %add3A_1521 = arith.addi %add3A_1512, %xor3A_1520 : vector<16xi32>
        %shift_left3A_1522 = arith.constant 29 : i32
        %shift_left3A_1523 = vector.broadcast %shift_left3A_1522 : i32 to vector<16xi32>
        %shift_left3A_1524 = arith.shli %xor3A_1520, %shift_left3A_1523 : vector<16xi32>
        %shift_right_logical3A_1525 = arith.constant 3 : i32
        %shift_right_logical3A_1526 = vector.broadcast %shift_right_logical3A_1525 : i32 to vector<16xi32>
        %shift_right_logical3A_1527 = arith.shrui %xor3A_1520, %shift_right_logical3A_1526 : vector<16xi32>
        %or3A_1528 = arith.ori %shift_left3A_1524, %shift_right_logical3A_1527 : vector<16xi32>
        %xor3A_1529 = arith.xori %add3A_1521, %or3A_1528 : vector<16xi32>
        %add3A_1530 = arith.addi %add3A_1521, %xor3A_1529 : vector<16xi32>
        %shift_left3A_1531 = arith.constant 16 : i32
        %shift_left3A_1532 = vector.broadcast %shift_left3A_1531 : i32 to vector<16xi32>
        %shift_left3A_1533 = arith.shli %xor3A_1529, %shift_left3A_1532 : vector<16xi32>
        %shift_right_logical3A_1534 = arith.constant 16 : i32
        %shift_right_logical3A_1535 = vector.broadcast %shift_right_logical3A_1534 : i32 to vector<16xi32>
        %shift_right_logical3A_1536 = arith.shrui %xor3A_1529, %shift_right_logical3A_1535 : vector<16xi32>
        %or3A_1537 = arith.ori %shift_left3A_1533, %shift_right_logical3A_1536 : vector<16xi32>
        %xor3A_1538 = arith.xori %add3A_1530, %or3A_1537 : vector<16xi32>
        %add3A_1539 = arith.addi %add3A_1530, %xor3A_1538 : vector<16xi32>
        %shift_left3A_1540 = arith.constant 24 : i32
        %shift_left3A_1541 = vector.broadcast %shift_left3A_1540 : i32 to vector<16xi32>
        %shift_left3A_1542 = arith.shli %xor3A_1538, %shift_left3A_1541 : vector<16xi32>
        %shift_right_logical3A_1543 = arith.constant 8 : i32
        %shift_right_logical3A_1544 = vector.broadcast %shift_right_logical3A_1543 : i32 to vector<16xi32>
        %shift_right_logical3A_1545 = arith.shrui %xor3A_1538, %shift_right_logical3A_1544 : vector<16xi32>
        %or3A_1546 = arith.ori %shift_left3A_1542, %shift_right_logical3A_1545 : vector<16xi32>
        %xor3A_1547 = arith.xori %add3A_1539, %or3A_1546 : vector<16xi32>
        %add3A_1548 = vector.broadcast %xor3A_1461 : i32 to vector<16xi32>
        %add3A_1549 = arith.addi %add3A_1539, %add3A_1548 : vector<16xi32>
        %add3A_1550 = arith.constant 0 : i32
        %add3A_1551 = arith.constant 2 : i32
        %add3A_1552 = arith.addi %add3A_1550, %add3A_1551 : i32
        %add3A_1553 = vector.broadcast %add3A_1552 : i32 to vector<16xi32>
        %add3A_1554 = arith.addi %xor3A_1547, %add3A_1553 : vector<16xi32>
        %add3A_1555 = arith.addi %add3A_1549, %add3A_1554 : vector<16xi32>
        %shift_left3A_1556 = arith.constant 13 : i32
        %shift_left3A_1557 = vector.broadcast %shift_left3A_1556 : i32 to vector<16xi32>
        %shift_left3A_1558 = arith.shli %add3A_1554, %shift_left3A_1557 : vector<16xi32>
        %shift_right_logical3A_1559 = arith.constant 19 : i32
        %shift_right_logical3A_1560 = vector.broadcast %shift_right_logical3A_1559 : i32 to vector<16xi32>
        %shift_right_logical3A_1561 = arith.shrui %add3A_1554, %shift_right_logical3A_1560 : vector<16xi32>
        %or3A_1562 = arith.ori %shift_left3A_1558, %shift_right_logical3A_1561 : vector<16xi32>
        %xor3A_1563 = arith.xori %add3A_1555, %or3A_1562 : vector<16xi32>
        %add3A_1564 = arith.addi %add3A_1555, %xor3A_1563 : vector<16xi32>
        %shift_left3A_1565 = arith.constant 15 : i32
        %shift_left3A_1566 = vector.broadcast %shift_left3A_1565 : i32 to vector<16xi32>
        %shift_left3A_1567 = arith.shli %xor3A_1563, %shift_left3A_1566 : vector<16xi32>
        %shift_right_logical3A_1568 = arith.constant 17 : i32
        %shift_right_logical3A_1569 = vector.broadcast %shift_right_logical3A_1568 : i32 to vector<16xi32>
        %shift_right_logical3A_1570 = arith.shrui %xor3A_1563, %shift_right_logical3A_1569 : vector<16xi32>
        %or3A_1571 = arith.ori %shift_left3A_1567, %shift_right_logical3A_1570 : vector<16xi32>
        %xor3A_1572 = arith.xori %add3A_1564, %or3A_1571 : vector<16xi32>
        %add3A_1573 = arith.addi %add3A_1564, %xor3A_1572 : vector<16xi32>
        %shift_left3A_1574 = arith.constant 26 : i32
        %shift_left3A_1575 = vector.broadcast %shift_left3A_1574 : i32 to vector<16xi32>
        %shift_left3A_1576 = arith.shli %xor3A_1572, %shift_left3A_1575 : vector<16xi32>
        %shift_right_logical3A_1577 = arith.constant 6 : i32
        %shift_right_logical3A_1578 = vector.broadcast %shift_right_logical3A_1577 : i32 to vector<16xi32>
        %shift_right_logical3A_1579 = arith.shrui %xor3A_1572, %shift_right_logical3A_1578 : vector<16xi32>
        %or3A_1580 = arith.ori %shift_left3A_1576, %shift_right_logical3A_1579 : vector<16xi32>
        %xor3A_1581 = arith.xori %add3A_1573, %or3A_1580 : vector<16xi32>
        %add3A_1582 = arith.addi %add3A_1573, %xor3A_1581 : vector<16xi32>
        %shift_left3A_1583 = arith.constant 6 : i32
        %shift_left3A_1584 = vector.broadcast %shift_left3A_1583 : i32 to vector<16xi32>
        %shift_left3A_1585 = arith.shli %xor3A_1581, %shift_left3A_1584 : vector<16xi32>
        %shift_right_logical3A_1586 = arith.constant 26 : i32
        %shift_right_logical3A_1587 = vector.broadcast %shift_right_logical3A_1586 : i32 to vector<16xi32>
        %shift_right_logical3A_1588 = arith.shrui %xor3A_1581, %shift_right_logical3A_1587 : vector<16xi32>
        %or3A_1589 = arith.ori %shift_left3A_1585, %shift_right_logical3A_1588 : vector<16xi32>
        %xor3A_1590 = arith.xori %add3A_1582, %or3A_1589 : vector<16xi32>
        %add3A_1591 = arith.constant 0 : i32
        %add3A_1592 = vector.broadcast %add3A_1591 : i32 to vector<16xi32>
        %add3A_1593 = arith.addi %add3A_1582, %add3A_1592 : vector<16xi32>
        %add3A_1594 = arith.constant 42 : i32
        %add3A_1595 = arith.constant 3 : i32
        %add3A_1596 = arith.addi %add3A_1594, %add3A_1595 : i32
        %add3A_1597 = vector.broadcast %add3A_1596 : i32 to vector<16xi32>
        %add3A_1598 = arith.addi %xor3A_1590, %add3A_1597 : vector<16xi32>
        %add3A_1599 = arith.addi %add3A_1593, %add3A_1598 : vector<16xi32>
        %shift_left3A_1600 = arith.constant 17 : i32
        %shift_left3A_1601 = vector.broadcast %shift_left3A_1600 : i32 to vector<16xi32>
        %shift_left3A_1602 = arith.shli %add3A_1598, %shift_left3A_1601 : vector<16xi32>
        %shift_right_logical3A_1603 = arith.constant 15 : i32
        %shift_right_logical3A_1604 = vector.broadcast %shift_right_logical3A_1603 : i32 to vector<16xi32>
        %shift_right_logical3A_1605 = arith.shrui %add3A_1598, %shift_right_logical3A_1604 : vector<16xi32>
        %or3A_1606 = arith.ori %shift_left3A_1602, %shift_right_logical3A_1605 : vector<16xi32>
        %xor3A_1607 = arith.xori %add3A_1599, %or3A_1606 : vector<16xi32>
        %add3A_1608 = arith.addi %add3A_1599, %xor3A_1607 : vector<16xi32>
        %shift_left3A_1609 = arith.constant 29 : i32
        %shift_left3A_1610 = vector.broadcast %shift_left3A_1609 : i32 to vector<16xi32>
        %shift_left3A_1611 = arith.shli %xor3A_1607, %shift_left3A_1610 : vector<16xi32>
        %shift_right_logical3A_1612 = arith.constant 3 : i32
        %shift_right_logical3A_1613 = vector.broadcast %shift_right_logical3A_1612 : i32 to vector<16xi32>
        %shift_right_logical3A_1614 = arith.shrui %xor3A_1607, %shift_right_logical3A_1613 : vector<16xi32>
        %or3A_1615 = arith.ori %shift_left3A_1611, %shift_right_logical3A_1614 : vector<16xi32>
        %xor3A_1616 = arith.xori %add3A_1608, %or3A_1615 : vector<16xi32>
        %add3A_1617 = arith.addi %add3A_1608, %xor3A_1616 : vector<16xi32>
        %shift_left3A_1618 = arith.constant 16 : i32
        %shift_left3A_1619 = vector.broadcast %shift_left3A_1618 : i32 to vector<16xi32>
        %shift_left3A_1620 = arith.shli %xor3A_1616, %shift_left3A_1619 : vector<16xi32>
        %shift_right_logical3A_1621 = arith.constant 16 : i32
        %shift_right_logical3A_1622 = vector.broadcast %shift_right_logical3A_1621 : i32 to vector<16xi32>
        %shift_right_logical3A_1623 = arith.shrui %xor3A_1616, %shift_right_logical3A_1622 : vector<16xi32>
        %or3A_1624 = arith.ori %shift_left3A_1620, %shift_right_logical3A_1623 : vector<16xi32>
        %xor3A_1625 = arith.xori %add3A_1617, %or3A_1624 : vector<16xi32>
        %add3A_1626 = arith.addi %add3A_1617, %xor3A_1625 : vector<16xi32>
        %shift_left3A_1627 = arith.constant 24 : i32
        %shift_left3A_1628 = vector.broadcast %shift_left3A_1627 : i32 to vector<16xi32>
        %shift_left3A_1629 = arith.shli %xor3A_1625, %shift_left3A_1628 : vector<16xi32>
        %shift_right_logical3A_1630 = arith.constant 8 : i32
        %shift_right_logical3A_1631 = vector.broadcast %shift_right_logical3A_1630 : i32 to vector<16xi32>
        %shift_right_logical3A_1632 = arith.shrui %xor3A_1625, %shift_right_logical3A_1631 : vector<16xi32>
        %or3A_1633 = arith.ori %shift_left3A_1629, %shift_right_logical3A_1632 : vector<16xi32>
        %xor3A_1634 = arith.xori %add3A_1626, %or3A_1633 : vector<16xi32>
        %add3A_1635 = arith.constant 42 : i32
        %add3A_1636 = vector.broadcast %add3A_1635 : i32 to vector<16xi32>
        %add3A_1637 = arith.addi %add3A_1626, %add3A_1636 : vector<16xi32>
        %add3A_1638 = arith.constant 4 : i32
        %add3A_1639 = arith.addi %xor3A_1461, %add3A_1638 : i32
        %add3A_1640 = vector.broadcast %add3A_1639 : i32 to vector<16xi32>
        %add3A_1641 = arith.addi %xor3A_1634, %add3A_1640 : vector<16xi32>
        %add3A_1642 = arith.addi %add3A_1637, %add3A_1641 : vector<16xi32>
        %shift_left3A_1643 = arith.constant 13 : i32
        %shift_left3A_1644 = vector.broadcast %shift_left3A_1643 : i32 to vector<16xi32>
        %shift_left3A_1645 = arith.shli %add3A_1641, %shift_left3A_1644 : vector<16xi32>
        %shift_right_logical3A_1646 = arith.constant 19 : i32
        %shift_right_logical3A_1647 = vector.broadcast %shift_right_logical3A_1646 : i32 to vector<16xi32>
        %shift_right_logical3A_1648 = arith.shrui %add3A_1641, %shift_right_logical3A_1647 : vector<16xi32>
        %or3A_1649 = arith.ori %shift_left3A_1645, %shift_right_logical3A_1648 : vector<16xi32>
        %xor3A_1650 = arith.xori %add3A_1642, %or3A_1649 : vector<16xi32>
        %add3A_1651 = arith.addi %add3A_1642, %xor3A_1650 : vector<16xi32>
        %shift_left3A_1652 = arith.constant 15 : i32
        %shift_left3A_1653 = vector.broadcast %shift_left3A_1652 : i32 to vector<16xi32>
        %shift_left3A_1654 = arith.shli %xor3A_1650, %shift_left3A_1653 : vector<16xi32>
        %shift_right_logical3A_1655 = arith.constant 17 : i32
        %shift_right_logical3A_1656 = vector.broadcast %shift_right_logical3A_1655 : i32 to vector<16xi32>
        %shift_right_logical3A_1657 = arith.shrui %xor3A_1650, %shift_right_logical3A_1656 : vector<16xi32>
        %or3A_1658 = arith.ori %shift_left3A_1654, %shift_right_logical3A_1657 : vector<16xi32>
        %xor3A_1659 = arith.xori %add3A_1651, %or3A_1658 : vector<16xi32>
        %add3A_1660 = arith.addi %add3A_1651, %xor3A_1659 : vector<16xi32>
        %shift_left3A_1661 = arith.constant 26 : i32
        %shift_left3A_1662 = vector.broadcast %shift_left3A_1661 : i32 to vector<16xi32>
        %shift_left3A_1663 = arith.shli %xor3A_1659, %shift_left3A_1662 : vector<16xi32>
        %shift_right_logical3A_1664 = arith.constant 6 : i32
        %shift_right_logical3A_1665 = vector.broadcast %shift_right_logical3A_1664 : i32 to vector<16xi32>
        %shift_right_logical3A_1666 = arith.shrui %xor3A_1659, %shift_right_logical3A_1665 : vector<16xi32>
        %or3A_1667 = arith.ori %shift_left3A_1663, %shift_right_logical3A_1666 : vector<16xi32>
        %xor3A_1668 = arith.xori %add3A_1660, %or3A_1667 : vector<16xi32>
        %add3A_1669 = arith.addi %add3A_1660, %xor3A_1668 : vector<16xi32>
        %shift_left3A_1670 = arith.constant 6 : i32
        %shift_left3A_1671 = vector.broadcast %shift_left3A_1670 : i32 to vector<16xi32>
        %shift_left3A_1672 = arith.shli %xor3A_1668, %shift_left3A_1671 : vector<16xi32>
        %shift_right_logical3A_1673 = arith.constant 26 : i32
        %shift_right_logical3A_1674 = vector.broadcast %shift_right_logical3A_1673 : i32 to vector<16xi32>
        %shift_right_logical3A_1675 = arith.shrui %xor3A_1668, %shift_right_logical3A_1674 : vector<16xi32>
        %or3A_1676 = arith.ori %shift_left3A_1672, %shift_right_logical3A_1675 : vector<16xi32>
        %xor3A_1677 = arith.xori %add3A_1669, %or3A_1676 : vector<16xi32>
        %add3A_1678 = vector.broadcast %xor3A_1461 : i32 to vector<16xi32>
        %add3A_1679 = arith.addi %add3A_1669, %add3A_1678 : vector<16xi32>
        %add3A_1680 = arith.constant 0 : i32
        %add3A_1681 = arith.constant 5 : i32
        %add3A_1682 = arith.addi %add3A_1680, %add3A_1681 : i32
        %add3A_1683 = vector.broadcast %add3A_1682 : i32 to vector<16xi32>
        %add3A_1684 = arith.addi %xor3A_1677, %add3A_1683 : vector<16xi32>
        %xor3A_1685 = arith.xori %add3A_1679, %add3A_1684 : vector<16xi32>
        %swap3A_1686 = arith.index_cast %scan3A_25 : i32 to index
        %swap3A_1687 = arith.constant 96 : index
        %swap3A_1688 = tpu.vector_load %arg3[%swap3A_1686, %swap3A_1687] {strides = array<i32>} : memref<64x128xi32, #tpu.memory_space<vmem>>, vector<1x16xi32>,
        %swap3A_1689 = vector.shape_cast %swap3A_1688 : vector<1x16xi32> to vector<16xi32>
        %swap3A_1690 = vector.shape_cast %xor3A_1685 : vector<16xi32> to vector<1x16xi32>
        tpu.vector_store %arg3[%swap3A_1686, %swap3A_1687], %swap3A_1690 {strides = array<i32>} : memref<64x128xi32, #tpu.memory_space<vmem>>, vector<1x16xi32>,
        %add3A_1691 = arith.constant 11200000 : i32
        %add3A_1692 = arith.addi %add3A_29, %add3A_1691 : i32
        %add3A_1693 = vector.broadcast %add3A_1692 : i32 to vector<16xi32>
        %add3A_1694 = arith.addi %mul3A_9, %add3A_1693 : vector<16xi32>
        %xor3A_1695 = arith.constant 0 : i32
        %xor3A_1696 = arith.constant 42 : i32
        %xor3A_1697 = arith.xori %xor3A_1695, %xor3A_1696 : i32
        %xor3A_1698 = arith.constant 466688986 : i32
        %xor3A_1699 = arith.xori %xor3A_1697, %xor3A_1698 : i32
        %add3A_1700 = arith.constant 0 : i32
        %add3A_1701 = arith.constant 0 : i32
        %add3A_1702 = arith.addi %add3A_1700, %add3A_1701 : i32
        %add3A_1703 = arith.constant 42 : i32
        %add3A_1704 = vector.broadcast %add3A_1703 : i32 to vector<16xi32>
        %add3A_1705 = arith.addi %add3A_1694, %add3A_1704 : vector<16xi32>
        %add3A_1706 = vector.broadcast %add3A_1702 : i32 to vector<16xi32>
        %add3A_1707 = arith.addi %add3A_1706, %add3A_1705 : vector<16xi32>
        %shift_left3A_1708 = arith.constant 13 : i32
        %shift_left3A_1709 = vector.broadcast %shift_left3A_1708 : i32 to vector<16xi32>
        %shift_left3A_1710 = arith.shli %add3A_1705, %shift_left3A_1709 : vector<16xi32>
        %shift_right_logical3A_1711 = arith.constant 19 : i32
        %shift_right_logical3A_1712 = vector.broadcast %shift_right_logical3A_1711 : i32 to vector<16xi32>
        %shift_right_logical3A_1713 = arith.shrui %add3A_1705, %shift_right_logical3A_1712 : vector<16xi32>
        %or3A_1714 = arith.ori %shift_left3A_1710, %shift_right_logical3A_1713 : vector<16xi32>
        %xor3A_1715 = arith.xori %add3A_1707, %or3A_1714 : vector<16xi32>
        %add3A_1716 = arith.addi %add3A_1707, %xor3A_1715 : vector<16xi32>
        %shift_left3A_1717 = arith.constant 15 : i32
        %shift_left3A_1718 = vector.broadcast %shift_left3A_1717 : i32 to vector<16xi32>
        %shift_left3A_1719 = arith.shli %xor3A_1715, %shift_left3A_1718 : vector<16xi32>
        %shift_right_logical3A_1720 = arith.constant 17 : i32
        %shift_right_logical3A_1721 = vector.broadcast %shift_right_logical3A_1720 : i32 to vector<16xi32>
        %shift_right_logical3A_1722 = arith.shrui %xor3A_1715, %shift_right_logical3A_1721 : vector<16xi32>
        %or3A_1723 = arith.ori %shift_left3A_1719, %shift_right_logical3A_1722 : vector<16xi32>
        %xor3A_1724 = arith.xori %add3A_1716, %or3A_1723 : vector<16xi32>
        %add3A_1725 = arith.addi %add3A_1716, %xor3A_1724 : vector<16xi32>
        %shift_left3A_1726 = arith.constant 26 : i32
        %shift_left3A_1727 = vector.broadcast %shift_left3A_1726 : i32 to vector<16xi32>
        %shift_left3A_1728 = arith.shli %xor3A_1724, %shift_left3A_1727 : vector<16xi32>
        %shift_right_logical3A_1729 = arith.constant 6 : i32
        %shift_right_logical3A_1730 = vector.broadcast %shift_right_logical3A_1729 : i32 to vector<16xi32>
        %shift_right_logical3A_1731 = arith.shrui %xor3A_1724, %shift_right_logical3A_1730 : vector<16xi32>
        %or3A_1732 = arith.ori %shift_left3A_1728, %shift_right_logical3A_1731 : vector<16xi32>
        %xor3A_1733 = arith.xori %add3A_1725, %or3A_1732 : vector<16xi32>
        %add3A_1734 = arith.addi %add3A_1725, %xor3A_1733 : vector<16xi32>
        %shift_left3A_1735 = arith.constant 6 : i32
        %shift_left3A_1736 = vector.broadcast %shift_left3A_1735 : i32 to vector<16xi32>
        %shift_left3A_1737 = arith.shli %xor3A_1733, %shift_left3A_1736 : vector<16xi32>
        %shift_right_logical3A_1738 = arith.constant 26 : i32
        %shift_right_logical3A_1739 = vector.broadcast %shift_right_logical3A_1738 : i32 to vector<16xi32>
        %shift_right_logical3A_1740 = arith.shrui %xor3A_1733, %shift_right_logical3A_1739 : vector<16xi32>
        %or3A_1741 = arith.ori %shift_left3A_1737, %shift_right_logical3A_1740 : vector<16xi32>
        %xor3A_1742 = arith.xori %add3A_1734, %or3A_1741 : vector<16xi32>
        %add3A_1743 = arith.constant 42 : i32
        %add3A_1744 = vector.broadcast %add3A_1743 : i32 to vector<16xi32>
        %add3A_1745 = arith.addi %add3A_1734, %add3A_1744 : vector<16xi32>
        %add3A_1746 = arith.constant 1 : i32
        %add3A_1747 = arith.addi %xor3A_1699, %add3A_1746 : i32
        %add3A_1748 = vector.broadcast %add3A_1747 : i32 to vector<16xi32>
        %add3A_1749 = arith.addi %xor3A_1742, %add3A_1748 : vector<16xi32>
        %add3A_1750 = arith.addi %add3A_1745, %add3A_1749 : vector<16xi32>
        %shift_left3A_1751 = arith.constant 17 : i32
        %shift_left3A_1752 = vector.broadcast %shift_left3A_1751 : i32 to vector<16xi32>
        %shift_left3A_1753 = arith.shli %add3A_1749, %shift_left3A_1752 : vector<16xi32>
        %shift_right_logical3A_1754 = arith.constant 15 : i32
        %shift_right_logical3A_1755 = vector.broadcast %shift_right_logical3A_1754 : i32 to vector<16xi32>
        %shift_right_logical3A_1756 = arith.shrui %add3A_1749, %shift_right_logical3A_1755 : vector<16xi32>
        %or3A_1757 = arith.ori %shift_left3A_1753, %shift_right_logical3A_1756 : vector<16xi32>
        %xor3A_1758 = arith.xori %add3A_1750, %or3A_1757 : vector<16xi32>
        %add3A_1759 = arith.addi %add3A_1750, %xor3A_1758 : vector<16xi32>
        %shift_left3A_1760 = arith.constant 29 : i32
        %shift_left3A_1761 = vector.broadcast %shift_left3A_1760 : i32 to vector<16xi32>
        %shift_left3A_1762 = arith.shli %xor3A_1758, %shift_left3A_1761 : vector<16xi32>
        %shift_right_logical3A_1763 = arith.constant 3 : i32
        %shift_right_logical3A_1764 = vector.broadcast %shift_right_logical3A_1763 : i32 to vector<16xi32>
        %shift_right_logical3A_1765 = arith.shrui %xor3A_1758, %shift_right_logical3A_1764 : vector<16xi32>
        %or3A_1766 = arith.ori %shift_left3A_1762, %shift_right_logical3A_1765 : vector<16xi32>
        %xor3A_1767 = arith.xori %add3A_1759, %or3A_1766 : vector<16xi32>
        %add3A_1768 = arith.addi %add3A_1759, %xor3A_1767 : vector<16xi32>
        %shift_left3A_1769 = arith.constant 16 : i32
        %shift_left3A_1770 = vector.broadcast %shift_left3A_1769 : i32 to vector<16xi32>
        %shift_left3A_1771 = arith.shli %xor3A_1767, %shift_left3A_1770 : vector<16xi32>
        %shift_right_logical3A_1772 = arith.constant 16 : i32
        %shift_right_logical3A_1773 = vector.broadcast %shift_right_logical3A_1772 : i32 to vector<16xi32>
        %shift_right_logical3A_1774 = arith.shrui %xor3A_1767, %shift_right_logical3A_1773 : vector<16xi32>
        %or3A_1775 = arith.ori %shift_left3A_1771, %shift_right_logical3A_1774 : vector<16xi32>
        %xor3A_1776 = arith.xori %add3A_1768, %or3A_1775 : vector<16xi32>
        %add3A_1777 = arith.addi %add3A_1768, %xor3A_1776 : vector<16xi32>
        %shift_left3A_1778 = arith.constant 24 : i32
        %shift_left3A_1779 = vector.broadcast %shift_left3A_1778 : i32 to vector<16xi32>
        %shift_left3A_1780 = arith.shli %xor3A_1776, %shift_left3A_1779 : vector<16xi32>
        %shift_right_logical3A_1781 = arith.constant 8 : i32
        %shift_right_logical3A_1782 = vector.broadcast %shift_right_logical3A_1781 : i32 to vector<16xi32>
        %shift_right_logical3A_1783 = arith.shrui %xor3A_1776, %shift_right_logical3A_1782 : vector<16xi32>
        %or3A_1784 = arith.ori %shift_left3A_1780, %shift_right_logical3A_1783 : vector<16xi32>
        %xor3A_1785 = arith.xori %add3A_1777, %or3A_1784 : vector<16xi32>
        %add3A_1786 = vector.broadcast %xor3A_1699 : i32 to vector<16xi32>
        %add3A_1787 = arith.addi %add3A_1777, %add3A_1786 : vector<16xi32>
        %add3A_1788 = arith.constant 0 : i32
        %add3A_1789 = arith.constant 2 : i32
        %add3A_1790 = arith.addi %add3A_1788, %add3A_1789 : i32
        %add3A_1791 = vector.broadcast %add3A_1790 : i32 to vector<16xi32>
        %add3A_1792 = arith.addi %xor3A_1785, %add3A_1791 : vector<16xi32>
        %add3A_1793 = arith.addi %add3A_1787, %add3A_1792 : vector<16xi32>
        %shift_left3A_1794 = arith.constant 13 : i32
        %shift_left3A_1795 = vector.broadcast %shift_left3A_1794 : i32 to vector<16xi32>
        %shift_left3A_1796 = arith.shli %add3A_1792, %shift_left3A_1795 : vector<16xi32>
        %shift_right_logical3A_1797 = arith.constant 19 : i32
        %shift_right_logical3A_1798 = vector.broadcast %shift_right_logical3A_1797 : i32 to vector<16xi32>
        %shift_right_logical3A_1799 = arith.shrui %add3A_1792, %shift_right_logical3A_1798 : vector<16xi32>
        %or3A_1800 = arith.ori %shift_left3A_1796, %shift_right_logical3A_1799 : vector<16xi32>
        %xor3A_1801 = arith.xori %add3A_1793, %or3A_1800 : vector<16xi32>
        %add3A_1802 = arith.addi %add3A_1793, %xor3A_1801 : vector<16xi32>
        %shift_left3A_1803 = arith.constant 15 : i32
        %shift_left3A_1804 = vector.broadcast %shift_left3A_1803 : i32 to vector<16xi32>
        %shift_left3A_1805 = arith.shli %xor3A_1801, %shift_left3A_1804 : vector<16xi32>
        %shift_right_logical3A_1806 = arith.constant 17 : i32
        %shift_right_logical3A_1807 = vector.broadcast %shift_right_logical3A_1806 : i32 to vector<16xi32>
        %shift_right_logical3A_1808 = arith.shrui %xor3A_1801, %shift_right_logical3A_1807 : vector<16xi32>
        %or3A_1809 = arith.ori %shift_left3A_1805, %shift_right_logical3A_1808 : vector<16xi32>
        %xor3A_1810 = arith.xori %add3A_1802, %or3A_1809 : vector<16xi32>
        %add3A_1811 = arith.addi %add3A_1802, %xor3A_1810 : vector<16xi32>
        %shift_left3A_1812 = arith.constant 26 : i32
        %shift_left3A_1813 = vector.broadcast %shift_left3A_1812 : i32 to vector<16xi32>
        %shift_left3A_1814 = arith.shli %xor3A_1810, %shift_left3A_1813 : vector<16xi32>
        %shift_right_logical3A_1815 = arith.constant 6 : i32
        %shift_right_logical3A_1816 = vector.broadcast %shift_right_logical3A_1815 : i32 to vector<16xi32>
        %shift_right_logical3A_1817 = arith.shrui %xor3A_1810, %shift_right_logical3A_1816 : vector<16xi32>
        %or3A_1818 = arith.ori %shift_left3A_1814, %shift_right_logical3A_1817 : vector<16xi32>
        %xor3A_1819 = arith.xori %add3A_1811, %or3A_1818 : vector<16xi32>
        %add3A_1820 = arith.addi %add3A_1811, %xor3A_1819 : vector<16xi32>
        %shift_left3A_1821 = arith.constant 6 : i32
        %shift_left3A_1822 = vector.broadcast %shift_left3A_1821 : i32 to vector<16xi32>
        %shift_left3A_1823 = arith.shli %xor3A_1819, %shift_left3A_1822 : vector<16xi32>
        %shift_right_logical3A_1824 = arith.constant 26 : i32
        %shift_right_logical3A_1825 = vector.broadcast %shift_right_logical3A_1824 : i32 to vector<16xi32>
        %shift_right_logical3A_1826 = arith.shrui %xor3A_1819, %shift_right_logical3A_1825 : vector<16xi32>
        %or3A_1827 = arith.ori %shift_left3A_1823, %shift_right_logical3A_1826 : vector<16xi32>
        %xor3A_1828 = arith.xori %add3A_1820, %or3A_1827 : vector<16xi32>
        %add3A_1829 = arith.constant 0 : i32
        %add3A_1830 = vector.broadcast %add3A_1829 : i32 to vector<16xi32>
        %add3A_1831 = arith.addi %add3A_1820, %add3A_1830 : vector<16xi32>
        %add3A_1832 = arith.constant 42 : i32
        %add3A_1833 = arith.constant 3 : i32
        %add3A_1834 = arith.addi %add3A_1832, %add3A_1833 : i32
        %add3A_1835 = vector.broadcast %add3A_1834 : i32 to vector<16xi32>
        %add3A_1836 = arith.addi %xor3A_1828, %add3A_1835 : vector<16xi32>
        %add3A_1837 = arith.addi %add3A_1831, %add3A_1836 : vector<16xi32>
        %shift_left3A_1838 = arith.constant 17 : i32
        %shift_left3A_1839 = vector.broadcast %shift_left3A_1838 : i32 to vector<16xi32>
        %shift_left3A_1840 = arith.shli %add3A_1836, %shift_left3A_1839 : vector<16xi32>
        %shift_right_logical3A_1841 = arith.constant 15 : i32
        %shift_right_logical3A_1842 = vector.broadcast %shift_right_logical3A_1841 : i32 to vector<16xi32>
        %shift_right_logical3A_1843 = arith.shrui %add3A_1836, %shift_right_logical3A_1842 : vector<16xi32>
        %or3A_1844 = arith.ori %shift_left3A_1840, %shift_right_logical3A_1843 : vector<16xi32>
        %xor3A_1845 = arith.xori %add3A_1837, %or3A_1844 : vector<16xi32>
        %add3A_1846 = arith.addi %add3A_1837, %xor3A_1845 : vector<16xi32>
        %shift_left3A_1847 = arith.constant 29 : i32
        %shift_left3A_1848 = vector.broadcast %shift_left3A_1847 : i32 to vector<16xi32>
        %shift_left3A_1849 = arith.shli %xor3A_1845, %shift_left3A_1848 : vector<16xi32>
        %shift_right_logical3A_1850 = arith.constant 3 : i32
        %shift_right_logical3A_1851 = vector.broadcast %shift_right_logical3A_1850 : i32 to vector<16xi32>
        %shift_right_logical3A_1852 = arith.shrui %xor3A_1845, %shift_right_logical3A_1851 : vector<16xi32>
        %or3A_1853 = arith.ori %shift_left3A_1849, %shift_right_logical3A_1852 : vector<16xi32>
        %xor3A_1854 = arith.xori %add3A_1846, %or3A_1853 : vector<16xi32>
        %add3A_1855 = arith.addi %add3A_1846, %xor3A_1854 : vector<16xi32>
        %shift_left3A_1856 = arith.constant 16 : i32
        %shift_left3A_1857 = vector.broadcast %shift_left3A_1856 : i32 to vector<16xi32>
        %shift_left3A_1858 = arith.shli %xor3A_1854, %shift_left3A_1857 : vector<16xi32>
        %shift_right_logical3A_1859 = arith.constant 16 : i32
        %shift_right_logical3A_1860 = vector.broadcast %shift_right_logical3A_1859 : i32 to vector<16xi32>
        %shift_right_logical3A_1861 = arith.shrui %xor3A_1854, %shift_right_logical3A_1860 : vector<16xi32>
        %or3A_1862 = arith.ori %shift_left3A_1858, %shift_right_logical3A_1861 : vector<16xi32>
        %xor3A_1863 = arith.xori %add3A_1855, %or3A_1862 : vector<16xi32>
        %add3A_1864 = arith.addi %add3A_1855, %xor3A_1863 : vector<16xi32>
        %shift_left3A_1865 = arith.constant 24 : i32
        %shift_left3A_1866 = vector.broadcast %shift_left3A_1865 : i32 to vector<16xi32>
        %shift_left3A_1867 = arith.shli %xor3A_1863, %shift_left3A_1866 : vector<16xi32>
        %shift_right_logical3A_1868 = arith.constant 8 : i32
        %shift_right_logical3A_1869 = vector.broadcast %shift_right_logical3A_1868 : i32 to vector<16xi32>
        %shift_right_logical3A_1870 = arith.shrui %xor3A_1863, %shift_right_logical3A_1869 : vector<16xi32>
        %or3A_1871 = arith.ori %shift_left3A_1867, %shift_right_logical3A_1870 : vector<16xi32>
        %xor3A_1872 = arith.xori %add3A_1864, %or3A_1871 : vector<16xi32>
        %add3A_1873 = arith.constant 42 : i32
        %add3A_1874 = vector.broadcast %add3A_1873 : i32 to vector<16xi32>
        %add3A_1875 = arith.addi %add3A_1864, %add3A_1874 : vector<16xi32>
        %add3A_1876 = arith.constant 4 : i32
        %add3A_1877 = arith.addi %xor3A_1699, %add3A_1876 : i32
        %add3A_1878 = vector.broadcast %add3A_1877 : i32 to vector<16xi32>
        %add3A_1879 = arith.addi %xor3A_1872, %add3A_1878 : vector<16xi32>
        %add3A_1880 = arith.addi %add3A_1875, %add3A_1879 : vector<16xi32>
        %shift_left3A_1881 = arith.constant 13 : i32
        %shift_left3A_1882 = vector.broadcast %shift_left3A_1881 : i32 to vector<16xi32>
        %shift_left3A_1883 = arith.shli %add3A_1879, %shift_left3A_1882 : vector<16xi32>
        %shift_right_logical3A_1884 = arith.constant 19 : i32
        %shift_right_logical3A_1885 = vector.broadcast %shift_right_logical3A_1884 : i32 to vector<16xi32>
        %shift_right_logical3A_1886 = arith.shrui %add3A_1879, %shift_right_logical3A_1885 : vector<16xi32>
        %or3A_1887 = arith.ori %shift_left3A_1883, %shift_right_logical3A_1886 : vector<16xi32>
        %xor3A_1888 = arith.xori %add3A_1880, %or3A_1887 : vector<16xi32>
        %add3A_1889 = arith.addi %add3A_1880, %xor3A_1888 : vector<16xi32>
        %shift_left3A_1890 = arith.constant 15 : i32
        %shift_left3A_1891 = vector.broadcast %shift_left3A_1890 : i32 to vector<16xi32>
        %shift_left3A_1892 = arith.shli %xor3A_1888, %shift_left3A_1891 : vector<16xi32>
        %shift_right_logical3A_1893 = arith.constant 17 : i32
        %shift_right_logical3A_1894 = vector.broadcast %shift_right_logical3A_1893 : i32 to vector<16xi32>
        %shift_right_logical3A_1895 = arith.shrui %xor3A_1888, %shift_right_logical3A_1894 : vector<16xi32>
        %or3A_1896 = arith.ori %shift_left3A_1892, %shift_right_logical3A_1895 : vector<16xi32>
        %xor3A_1897 = arith.xori %add3A_1889, %or3A_1896 : vector<16xi32>
        %add3A_1898 = arith.addi %add3A_1889, %xor3A_1897 : vector<16xi32>
        %shift_left3A_1899 = arith.constant 26 : i32
        %shift_left3A_1900 = vector.broadcast %shift_left3A_1899 : i32 to vector<16xi32>
        %shift_left3A_1901 = arith.shli %xor3A_1897, %shift_left3A_1900 : vector<16xi32>
        %shift_right_logical3A_1902 = arith.constant 6 : i32
        %shift_right_logical3A_1903 = vector.broadcast %shift_right_logical3A_1902 : i32 to vector<16xi32>
        %shift_right_logical3A_1904 = arith.shrui %xor3A_1897, %shift_right_logical3A_1903 : vector<16xi32>
        %or3A_1905 = arith.ori %shift_left3A_1901, %shift_right_logical3A_1904 : vector<16xi32>
        %xor3A_1906 = arith.xori %add3A_1898, %or3A_1905 : vector<16xi32>
        %add3A_1907 = arith.addi %add3A_1898, %xor3A_1906 : vector<16xi32>
        %shift_left3A_1908 = arith.constant 6 : i32
        %shift_left3A_1909 = vector.broadcast %shift_left3A_1908 : i32 to vector<16xi32>
        %shift_left3A_1910 = arith.shli %xor3A_1906, %shift_left3A_1909 : vector<16xi32>
        %shift_right_logical3A_1911 = arith.constant 26 : i32
        %shift_right_logical3A_1912 = vector.broadcast %shift_right_logical3A_1911 : i32 to vector<16xi32>
        %shift_right_logical3A_1913 = arith.shrui %xor3A_1906, %shift_right_logical3A_1912 : vector<16xi32>
        %or3A_1914 = arith.ori %shift_left3A_1910, %shift_right_logical3A_1913 : vector<16xi32>
        %xor3A_1915 = arith.xori %add3A_1907, %or3A_1914 : vector<16xi32>
        %add3A_1916 = vector.broadcast %xor3A_1699 : i32 to vector<16xi32>
        %add3A_1917 = arith.addi %add3A_1907, %add3A_1916 : vector<16xi32>
        %add3A_1918 = arith.constant 0 : i32
        %add3A_1919 = arith.constant 5 : i32
        %add3A_1920 = arith.addi %add3A_1918, %add3A_1919 : i32
        %add3A_1921 = vector.broadcast %add3A_1920 : i32 to vector<16xi32>
        %add3A_1922 = arith.addi %xor3A_1915, %add3A_1921 : vector<16xi32>
        %xor3A_1923 = arith.xori %add3A_1917, %add3A_1922 : vector<16xi32>
        %swap3A_1924 = arith.index_cast %scan3A_25 : i32 to index
        %swap3A_1925 = arith.constant 112 : index
        %swap3A_1926 = tpu.vector_load %arg3[%swap3A_1924, %swap3A_1925] {strides = array<i32>} : memref<64x128xi32, #tpu.memory_space<vmem>>, vector<1x16xi32>,
        %swap3A_1927 = vector.shape_cast %swap3A_1926 : vector<1x16xi32> to vector<16xi32>
        %swap3A_1928 = vector.shape_cast %xor3A_1923 : vector<16xi32> to vector<1x16xi32>
        tpu.vector_store %arg3[%swap3A_1924, %swap3A_1925], %swap3A_1928 {strides = array<i32>} : memref<64x128xi32, #tpu.memory_space<vmem>>, vector<1x16xi32>,
      }
      %scan3A_21 = arith.constant 64 : i32
      %mul3A_22 = arith.constant 64 : i32
      %mul3A_23 = arith.muli %scan3A_15, %mul3A_22 : i32
      %add3A_24 = arith.addi %mul3A_6, %mul3A_23 : i32
      "tpu.region"() ({
        %run_scoped3A = tpu.sem_alloc : memref<!tpu.dma_semaphore, #tpu.memory_space<semaphore_mem>>
        %dma_start3A = arith.constant 0 : i32
        %dma_start3A_25 = tpu.memref_slice %arg2[%add3A_24, %dma_start3A] : memref<28672x128xi32, #tpu.memory_space<hbm>> -> memref<64x128xi32, #tpu.memory_space<hbm>>
        %dma_start3A_26 = arith.constant 0 : i32
        %dma_start3A_27 = tpu.memref_slice %arg2[%add3A_24, %dma_start3A_26] : memref<28672x128xi32, #tpu.memory_space<hbm>> -> memref<64x128xi32, #tpu.memory_space<hbm>>
        tpu.enqueue_dma source(%arg3 : memref<64x128xi32, #tpu.memory_space<vmem>>) target(%dma_start3A_27 : memref<64x128xi32, #tpu.memory_space<hbm>>) target_semaphore(%run_scoped3A : memref<!tpu.dma_semaphore, #tpu.memory_space<semaphore_mem>>)
        %dma_wait3A = arith.constant 0 : i32
        %dma_wait3A_28 = tpu.memref_slice %arg2[%add3A_24, %dma_wait3A] : memref<28672x128xi32, #tpu.memory_space<hbm>> -> memref<64x128xi32, #tpu.memory_space<hbm>>
        %dma_wait3A_29 = arith.constant 0 : i32
        %dma_wait3A_30 = tpu.memref_slice %arg2[%add3A_24, %dma_wait3A_29] : memref<28672x128xi32, #tpu.memory_space<hbm>> -> memref<64x128xi32, #tpu.memory_space<hbm>>
        tpu.wait_dma2 semaphore(%run_scoped3A : memref<!tpu.dma_semaphore, #tpu.memory_space<semaphore_mem>>) src(%arg3 : memref<64x128xi32, #tpu.memory_space<vmem>>) dst(%dma_wait3A_30 : memref<64x128xi32, #tpu.memory_space<hbm>>)
        tpu.yield
      }) : () -> ()
    }
    %scan3A_14 = arith.constant 14 : i32
    return
  }
}

module attributes {stable_mosaic.version = 14 : i64} {
  func.func @_main_kernel(%arg0: i32, %arg1: memref<2048x128xf32, #tpu.memory_space<vmem>>, %arg2: memref<128x1xf32, #tpu.memory_space<vmem>>, %arg3: memref<128x1xi32, #tpu.memory_space<vmem>>) attributes {dimension_semantics = [#tpu.dimension_semantics<arbitrary>], iteration_bounds = array<i64: 35>, scalar_prefetch = 0 : i64, scratch_operands = 0 : i64, tpu.core_type = #tpu.core_type<tc>, window_params = [{transform_indices = @transform_0, window_bounds = array<i64: 2048, 128>}, {pipeline_mode = #tpu.pipeline_mode<synchronous>, transform_indices = @transform_1, window_bounds = array<i64: 128, 1>}, {pipeline_mode = #tpu.pipeline_mode<synchronous>, transform_indices = @transform_2, window_bounds = array<i64: 128, 1>}]} {
    %iota3A = tpu.iota {dimensions = array<i32: 1>} : vector<128x2048xi32>
    %mul3A = arith.constant 2048 : i32
    %mul3A_0 = arith.muli %arg0, %mul3A : i32
    %add3A = vector.broadcast %mul3A_0 : i32 to vector<128x2048xi32>
    %add3A_1 = arith.addi %iota3A, %add3A : vector<128x2048xi32>
    %iota3A_2 = tpu.iota {dimensions = array<i32: 0>} : vector<128x2048xi32>
    %mul3A_3 = arith.constant 100000 : i32
    %mul3A_4 = vector.broadcast %mul3A_3 : i32 to vector<128x2048xi32>
    %mul3A_5 = arith.muli %iota3A_2, %mul3A_4 : vector<128x2048xi32>
    %add3A_6 = arith.addi %mul3A_5, %add3A_1 : vector<128x2048xi32>
    %xor3A = arith.constant 0 : i32
    %xor3A_7 = arith.constant 42 : i32
    %xor3A_8 = arith.xori %xor3A, %xor3A_7 : i32
    %xor3A_9 = arith.constant 466688986 : i32
    %xor3A_10 = arith.xori %xor3A_8, %xor3A_9 : i32
    %add3A_11 = arith.constant 0 : i32
    %add3A_12 = arith.constant 0 : i32
    %add3A_13 = arith.addi %add3A_11, %add3A_12 : i32
    %add3A_14 = arith.constant 42 : i32
    %add3A_15 = vector.broadcast %add3A_14 : i32 to vector<128x2048xi32>
    %add3A_16 = arith.addi %add3A_6, %add3A_15 : vector<128x2048xi32>
    %add3A_17 = vector.broadcast %add3A_13 : i32 to vector<128x2048xi32>
    %add3A_18 = arith.addi %add3A_17, %add3A_16 : vector<128x2048xi32>
    %shift_left3A = arith.constant 13 : i32
    %shift_left3A_19 = vector.broadcast %shift_left3A : i32 to vector<128x2048xi32>
    %shift_left3A_20 = arith.shli %add3A_16, %shift_left3A_19 : vector<128x2048xi32>
    %shift_right_logical3A = arith.constant 19 : i32
    %shift_right_logical3A_21 = vector.broadcast %shift_right_logical3A : i32 to vector<128x2048xi32>
    %shift_right_logical3A_22 = arith.shrui %add3A_16, %shift_right_logical3A_21 : vector<128x2048xi32>
    %or3A = arith.ori %shift_left3A_20, %shift_right_logical3A_22 : vector<128x2048xi32>
    %xor3A_23 = arith.xori %add3A_18, %or3A : vector<128x2048xi32>
    %add3A_24 = arith.addi %add3A_18, %xor3A_23 : vector<128x2048xi32>
    %shift_left3A_25 = arith.constant 15 : i32
    %shift_left3A_26 = vector.broadcast %shift_left3A_25 : i32 to vector<128x2048xi32>
    %shift_left3A_27 = arith.shli %xor3A_23, %shift_left3A_26 : vector<128x2048xi32>
    %shift_right_logical3A_28 = arith.constant 17 : i32
    %shift_right_logical3A_29 = vector.broadcast %shift_right_logical3A_28 : i32 to vector<128x2048xi32>
    %shift_right_logical3A_30 = arith.shrui %xor3A_23, %shift_right_logical3A_29 : vector<128x2048xi32>
    %or3A_31 = arith.ori %shift_left3A_27, %shift_right_logical3A_30 : vector<128x2048xi32>
    %xor3A_32 = arith.xori %add3A_24, %or3A_31 : vector<128x2048xi32>
    %add3A_33 = arith.addi %add3A_24, %xor3A_32 : vector<128x2048xi32>
    %shift_left3A_34 = arith.constant 26 : i32
    %shift_left3A_35 = vector.broadcast %shift_left3A_34 : i32 to vector<128x2048xi32>
    %shift_left3A_36 = arith.shli %xor3A_32, %shift_left3A_35 : vector<128x2048xi32>
    %shift_right_logical3A_37 = arith.constant 6 : i32
    %shift_right_logical3A_38 = vector.broadcast %shift_right_logical3A_37 : i32 to vector<128x2048xi32>
    %shift_right_logical3A_39 = arith.shrui %xor3A_32, %shift_right_logical3A_38 : vector<128x2048xi32>
    %or3A_40 = arith.ori %shift_left3A_36, %shift_right_logical3A_39 : vector<128x2048xi32>
    %xor3A_41 = arith.xori %add3A_33, %or3A_40 : vector<128x2048xi32>
    %add3A_42 = arith.addi %add3A_33, %xor3A_41 : vector<128x2048xi32>
    %shift_left3A_43 = arith.constant 6 : i32
    %shift_left3A_44 = vector.broadcast %shift_left3A_43 : i32 to vector<128x2048xi32>
    %shift_left3A_45 = arith.shli %xor3A_41, %shift_left3A_44 : vector<128x2048xi32>
    %shift_right_logical3A_46 = arith.constant 26 : i32
    %shift_right_logical3A_47 = vector.broadcast %shift_right_logical3A_46 : i32 to vector<128x2048xi32>
    %shift_right_logical3A_48 = arith.shrui %xor3A_41, %shift_right_logical3A_47 : vector<128x2048xi32>
    %or3A_49 = arith.ori %shift_left3A_45, %shift_right_logical3A_48 : vector<128x2048xi32>
    %xor3A_50 = arith.xori %add3A_42, %or3A_49 : vector<128x2048xi32>
    %add3A_51 = arith.constant 42 : i32
    %add3A_52 = vector.broadcast %add3A_51 : i32 to vector<128x2048xi32>
    %add3A_53 = arith.addi %add3A_42, %add3A_52 : vector<128x2048xi32>
    %add3A_54 = arith.constant 1 : i32
    %add3A_55 = arith.addi %xor3A_10, %add3A_54 : i32
    %add3A_56 = vector.broadcast %add3A_55 : i32 to vector<128x2048xi32>
    %add3A_57 = arith.addi %xor3A_50, %add3A_56 : vector<128x2048xi32>
    %add3A_58 = arith.addi %add3A_53, %add3A_57 : vector<128x2048xi32>
    %shift_left3A_59 = arith.constant 17 : i32
    %shift_left3A_60 = vector.broadcast %shift_left3A_59 : i32 to vector<128x2048xi32>
    %shift_left3A_61 = arith.shli %add3A_57, %shift_left3A_60 : vector<128x2048xi32>
    %shift_right_logical3A_62 = arith.constant 15 : i32
    %shift_right_logical3A_63 = vector.broadcast %shift_right_logical3A_62 : i32 to vector<128x2048xi32>
    %shift_right_logical3A_64 = arith.shrui %add3A_57, %shift_right_logical3A_63 : vector<128x2048xi32>
    %or3A_65 = arith.ori %shift_left3A_61, %shift_right_logical3A_64 : vector<128x2048xi32>
    %xor3A_66 = arith.xori %add3A_58, %or3A_65 : vector<128x2048xi32>
    %add3A_67 = arith.addi %add3A_58, %xor3A_66 : vector<128x2048xi32>
    %shift_left3A_68 = arith.constant 29 : i32
    %shift_left3A_69 = vector.broadcast %shift_left3A_68 : i32 to vector<128x2048xi32>
    %shift_left3A_70 = arith.shli %xor3A_66, %shift_left3A_69 : vector<128x2048xi32>
    %shift_right_logical3A_71 = arith.constant 3 : i32
    %shift_right_logical3A_72 = vector.broadcast %shift_right_logical3A_71 : i32 to vector<128x2048xi32>
    %shift_right_logical3A_73 = arith.shrui %xor3A_66, %shift_right_logical3A_72 : vector<128x2048xi32>
    %or3A_74 = arith.ori %shift_left3A_70, %shift_right_logical3A_73 : vector<128x2048xi32>
    %xor3A_75 = arith.xori %add3A_67, %or3A_74 : vector<128x2048xi32>
    %add3A_76 = arith.addi %add3A_67, %xor3A_75 : vector<128x2048xi32>
    %shift_left3A_77 = arith.constant 16 : i32
    %shift_left3A_78 = vector.broadcast %shift_left3A_77 : i32 to vector<128x2048xi32>
    %shift_left3A_79 = arith.shli %xor3A_75, %shift_left3A_78 : vector<128x2048xi32>
    %shift_right_logical3A_80 = arith.constant 16 : i32
    %shift_right_logical3A_81 = vector.broadcast %shift_right_logical3A_80 : i32 to vector<128x2048xi32>
    %shift_right_logical3A_82 = arith.shrui %xor3A_75, %shift_right_logical3A_81 : vector<128x2048xi32>
    %or3A_83 = arith.ori %shift_left3A_79, %shift_right_logical3A_82 : vector<128x2048xi32>
    %xor3A_84 = arith.xori %add3A_76, %or3A_83 : vector<128x2048xi32>
    %add3A_85 = arith.addi %add3A_76, %xor3A_84 : vector<128x2048xi32>
    %shift_left3A_86 = arith.constant 24 : i32
    %shift_left3A_87 = vector.broadcast %shift_left3A_86 : i32 to vector<128x2048xi32>
    %shift_left3A_88 = arith.shli %xor3A_84, %shift_left3A_87 : vector<128x2048xi32>
    %shift_right_logical3A_89 = arith.constant 8 : i32
    %shift_right_logical3A_90 = vector.broadcast %shift_right_logical3A_89 : i32 to vector<128x2048xi32>
    %shift_right_logical3A_91 = arith.shrui %xor3A_84, %shift_right_logical3A_90 : vector<128x2048xi32>
    %or3A_92 = arith.ori %shift_left3A_88, %shift_right_logical3A_91 : vector<128x2048xi32>
    %xor3A_93 = arith.xori %add3A_85, %or3A_92 : vector<128x2048xi32>
    %add3A_94 = vector.broadcast %xor3A_10 : i32 to vector<128x2048xi32>
    %add3A_95 = arith.addi %add3A_85, %add3A_94 : vector<128x2048xi32>
    %add3A_96 = arith.constant 0 : i32
    %add3A_97 = arith.constant 2 : i32
    %add3A_98 = arith.addi %add3A_96, %add3A_97 : i32
    %add3A_99 = vector.broadcast %add3A_98 : i32 to vector<128x2048xi32>
    %add3A_100 = arith.addi %xor3A_93, %add3A_99 : vector<128x2048xi32>
    %add3A_101 = arith.addi %add3A_95, %add3A_100 : vector<128x2048xi32>
    %shift_left3A_102 = arith.constant 13 : i32
    %shift_left3A_103 = vector.broadcast %shift_left3A_102 : i32 to vector<128x2048xi32>
    %shift_left3A_104 = arith.shli %add3A_100, %shift_left3A_103 : vector<128x2048xi32>
    %shift_right_logical3A_105 = arith.constant 19 : i32
    %shift_right_logical3A_106 = vector.broadcast %shift_right_logical3A_105 : i32 to vector<128x2048xi32>
    %shift_right_logical3A_107 = arith.shrui %add3A_100, %shift_right_logical3A_106 : vector<128x2048xi32>
    %or3A_108 = arith.ori %shift_left3A_104, %shift_right_logical3A_107 : vector<128x2048xi32>
    %xor3A_109 = arith.xori %add3A_101, %or3A_108 : vector<128x2048xi32>
    %add3A_110 = arith.addi %add3A_101, %xor3A_109 : vector<128x2048xi32>
    %shift_left3A_111 = arith.constant 15 : i32
    %shift_left3A_112 = vector.broadcast %shift_left3A_111 : i32 to vector<128x2048xi32>
    %shift_left3A_113 = arith.shli %xor3A_109, %shift_left3A_112 : vector<128x2048xi32>
    %shift_right_logical3A_114 = arith.constant 17 : i32
    %shift_right_logical3A_115 = vector.broadcast %shift_right_logical3A_114 : i32 to vector<128x2048xi32>
    %shift_right_logical3A_116 = arith.shrui %xor3A_109, %shift_right_logical3A_115 : vector<128x2048xi32>
    %or3A_117 = arith.ori %shift_left3A_113, %shift_right_logical3A_116 : vector<128x2048xi32>
    %xor3A_118 = arith.xori %add3A_110, %or3A_117 : vector<128x2048xi32>
    %add3A_119 = arith.addi %add3A_110, %xor3A_118 : vector<128x2048xi32>
    %shift_left3A_120 = arith.constant 26 : i32
    %shift_left3A_121 = vector.broadcast %shift_left3A_120 : i32 to vector<128x2048xi32>
    %shift_left3A_122 = arith.shli %xor3A_118, %shift_left3A_121 : vector<128x2048xi32>
    %shift_right_logical3A_123 = arith.constant 6 : i32
    %shift_right_logical3A_124 = vector.broadcast %shift_right_logical3A_123 : i32 to vector<128x2048xi32>
    %shift_right_logical3A_125 = arith.shrui %xor3A_118, %shift_right_logical3A_124 : vector<128x2048xi32>
    %or3A_126 = arith.ori %shift_left3A_122, %shift_right_logical3A_125 : vector<128x2048xi32>
    %xor3A_127 = arith.xori %add3A_119, %or3A_126 : vector<128x2048xi32>
    %add3A_128 = arith.addi %add3A_119, %xor3A_127 : vector<128x2048xi32>
    %shift_left3A_129 = arith.constant 6 : i32
    %shift_left3A_130 = vector.broadcast %shift_left3A_129 : i32 to vector<128x2048xi32>
    %shift_left3A_131 = arith.shli %xor3A_127, %shift_left3A_130 : vector<128x2048xi32>
    %shift_right_logical3A_132 = arith.constant 26 : i32
    %shift_right_logical3A_133 = vector.broadcast %shift_right_logical3A_132 : i32 to vector<128x2048xi32>
    %shift_right_logical3A_134 = arith.shrui %xor3A_127, %shift_right_logical3A_133 : vector<128x2048xi32>
    %or3A_135 = arith.ori %shift_left3A_131, %shift_right_logical3A_134 : vector<128x2048xi32>
    %xor3A_136 = arith.xori %add3A_128, %or3A_135 : vector<128x2048xi32>
    %add3A_137 = arith.constant 0 : i32
    %add3A_138 = vector.broadcast %add3A_137 : i32 to vector<128x2048xi32>
    %add3A_139 = arith.addi %add3A_128, %add3A_138 : vector<128x2048xi32>
    %add3A_140 = arith.constant 42 : i32
    %add3A_141 = arith.constant 3 : i32
    %add3A_142 = arith.addi %add3A_140, %add3A_141 : i32
    %add3A_143 = vector.broadcast %add3A_142 : i32 to vector<128x2048xi32>
    %add3A_144 = arith.addi %xor3A_136, %add3A_143 : vector<128x2048xi32>
    %add3A_145 = arith.addi %add3A_139, %add3A_144 : vector<128x2048xi32>
    %shift_left3A_146 = arith.constant 17 : i32
    %shift_left3A_147 = vector.broadcast %shift_left3A_146 : i32 to vector<128x2048xi32>
    %shift_left3A_148 = arith.shli %add3A_144, %shift_left3A_147 : vector<128x2048xi32>
    %shift_right_logical3A_149 = arith.constant 15 : i32
    %shift_right_logical3A_150 = vector.broadcast %shift_right_logical3A_149 : i32 to vector<128x2048xi32>
    %shift_right_logical3A_151 = arith.shrui %add3A_144, %shift_right_logical3A_150 : vector<128x2048xi32>
    %or3A_152 = arith.ori %shift_left3A_148, %shift_right_logical3A_151 : vector<128x2048xi32>
    %xor3A_153 = arith.xori %add3A_145, %or3A_152 : vector<128x2048xi32>
    %add3A_154 = arith.addi %add3A_145, %xor3A_153 : vector<128x2048xi32>
    %shift_left3A_155 = arith.constant 29 : i32
    %shift_left3A_156 = vector.broadcast %shift_left3A_155 : i32 to vector<128x2048xi32>
    %shift_left3A_157 = arith.shli %xor3A_153, %shift_left3A_156 : vector<128x2048xi32>
    %shift_right_logical3A_158 = arith.constant 3 : i32
    %shift_right_logical3A_159 = vector.broadcast %shift_right_logical3A_158 : i32 to vector<128x2048xi32>
    %shift_right_logical3A_160 = arith.shrui %xor3A_153, %shift_right_logical3A_159 : vector<128x2048xi32>
    %or3A_161 = arith.ori %shift_left3A_157, %shift_right_logical3A_160 : vector<128x2048xi32>
    %xor3A_162 = arith.xori %add3A_154, %or3A_161 : vector<128x2048xi32>
    %add3A_163 = arith.addi %add3A_154, %xor3A_162 : vector<128x2048xi32>
    %shift_left3A_164 = arith.constant 16 : i32
    %shift_left3A_165 = vector.broadcast %shift_left3A_164 : i32 to vector<128x2048xi32>
    %shift_left3A_166 = arith.shli %xor3A_162, %shift_left3A_165 : vector<128x2048xi32>
    %shift_right_logical3A_167 = arith.constant 16 : i32
    %shift_right_logical3A_168 = vector.broadcast %shift_right_logical3A_167 : i32 to vector<128x2048xi32>
    %shift_right_logical3A_169 = arith.shrui %xor3A_162, %shift_right_logical3A_168 : vector<128x2048xi32>
    %or3A_170 = arith.ori %shift_left3A_166, %shift_right_logical3A_169 : vector<128x2048xi32>
    %xor3A_171 = arith.xori %add3A_163, %or3A_170 : vector<128x2048xi32>
    %add3A_172 = arith.addi %add3A_163, %xor3A_171 : vector<128x2048xi32>
    %shift_left3A_173 = arith.constant 24 : i32
    %shift_left3A_174 = vector.broadcast %shift_left3A_173 : i32 to vector<128x2048xi32>
    %shift_left3A_175 = arith.shli %xor3A_171, %shift_left3A_174 : vector<128x2048xi32>
    %shift_right_logical3A_176 = arith.constant 8 : i32
    %shift_right_logical3A_177 = vector.broadcast %shift_right_logical3A_176 : i32 to vector<128x2048xi32>
    %shift_right_logical3A_178 = arith.shrui %xor3A_171, %shift_right_logical3A_177 : vector<128x2048xi32>
    %or3A_179 = arith.ori %shift_left3A_175, %shift_right_logical3A_178 : vector<128x2048xi32>
    %xor3A_180 = arith.xori %add3A_172, %or3A_179 : vector<128x2048xi32>
    %add3A_181 = arith.constant 42 : i32
    %add3A_182 = vector.broadcast %add3A_181 : i32 to vector<128x2048xi32>
    %add3A_183 = arith.addi %add3A_172, %add3A_182 : vector<128x2048xi32>
    %add3A_184 = arith.constant 4 : i32
    %add3A_185 = arith.addi %xor3A_10, %add3A_184 : i32
    %add3A_186 = vector.broadcast %add3A_185 : i32 to vector<128x2048xi32>
    %add3A_187 = arith.addi %xor3A_180, %add3A_186 : vector<128x2048xi32>
    %add3A_188 = arith.addi %add3A_183, %add3A_187 : vector<128x2048xi32>
    %shift_left3A_189 = arith.constant 13 : i32
    %shift_left3A_190 = vector.broadcast %shift_left3A_189 : i32 to vector<128x2048xi32>
    %shift_left3A_191 = arith.shli %add3A_187, %shift_left3A_190 : vector<128x2048xi32>
    %shift_right_logical3A_192 = arith.constant 19 : i32
    %shift_right_logical3A_193 = vector.broadcast %shift_right_logical3A_192 : i32 to vector<128x2048xi32>
    %shift_right_logical3A_194 = arith.shrui %add3A_187, %shift_right_logical3A_193 : vector<128x2048xi32>
    %or3A_195 = arith.ori %shift_left3A_191, %shift_right_logical3A_194 : vector<128x2048xi32>
    %xor3A_196 = arith.xori %add3A_188, %or3A_195 : vector<128x2048xi32>
    %add3A_197 = arith.addi %add3A_188, %xor3A_196 : vector<128x2048xi32>
    %shift_left3A_198 = arith.constant 15 : i32
    %shift_left3A_199 = vector.broadcast %shift_left3A_198 : i32 to vector<128x2048xi32>
    %shift_left3A_200 = arith.shli %xor3A_196, %shift_left3A_199 : vector<128x2048xi32>
    %shift_right_logical3A_201 = arith.constant 17 : i32
    %shift_right_logical3A_202 = vector.broadcast %shift_right_logical3A_201 : i32 to vector<128x2048xi32>
    %shift_right_logical3A_203 = arith.shrui %xor3A_196, %shift_right_logical3A_202 : vector<128x2048xi32>
    %or3A_204 = arith.ori %shift_left3A_200, %shift_right_logical3A_203 : vector<128x2048xi32>
    %xor3A_205 = arith.xori %add3A_197, %or3A_204 : vector<128x2048xi32>
    %add3A_206 = arith.addi %add3A_197, %xor3A_205 : vector<128x2048xi32>
    %shift_left3A_207 = arith.constant 26 : i32
    %shift_left3A_208 = vector.broadcast %shift_left3A_207 : i32 to vector<128x2048xi32>
    %shift_left3A_209 = arith.shli %xor3A_205, %shift_left3A_208 : vector<128x2048xi32>
    %shift_right_logical3A_210 = arith.constant 6 : i32
    %shift_right_logical3A_211 = vector.broadcast %shift_right_logical3A_210 : i32 to vector<128x2048xi32>
    %shift_right_logical3A_212 = arith.shrui %xor3A_205, %shift_right_logical3A_211 : vector<128x2048xi32>
    %or3A_213 = arith.ori %shift_left3A_209, %shift_right_logical3A_212 : vector<128x2048xi32>
    %xor3A_214 = arith.xori %add3A_206, %or3A_213 : vector<128x2048xi32>
    %add3A_215 = arith.addi %add3A_206, %xor3A_214 : vector<128x2048xi32>
    %shift_left3A_216 = arith.constant 6 : i32
    %shift_left3A_217 = vector.broadcast %shift_left3A_216 : i32 to vector<128x2048xi32>
    %shift_left3A_218 = arith.shli %xor3A_214, %shift_left3A_217 : vector<128x2048xi32>
    %shift_right_logical3A_219 = arith.constant 26 : i32
    %shift_right_logical3A_220 = vector.broadcast %shift_right_logical3A_219 : i32 to vector<128x2048xi32>
    %shift_right_logical3A_221 = arith.shrui %xor3A_214, %shift_right_logical3A_220 : vector<128x2048xi32>
    %or3A_222 = arith.ori %shift_left3A_218, %shift_right_logical3A_221 : vector<128x2048xi32>
    %xor3A_223 = arith.xori %add3A_215, %or3A_222 : vector<128x2048xi32>
    %add3A_224 = vector.broadcast %xor3A_10 : i32 to vector<128x2048xi32>
    %add3A_225 = arith.addi %add3A_215, %add3A_224 : vector<128x2048xi32>
    %add3A_226 = arith.constant 0 : i32
    %add3A_227 = arith.constant 5 : i32
    %add3A_228 = arith.addi %add3A_226, %add3A_227 : i32
    %add3A_229 = vector.broadcast %add3A_228 : i32 to vector<128x2048xi32>
    %add3A_230 = arith.addi %xor3A_223, %add3A_229 : vector<128x2048xi32>
    %xor3A_231 = arith.xori %add3A_225, %add3A_230 : vector<128x2048xi32>
    %shift_right_logical3A_232 = arith.constant 9 : i32
    %shift_right_logical3A_233 = vector.broadcast %shift_right_logical3A_232 : i32 to vector<128x2048xi32>
    %shift_right_logical3A_234 = arith.shrui %xor3A_231, %shift_right_logical3A_233 : vector<128x2048xi32>
    %or3A_235 = arith.constant 1065353216 : i32
    %or3A_236 = vector.broadcast %or3A_235 : i32 to vector<128x2048xi32>
    %or3A_237 = arith.ori %shift_right_logical3A_234, %or3A_236 : vector<128x2048xi32>
    %bitcast_convert_type3A = tpu.bitcast %or3A_237 : vector<128x2048xi32> -> vector<128x2048xf32>
    %sub3A = arith.constant 1.000000e+00 : f32
    %sub3A_238 = vector.broadcast %sub3A : f32 to vector<128x2048xf32>
    %sub3A_239 = arith.subf %bitcast_convert_type3A, %sub3A_238 : vector<128x2048xf32>
    %add3A_240 = arith.constant 9.99999968E-21 : f32
    %add3A_241 = vector.broadcast %add3A_240 : f32 to vector<128x2048xf32>
    %add3A_242 = arith.addf %sub3A_239, %add3A_241 : vector<128x2048xf32>
    %max3A = arith.constant 9.99999968E-21 : f32
    %max3A_243 = vector.broadcast %max3A : f32 to vector<128x2048xf32>
    %max3A_244 = arith.maximumf %max3A_243, %add3A_242 : vector<128x2048xf32>
    %log3A = math.log %max3A_244 : vector<128x2048xf32>
    %neg3A = arith.constant 0.000000e+00 : f32
    %neg3A_245 = vector.broadcast %neg3A : f32 to vector<128x2048xf32>
    %neg3A_246 = arith.subf %neg3A_245, %log3A : vector<128x2048xf32>
    %log3A_247 = math.log %neg3A_246 : vector<128x2048xf32>
    %neg3A_248 = arith.constant 0.000000e+00 : f32
    %neg3A_249 = vector.broadcast %neg3A_248 : f32 to vector<128x2048xf32>
    %neg3A_250 = arith.subf %neg3A_249, %log3A_247 : vector<128x2048xf32>
    %get3A = arith.constant 0 : index
    %get3A_251 = arith.constant 0 : index
    %get3A_252 = vector.load %arg1[%get3A, %get3A_251] : memref<2048x128xf32, #tpu.memory_space<vmem>>, vector<2048x128xf32>
    %transpose3A = tpu.transpose %get3A_252, [1, 0] : vector<2048x128xf32> -> vector<128x2048xf32>
    %add3A_253 = arith.addf %transpose3A, %neg3A_250 : vector<128x2048xf32>
    %reduce_max3A = arith.constant dense<0xFF800000> : vector<128xf32>
    %reduce_max3A_254 = vector.multi_reduction <maximumf>, %add3A_253, %reduce_max3A [1] : vector<128x2048xf32> to vector<128xf32>
    %broadcast_in_dim3A = vector.shape_cast %reduce_max3A_254 : vector<128xf32> to vector<128x1xf32>
    %eq3A = vector.broadcast %broadcast_in_dim3A : vector<128x1xf32> to vector<128x2048xf32>
    %eq3A_255 = arith.cmpf oeq, %add3A_253, %eq3A : vector<128x2048xf32>
    %jit3A = arith.constant 2147483647 : i32
    %broadcast_in_dim3A_256 = vector.broadcast %jit3A : i32 to vector<128x2048xi32>
    %select_n3A = arith.select %eq3A_255, %add3A_1, %broadcast_in_dim3A_256 : vector<128x2048xi1>, vector<128x2048xi32>
    %reduce_min3A = arith.constant dense<2147483647> : vector<128xi32>
    %reduce_min3A_257 = vector.multi_reduction <minsi>, %select_n3A, %reduce_min3A [1] : vector<128x2048xi32> to vector<128xi32>
    %broadcast_in_dim3A_258 = vector.shape_cast %reduce_min3A_257 : vector<128xi32> to vector<128x1xi32>
    %eq3A_259 = arith.constant 0 : i32
    %eq3A_260 = arith.cmpi eq, %arg0, %eq3A_259 : i32
    %convert_element_type3A = arith.extui %eq3A_260 : i1 to i32
    %cond3A = arith.constant 0 : i32
    %cond3A_261 = arith.cmpi ne, %convert_element_type3A, %cond3A : i32
    scf.if %cond3A_261 {
      %swap3A = arith.constant 0 : index
      %swap3A_266 = arith.constant 0 : index
      %swap3A_267 = vector.load %arg2[%swap3A, %swap3A_266] : memref<128x1xf32, #tpu.memory_space<vmem>>, vector<128x1xf32>
      tpu.vector_store %arg2[%swap3A, %swap3A_266], %broadcast_in_dim3A {strides = array<i32>} : memref<128x1xf32, #tpu.memory_space<vmem>>, vector<128x1xf32>,
      %swap3A_268 = arith.constant 0 : index
      %swap3A_269 = arith.constant 0 : index
      %swap3A_270 = vector.load %arg3[%swap3A_268, %swap3A_269] : memref<128x1xi32, #tpu.memory_space<vmem>>, vector<128x1xi32>
      tpu.vector_store %arg3[%swap3A_268, %swap3A_269], %broadcast_in_dim3A_258 {strides = array<i32>} : memref<128x1xi32, #tpu.memory_space<vmem>>, vector<128x1xi32>,
    } else {
    }
    %gt3A = arith.constant 0 : i32
    %gt3A_262 = arith.cmpi sgt, %arg0, %gt3A : i32
    %convert_element_type3A_263 = arith.extui %gt3A_262 : i1 to i32
    %cond3A_264 = arith.constant 0 : i32
    %cond3A_265 = arith.cmpi ne, %convert_element_type3A_263, %cond3A_264 : i32
    scf.if %cond3A_265 {
      %get3A_266 = arith.constant 0 : index
      %get3A_267 = arith.constant 0 : index
      %get3A_268 = vector.load %arg2[%get3A_266, %get3A_267] : memref<128x1xf32, #tpu.memory_space<vmem>>, vector<128x1xf32>
      %gt3A_269 = arith.cmpf ogt, %broadcast_in_dim3A, %get3A_268 : vector<128x1xf32>
      %get3A_270 = arith.constant 0 : index
      %get3A_271 = arith.constant 0 : index
      %get3A_272 = vector.load %arg2[%get3A_270, %get3A_271] : memref<128x1xf32, #tpu.memory_space<vmem>>, vector<128x1xf32>
      %select_n3A_273 = arith.select %gt3A_269, %broadcast_in_dim3A, %get3A_272 : vector<128x1xi1>, vector<128x1xf32>
      %swap3A = arith.constant 0 : index
      %swap3A_274 = arith.constant 0 : index
      %swap3A_275 = vector.load %arg2[%swap3A, %swap3A_274] : memref<128x1xf32, #tpu.memory_space<vmem>>, vector<128x1xf32>
      tpu.vector_store %arg2[%swap3A, %swap3A_274], %select_n3A_273 {strides = array<i32>} : memref<128x1xf32, #tpu.memory_space<vmem>>, vector<128x1xf32>,
      %get3A_276 = arith.constant 0 : index
      %get3A_277 = arith.constant 0 : index
      %get3A_278 = vector.load %arg3[%get3A_276, %get3A_277] : memref<128x1xi32, #tpu.memory_space<vmem>>, vector<128x1xi32>
      %select_n3A_279 = arith.select %gt3A_269, %broadcast_in_dim3A_258, %get3A_278 : vector<128x1xi1>, vector<128x1xi32>
      %swap3A_280 = arith.constant 0 : index
      %swap3A_281 = arith.constant 0 : index
      %swap3A_282 = vector.load %arg3[%swap3A_280, %swap3A_281] : memref<128x1xi32, #tpu.memory_space<vmem>>, vector<128x1xi32>
      tpu.vector_store %arg3[%swap3A_280, %swap3A_281], %select_n3A_279 {strides = array<i32>} : memref<128x1xi32, #tpu.memory_space<vmem>>, vector<128x1xi32>,
    } else {
    }
    return
  }
  func.func @transform_0(%arg0: i32) -> (i32, i32) {
    %c0_i32 = arith.constant 0 : i32
    %c0_i32_0 = arith.constant 0 : i32
    return %arg0, %c0_i32 : i32, i32
  }
  func.func @transform_1(%arg0: i32) -> (i32, i32) {
    %c0_i32 = arith.constant 0 : i32
    %c0_i32_0 = arith.constant 0 : i32
    %c0_i32_1 = arith.constant 0 : i32
    return %c0_i32, %c0_i32_0 : i32, i32
  }
  func.func @transform_2(%arg0: i32) -> (i32, i32) {
    %c0_i32 = arith.constant 0 : i32
    %c0_i32_0 = arith.constant 0 : i32
    %c0_i32_1 = arith.constant 0 : i32
    return %c0_i32, %c0_i32_0 : i32, i32
  }
}

module attributes {stable_mosaic.version = 14 : i64} {
  func.func @_tail_kernel(%arg0: i32, %arg1: memref<128x1xf32, #tpu.memory_space<vmem>>, %arg2: memref<128x1xi32, #tpu.memory_space<vmem>>, %arg3: memref<2048x128xi32, #tpu.memory_space<vmem>>, %arg4: memref<2048x128xf32, #tpu.memory_space<vmem>>, %arg5: memref<128x1xf32, #tpu.memory_space<vmem>>, %arg6: memref<128x1xi32, #tpu.memory_space<vmem>>, %arg7: memref<1x128xi32, #tpu.memory_space<vmem>>) attributes {dimension_semantics = [#tpu.dimension_semantics<arbitrary>], iteration_bounds = array<i64: 14>, scalar_prefetch = 0 : i64, scratch_operands = 0 : i64, tpu.core_type = #tpu.core_type<tc>, window_params = [{pipeline_mode = #tpu.pipeline_mode<synchronous>, transform_indices = @transform_0, window_bounds = array<i64: 128, 1>}, {pipeline_mode = #tpu.pipeline_mode<synchronous>, transform_indices = @transform_1, window_bounds = array<i64: 128, 1>}, {transform_indices = @transform_2, window_bounds = array<i64: 2048, 128>}, {transform_indices = @transform_3, window_bounds = array<i64: 2048, 128>}, {pipeline_mode = #tpu.pipeline_mode<synchronous>, transform_indices = @transform_4, window_bounds = array<i64: 128, 1>}, {pipeline_mode = #tpu.pipeline_mode<synchronous>, transform_indices = @transform_5, window_bounds = array<i64: 128, 1>}, {pipeline_mode = #tpu.pipeline_mode<synchronous>, transform_indices = @transform_6, window_bounds = array<i64: 1, 128>}]} {
    %eq3A = arith.constant 0 : i32
    %eq3A_0 = arith.cmpi eq, %arg0, %eq3A : i32
    %convert_element_type3A = arith.extui %eq3A_0 : i1 to i32
    %cond3A = arith.constant 0 : i32
    %cond3A_1 = arith.cmpi ne, %convert_element_type3A, %cond3A : i32
    scf.if %cond3A_1 {
      %get3A_62 = arith.constant 0 : index
      %get3A_63 = arith.constant 0 : index
      %get3A_64 = vector.load %arg1[%get3A_62, %get3A_63] : memref<128x1xf32, #tpu.memory_space<vmem>>, vector<128x1xf32>
      %swap3A_65 = arith.constant 0 : index
      %swap3A_66 = arith.constant 0 : index
      %swap3A_67 = vector.load %arg5[%swap3A_65, %swap3A_66] : memref<128x1xf32, #tpu.memory_space<vmem>>, vector<128x1xf32>
      tpu.vector_store %arg5[%swap3A_65, %swap3A_66], %get3A_64 {strides = array<i32>} : memref<128x1xf32, #tpu.memory_space<vmem>>, vector<128x1xf32>,
      %get3A_68 = arith.constant 0 : index
      %get3A_69 = arith.constant 0 : index
      %get3A_70 = vector.load %arg2[%get3A_68, %get3A_69] : memref<128x1xi32, #tpu.memory_space<vmem>>, vector<128x1xi32>
      %swap3A_71 = arith.constant 0 : index
      %swap3A_72 = arith.constant 0 : index
      %swap3A_73 = vector.load %arg6[%swap3A_71, %swap3A_72] : memref<128x1xi32, #tpu.memory_space<vmem>>, vector<128x1xi32>
      tpu.vector_store %arg6[%swap3A_71, %swap3A_72], %get3A_70 {strides = array<i32>} : memref<128x1xi32, #tpu.memory_space<vmem>>, vector<128x1xi32>,
    } else {
    }
    %iota3A = tpu.iota {dimensions = array<i32: 1>} : vector<128x2048xi32>
    %mul3A = arith.constant 2048 : i32
    %mul3A_2 = arith.muli %arg0, %mul3A : i32
    %add3A = arith.constant 71680 : i32
    %add3A_3 = arith.addi %add3A, %mul3A_2 : i32
    %add3A_4 = vector.broadcast %add3A_3 : i32 to vector<128x2048xi32>
    %add3A_5 = arith.addi %iota3A, %add3A_4 : vector<128x2048xi32>
    %get3A = arith.constant 0 : index
    %get3A_6 = arith.constant 0 : index
    %get3A_7 = vector.load %arg3[%get3A, %get3A_6] : memref<2048x128xi32, #tpu.memory_space<vmem>>, vector<2048x128xi32>
    %transpose3A = tpu.transpose %get3A_7, [1, 0] : vector<2048x128xi32> -> vector<128x2048xi32>
    %shift_right_logical3A = arith.constant 9 : i32
    %shift_right_logical3A_8 = vector.broadcast %shift_right_logical3A : i32 to vector<128x2048xi32>
    %shift_right_logical3A_9 = arith.shrui %transpose3A, %shift_right_logical3A_8 : vector<128x2048xi32>
    %or3A = arith.constant 1065353216 : i32
    %or3A_10 = vector.broadcast %or3A : i32 to vector<128x2048xi32>
    %or3A_11 = arith.ori %shift_right_logical3A_9, %or3A_10 : vector<128x2048xi32>
    %bitcast_convert_type3A = tpu.bitcast %or3A_11 : vector<128x2048xi32> -> vector<128x2048xf32>
    %sub3A = arith.constant 1.000000e+00 : f32
    %sub3A_12 = vector.broadcast %sub3A : f32 to vector<128x2048xf32>
    %sub3A_13 = arith.subf %bitcast_convert_type3A, %sub3A_12 : vector<128x2048xf32>
    %add3A_14 = arith.constant 9.99999968E-21 : f32
    %add3A_15 = vector.broadcast %add3A_14 : f32 to vector<128x2048xf32>
    %add3A_16 = arith.addf %sub3A_13, %add3A_15 : vector<128x2048xf32>
    %max3A = arith.constant 9.99999968E-21 : f32
    %max3A_17 = vector.broadcast %max3A : f32 to vector<128x2048xf32>
    %max3A_18 = arith.maximumf %max3A_17, %add3A_16 : vector<128x2048xf32>
    %log3A = math.log %max3A_18 : vector<128x2048xf32>
    %neg3A = arith.constant 0.000000e+00 : f32
    %neg3A_19 = vector.broadcast %neg3A : f32 to vector<128x2048xf32>
    %neg3A_20 = arith.subf %neg3A_19, %log3A : vector<128x2048xf32>
    %log3A_21 = math.log %neg3A_20 : vector<128x2048xf32>
    %neg3A_22 = arith.constant 0.000000e+00 : f32
    %neg3A_23 = vector.broadcast %neg3A_22 : f32 to vector<128x2048xf32>
    %neg3A_24 = arith.subf %neg3A_23, %log3A_21 : vector<128x2048xf32>
    %get3A_25 = arith.constant 0 : index
    %get3A_26 = arith.constant 0 : index
    %get3A_27 = vector.load %arg4[%get3A_25, %get3A_26] : memref<2048x128xf32, #tpu.memory_space<vmem>>, vector<2048x128xf32>
    %transpose3A_28 = tpu.transpose %get3A_27, [1, 0] : vector<2048x128xf32> -> vector<128x2048xf32>
    %add3A_29 = arith.addf %transpose3A_28, %neg3A_24 : vector<128x2048xf32>
    %lt3A = arith.constant 100000 : i32
    %lt3A_30 = vector.broadcast %lt3A : i32 to vector<128x2048xi32>
    %lt3A_31 = arith.cmpi slt, %add3A_5, %lt3A_30 : vector<128x2048xi32>
    %jit3A = arith.constant 0xFF800000 : f32
    %broadcast_in_dim3A = vector.broadcast %jit3A : f32 to vector<128x2048xf32>
    %select_n3A = arith.select %lt3A_31, %add3A_29, %broadcast_in_dim3A : vector<128x2048xi1>, vector<128x2048xf32>
    %reduce_max3A = arith.constant dense<0xFF800000> : vector<128xf32>
    %reduce_max3A_32 = vector.multi_reduction <maximumf>, %select_n3A, %reduce_max3A [1] : vector<128x2048xf32> to vector<128xf32>
    %broadcast_in_dim3A_33 = vector.shape_cast %reduce_max3A_32 : vector<128xf32> to vector<128x1xf32>
    %eq3A_34 = vector.broadcast %broadcast_in_dim3A_33 : vector<128x1xf32> to vector<128x2048xf32>
    %eq3A_35 = arith.cmpf oeq, %select_n3A, %eq3A_34 : vector<128x2048xf32>
    %jit3A_36 = arith.constant 2147483647 : i32
    %broadcast_in_dim3A_37 = vector.broadcast %jit3A_36 : i32 to vector<128x2048xi32>
    %select_n3A_38 = arith.select %eq3A_35, %add3A_5, %broadcast_in_dim3A_37 : vector<128x2048xi1>, vector<128x2048xi32>
    %reduce_min3A = arith.constant dense<2147483647> : vector<128xi32>
    %reduce_min3A_39 = vector.multi_reduction <minsi>, %select_n3A_38, %reduce_min3A [1] : vector<128x2048xi32> to vector<128xi32>
    %broadcast_in_dim3A_40 = vector.shape_cast %reduce_min3A_39 : vector<128xi32> to vector<128x1xi32>
    %get3A_41 = arith.constant 0 : index
    %get3A_42 = arith.constant 0 : index
    %get3A_43 = vector.load %arg5[%get3A_41, %get3A_42] : memref<128x1xf32, #tpu.memory_space<vmem>>, vector<128x1xf32>
    %gt3A = arith.cmpf ogt, %broadcast_in_dim3A_33, %get3A_43 : vector<128x1xf32>
    %get3A_44 = arith.constant 0 : index
    %get3A_45 = arith.constant 0 : index
    %get3A_46 = vector.load %arg6[%get3A_44, %get3A_45] : memref<128x1xi32, #tpu.memory_space<vmem>>, vector<128x1xi32>
    %select_n3A_47 = arith.select %gt3A, %broadcast_in_dim3A_40, %get3A_46 : vector<128x1xi1>, vector<128x1xi32>
    %get3A_48 = arith.constant 0 : index
    %get3A_49 = arith.constant 0 : index
    %get3A_50 = vector.load %arg5[%get3A_48, %get3A_49] : memref<128x1xf32, #tpu.memory_space<vmem>>, vector<128x1xf32>
    %select_n3A_51 = arith.select %gt3A, %broadcast_in_dim3A_33, %get3A_50 : vector<128x1xi1>, vector<128x1xf32>
    %swap3A = arith.constant 0 : index
    %swap3A_52 = arith.constant 0 : index
    %swap3A_53 = vector.load %arg5[%swap3A, %swap3A_52] : memref<128x1xf32, #tpu.memory_space<vmem>>, vector<128x1xf32>
    tpu.vector_store %arg5[%swap3A, %swap3A_52], %select_n3A_51 {strides = array<i32>} : memref<128x1xf32, #tpu.memory_space<vmem>>, vector<128x1xf32>,
    %swap3A_54 = arith.constant 0 : index
    %swap3A_55 = arith.constant 0 : index
    %swap3A_56 = vector.load %arg6[%swap3A_54, %swap3A_55] : memref<128x1xi32, #tpu.memory_space<vmem>>, vector<128x1xi32>
    tpu.vector_store %arg6[%swap3A_54, %swap3A_55], %select_n3A_47 {strides = array<i32>} : memref<128x1xi32, #tpu.memory_space<vmem>>, vector<128x1xi32>,
    %eq3A_57 = arith.constant 13 : i32
    %eq3A_58 = arith.cmpi eq, %arg0, %eq3A_57 : i32
    %convert_element_type3A_59 = arith.extui %eq3A_58 : i1 to i32
    %cond3A_60 = arith.constant 0 : i32
    %cond3A_61 = arith.cmpi ne, %convert_element_type3A_59, %cond3A_60 : i32
    scf.if %cond3A_61 {
      %transpose3A_62 = tpu.transpose %select_n3A_47, [1, 0] : vector<128x1xi32> -> vector<1x128xi32>
      %swap3A_63 = arith.constant 0 : index
      %swap3A_64 = arith.constant 0 : index
      %swap3A_65 = vector.load %arg7[%swap3A_63, %swap3A_64] : memref<1x128xi32, #tpu.memory_space<vmem>>, vector<1x128xi32>
      tpu.vector_store %arg7[%swap3A_63, %swap3A_64], %transpose3A_62 {strides = array<i32>} : memref<1x128xi32, #tpu.memory_space<vmem>>, vector<1x128xi32>,
    } else {
    }
    return
  }
  func.func @transform_0(%arg0: i32) -> (i32, i32) {
    %c0_i32 = arith.constant 0 : i32
    %c0_i32_0 = arith.constant 0 : i32
    %c0_i32_1 = arith.constant 0 : i32
    return %c0_i32, %c0_i32_0 : i32, i32
  }
  func.func @transform_1(%arg0: i32) -> (i32, i32) {
    %c0_i32 = arith.constant 0 : i32
    %c0_i32_0 = arith.constant 0 : i32
    %c0_i32_1 = arith.constant 0 : i32
    return %c0_i32, %c0_i32_0 : i32, i32
  }
  func.func @transform_2(%arg0: i32) -> (i32, i32) {
    %c0_i32 = arith.constant 0 : i32
    %c0_i32_0 = arith.constant 0 : i32
    return %arg0, %c0_i32 : i32, i32
  }
  func.func @transform_3(%arg0: i32) -> (i32, i32) {
    %add3A = arith.constant 35 : i32
    %add3A_0 = arith.addi %arg0, %add3A : i32
    %c0_i32 = arith.constant 0 : i32
    %c0_i32_1 = arith.constant 0 : i32
    return %add3A_0, %c0_i32 : i32, i32
  }
  func.func @transform_4(%arg0: i32) -> (i32, i32) {
    %c0_i32 = arith.constant 0 : i32
    %c0_i32_0 = arith.constant 0 : i32
    %c0_i32_1 = arith.constant 0 : i32
    return %c0_i32, %c0_i32_0 : i32, i32
  }
  func.func @transform_5(%arg0: i32) -> (i32, i32) {
    %c0_i32 = arith.constant 0 : i32
    %c0_i32_0 = arith.constant 0 : i32
    %c0_i32_1 = arith.constant 0 : i32
    return %c0_i32, %c0_i32_0 : i32, i32
  }
  func.func @transform_6(%arg0: i32) -> (i32, i32) {
    %c0_i32 = arith.constant 0 : i32
    %c0_i32_0 = arith.constant 0 : i32
    %c0_i32_1 = arith.constant 0 : i32
    return %c0_i32, %c0_i32_0 : i32, i32
  }
}

</mosaic_0001>

<sc_bundles>
// kernel: kernel.5.cloned.1.call-start
scs
__scs_entry_jumppad:
0x0: {  	(pc) =	sbr.rel $0x88, $3  }
0x1: {  	(tag) =	ssettag $0x0;
	lr =	simm.s32 $0x1  }
0x2: {  	[smem:$0x3FA0] =	sst lr;
	_ =	strace $0xD0000000  }
0x3: {  	_ = 	snop  }
0x4: {  	_ = 	snop  }
0x5: {  	_ = 	snop  }
0x6: {  	_ = 	snop  }
0x7: {  	_ = 	snop  }
__scs_overlays_trampoline_lowered:
0x8: {  	[smem:$0x3FAF] =	sst s0  }
0x9: {  	[smem:$0x3FB0] =	sst s1  }
0xa: {  	[smem:$0x3FB1] =	sst s2  }
0xb: {  	[smem:$0x3FB2] =	sst s3  }
0xc: {  	[smem:$0x3FB3] =	sst s4  }
0xd: {  	[smem:$0x3FB4] =	sst s5  }
0xe: {  	[smem:$0x3FB5] =	sst s6  }
0xf: {  	[smem:$0x3FB6] =	sst s7  }
0x10: {  	[smem:$0x3FB7] =	sst s8  }
0x11: {  	[smem:$0x3FB8] =	sst s9;
	s0 =	simm.s32 @!p0 $0x0  }
0x12: {  	s1 =	sld [smem:$0x3F9E];
	s0 =	simm.s32 @p0 $0x1  }
0x13: {  	[smem:$0x3FB9] =	sst s0;
	s0 =	simm.s32 @!p1 $0x0  }
0x14: {  	s2 =	sld [smem:$0x3F9D];
	s0 =	simm.s32 @p1 $0x1  }
0x15: {  	[smem:$0x3FBA] =	sst s0;
	s0 =	simm.s32 @!p2 $0x0  }
0x16: {  	s3 =	sld [smem:$0x3FDB];
	s0 =	simm.s32 @p2 $0x1  }
0x17: {  	s4 =	simm.s32 $0x1BF5;
	[smem:$0x3FBC] =	sst s0  }
0x18: {  	s0 =	sld [smem:$0x3F9F];
	_ =	swait.ge [sflag:s4], $0x0  }
0x19: {  	s7 =	sld [smem:$0x3FA0]  }
0x1a: {  	s8 =	sadd.s32 $0xFFFFE003, lr  }
0x1b: {  	s9 =	sadd.s32 $0xFFFFFEF7, lr;
	s5 =	simm.s32 $0xFFFFFFFF;
	p2 =	slt.u32 s8, $0xFFFFF086  }
0x1c: {  	p1 =	slt.u32 s9, $0xF7A;
	s5 =	simm.s32 @!p2 $0x0  }
0x1d: {  	s5 =	simm.s32 @p1 $0x1;
	p0 =	seq.s32 s7, s2  }
0x1e: {  	s7 =	smul.u32 @!p0 $0xF7A, s2;
	p2 =	seq.s32 @!p0 s5, $0x0  }
0x1f: {  	s9 =	smul.u32 $0xF7A, s1;
	s8 =	simm.s32 @!p0 $0x1BF5;
	p2 =	por !p2, p0  }
0x20: {  	[sflag:s8] =	ssyncset.s32 @!p0 $0xFFFFF086;
	s6 =	sadd.s32 @!p0 s3, s7;
	s7 =	simm.s32 @!p0 $0x108  }
0x21: {  	s3 =	sadd.s32 s3, s9;
	s6 =	sadd.s32 @!p0 $0x88, s6;
	s7 =	simm.s32 @p2 $0x1082  }
0x22: {  	[simem:s7], [sflag:s8] =	dma.local @!p0 [hbm:s6], $0xF7A  }
0x23: {  	s9 =	sor.u32 $0xD0000000, s2;
	s6 =	simm.s32 $0x108;
	_ =	swait.ge @!p0 [sflag:s8], $0x0  }
0x24: {  	s3 =	sadd.s32 $0x88, s3;
	s6 =	simm.s32 @!p1 $0x1082;
	[sflag:s4] =	ssyncset.s32 $0xFFFFF086  }
0x25: {  	[simem:s6], [sflag:s4] =	dma.local [hbm:s3], $0xF7A  }
0x26: {  	[smem:$0x3FA0] =	sst s1;
	(tag) =	ssettag s2;
	_ =	strace s9  }
0x27: {  	s1 =	sld [smem:$0x3FB0]  }
0x28: {  	s2 =	sld [smem:$0x3FB1]  }
0x29: {  	s4 =	sld [smem:$0x3FB3]  }
0x2a: {  	p0 =	seq.s32 s5, $0x0;
	s5 =	sld [smem:$0x3FB4]  }
0x2b: {  	s6 =	sld [smem:$0x3FB5]  }
0x2c: {  	s7 =	sld [smem:$0x3FB6]  }
0x2d: {  	s3 =	simm.s32 $0x108;
	s8 =	sld [smem:$0x3FB7]  }
0x2e: {  	s3 =	simm.s32 @!p0 $0x1082;
	s9 =	sld [smem:$0x3FB8]  }
0x2f: {  	lr =	sadd.s32 s0, s3;
	s0 =	sld [smem:$0x3FAF]  }
0x30: {  	s3 =	sld [smem:$0x3FB2]  }
0x31: {  	[smem:$0x3FBB] =	sst s10  }
0x32: {  	s10 =	sld [smem:$0x3FB9];
	_ =	sdelay $0x3  }
0x33: {  	p0 =	seq.s32 s10, $0x1;
	s10 =	sld [smem:$0x3FBB];
	_ =	sdelay $0x3  }
0x34: {  	[smem:$0x3FBB] =	sst s10  }
0x35: {  	s10 =	sld [smem:$0x3FBA];
	_ =	sdelay $0x3  }
0x36: {  	p1 =	seq.s32 s10, $0x1;
	s10 =	sld [smem:$0x3FBB];
	_ =	sdelay $0x3  }
0x37: {  	[smem:$0x3FBB] =	sst s10  }
0x38: {  	s10 =	sld [smem:$0x3FBC]  }
0x39: {  	_ = 	snop;
	(pc) =	sbr.ind lr, $3  }
0x3a: {  	_ = 	snop  }
0x3b: {  	_ = 	snop  }
0x3c: {  	p2 =	seq.s32 s10, $0x1;
	s10 =	sld [smem:$0x3FBB]  }
0x3d: {  	_ =	shalt  }
0x3e: {  	_ =	shalt  }
0x3f: {  	_ =	shalt  }
0x40: {  	_ =	shalt  }
0x41: {  	_ =	shalt  }
0x42: {  	_ =	shalt  }
0x43: {  	_ =	shalt  }
0x44: {  	_ =	shalt  }
0x45: {  	_ =	shalt  }
0x46: {  	_ =	shalt  }
0x47: {  	_ =	shalt  }
0x48: {  	_ =	shalt  }
0x49: {  	_ =	shalt  }
0x4a: {  	_ =	shalt  }
0x4b: {  	_ =	shalt  }
0x4c: {  	_ =	shalt  }
0x4d: {  	_ =	shalt  }
0x4e: {  	_ =	shalt  }
0x4f: {  	_ =	shalt  }
0x50: {  	_ =	shalt  }
0x51: {  	_ =	shalt  }
0x52: {  	_ =	shalt  }
0x53: {  	_ =	shalt  }
0x54: {  	_ =	shalt  }
0x55: {  	_ =	shalt  }
0x56: {  	_ =	shalt  }
0x57: {  	_ =	shalt  }
0x58: {  	_ =	shalt  }
0x59: {  	_ =	shalt  }
0x5a: {  	_ =	shalt  }
0x5b: {  	_ =	shalt  }
0x5c: {  	_ =	shalt  }
0x5d: {  	_ =	shalt  }
0x5e: {  	_ =	shalt  }
0x5f: {  	_ =	shalt  }
0x60: {  	_ =	shalt  }
0x61: {  	_ =	shalt  }
0x62: {  	_ =	shalt  }
0x63: {  	_ =	shalt  }
0x64: {  	_ =	shalt  }
0x65: {  	_ =	shalt  }
0x66: {  	_ =	shalt  }
0x67: {  	_ =	shalt  }
0x68: {  	_ =	shalt  }
0x69: {  	_ =	shalt  }
0x6a: {  	_ =	shalt  }
0x6b: {  	_ =	shalt  }
0x6c: {  	_ =	shalt  }
0x6d: {  	_ =	shalt  }
0x6e: {  	_ =	shalt  }
0x6f: {  	_ =	shalt  }
0x70: {  	_ =	shalt  }
0x71: {  	_ =	shalt  }
0x72: {  	_ =	shalt  }
0x73: {  	_ =	shalt  }
0x74: {  	_ =	shalt  }
0x75: {  	_ =	shalt  }
0x76: {  	_ =	shalt  }
0x77: {  	_ =	shalt  }
0x78: {  	_ =	shalt  }
0x79: {  	_ =	shalt  }
0x7a: {  	_ =	shalt  }
0x7b: {  	_ =	shalt  }
0x7c: {  	_ =	shalt  }
0x7d: {  	_ =	shalt  }
0x7e: {  	_ =	shalt  }
0x7f: {  	_ =	shalt  }
0x80: {  	_ =	shalt  }
0x81: {  	_ =	shalt  }
0x82: {  	_ =	shalt  }
0x83: {  	_ =	shalt  }
0x84: {  	_ =	shalt  }
0x85: {  	_ =	shalt  }
0x86: {  	_ =	shalt  }
0x87: {  	_ =	shalt  }
.Lfunc_end0:
.L_simem_size_0:
called_computation_lowered:
.L_overlay_start_0:
0x88: {  	s2 =	sld [smem:$0x3FD9]  }
0x89: {  	s3 =	sld [smem:$0x3FFE];
	_ =	sdelay $0x1  }
0x8a: {  	s1 =	srdreg.scid  }
0x8b: {  	s0 =	sand.u32 $0x1, s1  }
0x8c: {  	s16 =	sshll.u32 s0, $0xA;
	s2 =	sadd.s32 s3, s2  }
0x8d: {  	s2 =	sadd.s32 s2, s16  }
0x8e: {  	[smem:$0x3FC7] =	sst s2  }
0x8f: {  	_ = 	snop  }
0x90: {  	(tm) =	ssettm $0x1  }
0x91: {  	s17 =	sld [smem:$0x3FFB];
	_ =	sdelay $0x3  }
0x92: {  	_ =	strace s17  }
0x93: {  	s2 =	sld [smem:$0x3FFC];
	_ =	sdelay $0x3  }
0x94: {  	_ =	strace s2  }
0x95: {  	s2 =	sld [smem:$0x3FFD];
	_ =	sdelay $0x3  }
0x96: {  	_ =	strace s2  }
0x97: {  	_ =	strace $0x8FFFFFFF  }
0x98: {  	s18 =	sld [smem:$0x3FDB];
	_ =	sdelay $0x1  }
0x99: {  	s19 =	simm.s32 $_scs_section_size  }
0x9a: {  	s4 =	simm.s32 $_size__tile_overlayer_lowered;
	s5 =	simm.s32 $_tile_overlayer_lowered  }
0x9b: {  	s22 =	simm.s32 $0x1BFF;
	s21 =	sshll.u32 s5, $0x1;
	s2 =	sadd.s32 s19, s18  }
0x9c: {  	s6 =	simm.s32 $0x0;
	s20 =	sshll.u32 s4, $0x1;
	s4 =	sadd.s32 s21, s2  }
0x9d: {  	[timem:s6], [sflag:s22] =	dma.local [hbm:s4], s20  }
0x9e: {  	_ =	swait.ge [sflag:s22], s20  }
0x9f: {  	s3 =	ssub.s32 $0x0, s20;
	[sflag:s22] =	ssyncset.done $0x0  }
0xa0: {  	[sflag:s22] =	ssyncadd.s32 s3;
	_ =	sdelay $0x1  }
0xa1: {  	s23 =	simm.s32 $0x1B8B  }
0xa2: {  	_ =	swait.ge [sflag:s23], $0x1  }
0xa3: {  	[sflag:s23] =	ssyncset.done $0x0  }
0xa4: {  	s25 =	simm.s32 $0x1B8E;
	s24 =	sld [smem:$0x3FFE];
	[sflag:s23] =	ssyncadd.s32 $0xFFFFFFFF  }
0xa5: {  	s26 =	simm.s32 $execute0_lowered;
	[smem:$0x3FD2] =	sst s25  }
0xa6: {  	s4 =	sshll.u32 s26, $0x1;
	_ =	strace $0x80000046;
	[dreg:$0x1] =	wrdreg $0xFFFFFFFF  }
0xa7: {  	s28 =	simm.s32 $_size_execute0_lowered;
	s2 =	sadd.s32 s2, s4;
	[dreg:$0x0] =	wrdreg $0x0  }
0xa8: {  	s4 =	sshll.u32 s28, $0x1;
	[dreg:$0x2] =	wrdreg s2  }
0xa9: {  	[dreg:$0x3] =	wrdreg s4  }
0xaa: {  	[dreg:$0x4] =	wrdreg $0xC0  }
0xab: {  	_ =	task [dreg:s6], $0x5FFFF  }
0xac: {  	[dreg:$0x1] =	wrdreg $0xFFFFFFFF  }
0xad: {  	[dreg:$0x0] =	wrdreg $0x60  }
0xae: {  	[dreg:$0x2] =	wrdreg s24  }
0xaf: {  	[dreg:$0x3] =	wrdreg $0x9  }
0xb0: {  	_ =	task.clear_ibuf [dreg:s6], $0x4FFFF;
	_ =	strace $0x90000046  }
0xb1: {  	s29 =	simm.s32 $0x9;
	_ =	strace $0x80000048  }
0xb2: {  	_ =	swait.ge [sflag:s29], $0x1  }
0xb3: {  	[sflag:s29] =	ssyncadd.s32 $0xFFFFFFFF  }
0xb4: {  	_ =	strace $0x90000048  }
0xb5: {  	_ =	sfence  }
0xb6: {  	s30 =	sld [smem:$0x0];
	_ =	sdelay $0x2  }
0xb7: {  	s31 =	sshll.u32 s1, $0xD;
	s1 =	sshrl.u32 s1, $0x2  }
0xb8: {  	s3 =	sand.u32 $0x4000, s31;
	s1 =	sadd.s32 s1, s30  }
0xb9: {  	s0 =	sor.u32 s3, s0;
	s1 =	sshll.u32 s1, $0x11  }
0xba: {  	s0 =	sor.u32 s1, s0  }
0xbb: {  	s0 =	sadd.s32 $0x8F2B, s0  }
0xbc: {  	[sflag:s0] =	ssyncadd.remote.s32 $0x1  }
0xbd: {  	_ =	sfence.sel $0xFFFF  }
0xbe: {  	[dreg:$0x0] =	wrdreg $0xFFFFFFFF;
	(pc) =	sbr.abs _section_cstart, $3  }
0xbf: {  	[dreg:$0x1] =	wrdreg $0xFFFFFFFF  }
0xc0: {  	_ =	task.clear_ibuf [dreg:s6], $0x2FFFF;
	_ =	strace $0x9FFFFFFF  }
0xc1: {  	(tm) =	ssettm $0x7FFFFFFF  }
tec
execute0_lowered:
.L_overlay_start_1:
0x0: {  	(tag) =	ssettag $0x1  }
0x1: {  	s3 =	rddreg [dreg:$0x0]  }
0x2: {  	s0 =	rddreg [dreg:$0x1];
	s1 =	simm.s32 $0x0;
	s2 =	srdreg.scid  }
0x3: {  	[smem:$0x7FF] =	sst s1;
	s4 =	sand.u32 $0x1, s2  }
0x4: {  	s2 =	stileid.u32;
	s3 =	sadd.s32 $0xA00, s3;
	_ =	strace $0x80000047  }
0x5: {  	v0 =	vlaneseq.u32;
	s5 =	ssub.s32 $0x2, s4;
	s7 =	sshll.u32 s4, $0x4;
	s8 =	smul.u32 $0x3800, s4  }
0x6: {  	v0 =	vmul.u32 $0x186A0, v0;
	s31 =	smul.u32 $0x380, s2;
	s6 =	sshrl.u32 s5, $0x1;
	s30 =	sor.u32 s2, s7  }
0x7: {  	s7 =	simm.s32 $0x1;
	s5 =	ssub.s32 s5, s6;
	s4 =	smul.u32 $0x1C000, s30  }
0x8: {  	v0 =	vadd.s32 $0x2A, v0;
	s6 =	sadd.s32 s31, s8;
	s8 =	simm.s32 $0x0;
	s5 =	smax.u32 s5, $0x1  }
.LBB2_1:
0x9: {  	s9 =	smov.u32 s6;
	s10 =	simm.s32 $0x0  }
.LBB2_2:
0xa: {  	s11 =	sadd.s32 $0x0, s9  }
0xb: {  	s12 =	sadd.s32 $0x11800, s11;
	s13 =	sadd.s32 $0xABFE00, s11  }
0xc: {  	s28 =	sadd.s32 $0x198200, s11;
	s29 =	sadd.s32 $0x31EC00, s11  }
0xd: {  	s30 =	sadd.s32 $0x4A5600, s11;
	s14 =	sadd.s32 $0x62C000, s11;
	v1 =	vadd.s32 s12, v0;
	v2 =	vadd.s32 s13, v0  }
0xe: {  	s31 =	sadd.s32 $0x7B2A00, s11;
	s11 =	sadd.s32 $0x939400, s11;
	v3 =	vadd.s32 s28, v0;
	v6 =	vadd.s32 s29, v0;
	v7 =	vadd.s32 s30, v0  }
0xf: {  	v8 =	vadd.s32 s31, v0;
	v9 =	vadd.s32 s11, v0;
	v4 =	vshrl.u32 v2, $0x13  }
0x10: {  	v5 =	vshll.u32 v2, $0xD;
	v12 =	vshrl.u32 v1, $0x13;
	v13 =	vshll.u32 v3, $0xD  }
0x11: {  	v16 =	vshrl.u32 v6, $0x13;
	v46 =	vshll.u32 v6, $0xD;
	v47 =	vshrl.u32 v7, $0x13  }
0x12: {  	v17 =	vshll.u32 v7, $0xD;
	v49 =	vshrl.u32 v8, $0x13;
	v21 =	vshll.u32 v8, $0xD  }
0x13: {  	v22 =	vshrl.u32 v9, $0x13;
	v24 =	vshll.u32 v9, $0xD;
	v4 =	vor.u32 v4, v5  }
0x14: {  	v5 =	vadd.s32 s14, v0;
	v50 =	vor.u32 v16, v46;
	v4 =	vxor.u32 v2, v4  }
0x15: {  	v54 =	vor.u32 v49, v21;
	v10 =	vshrl.u32 v4, $0x11;
	v11 =	vshll.u32 v4, $0xF  }
0x16: {  	v55 =	vor.u32 v22, v24;
	v2 =	vadd.s32 v2, v4;
	v4 =	vor.u32 v10, v11  }
0x17: {  	v20 =	vshrl.u32 v5, $0x13;
	v48 =	vshll.u32 v5, $0xD;
	v4 =	vxor.u32 v4, v2  }
0x18: {  	v16 =	vxor.u32 v9, v55;
	v14 =	vshrl.u32 v4, $0x6;
	v15 =	vshll.u32 v4, $0x1A  }
0x19: {  	v53 =	vor.u32 v20, v48;
	v2 =	vadd.s32 v2, v4;
	v4 =	vor.u32 v14, v15  }
0x1a: {  	v44 =	vshrl.u32 v16, $0x11;
	v30 =	vshll.u32 v16, $0xF;
	v4 =	vxor.u32 v4, v2  }
0x1b: {  	v10 =	vshll.u32 v1, $0xD;
	v18 =	vshrl.u32 v4, $0x1A;
	v19 =	vshll.u32 v4, $0x6  }
0x1c: {  	v11 =	vshrl.u32 v3, $0x13;
	v2 =	vadd.s32 v2, v4;
	v4 =	vor.u32 v18, v19  }
0x1d: {  	v10 =	vor.u32 v12, v10;
	v11 =	vor.u32 v11, v13;
	v4 =	vxor.u32 v4, v2  }
0x1e: {  	v12 =	vxor.u32 v6, v50;
	v13 =	vxor.u32 v5, v53;
	v4 =	vadd.s32 $0x1BD11BF1, v4  }
0x1f: {  	v2 =	vadd.s32 v4, v2;
	v23 =	vshrl.u32 v4, $0xF;
	v4 =	vshll.u32 v4, $0x11  }
0x20: {  	v10 =	vxor.u32 v1, v10;
	v2 =	vadd.s32 $0x2A, v2;
	v4 =	vor.u32 v23, v4  }
0x21: {  	v11 =	vxor.u32 v3, v11;
	v37 =	vshrl.u32 v12, $0x11;
	v4 =	vxor.u32 v4, v2  }
0x22: {  	v38 =	vshll.u32 v12, $0xF;
	v51 =	vshrl.u32 v4, $0x3;
	v52 =	vshll.u32 v4, $0x1D  }
0x23: {  	v42 =	vshrl.u32 v13, $0x11;
	v2 =	vadd.s32 v2, v4;
	v4 =	vor.u32 v51, v52  }
0x24: {  	v26 =	vshll.u32 v13, $0xF;
	v5 =	vadd.s32 v5, v13;
	v4 =	vxor.u32 v4, v2  }
0x25: {  	v15 =	vor.u32 v47, v17;
	v56 =	vshrl.u32 v4, $0x10;
	v57 =	vshll.u32 v4, $0x10  }
0x26: {  	v14 =	vxor.u32 v8, v54;
	v2 =	vadd.s32 v2, v4;
	v4 =	vor.u32 v56, v57  }
0x27: {  	v60 =	vshrl.u32 v10, $0x11;
	v61 =	vshll.u32 v10, $0xF;
	v4 =	vxor.u32 v4, v2  }
0x28: {  	v63 =	vshrl.u32 v11, $0x11;
	v58 =	vshrl.u32 v4, $0x8;
	v59 =	vshll.u32 v4, $0x18  }
0x29: {  	v36 =	vshll.u32 v11, $0xF;
	v2 =	vadd.s32 v2, v4;
	v4 =	vor.u32 v58, v59  }
0x2a: {  	v46 =	vor.u32 v37, v38;
	v48 =	vor.u32 v42, v26;
	v4 =	vxor.u32 v4, v2  }
0x2b: {  	v10 =	vadd.s32 v1, v10;
	v3 =	vadd.s32 v3, v11;
	v4 =	vadd.s32 $0x2, v4  }
0x2c: {  	v2 =	vadd.s32 v4, v2;
	v62 =	vshrl.u32 v4, $0x13;
	v4 =	vshll.u32 v4, $0xD  }
0x2d: {  	v15 =	vxor.u32 v7, v15;
	v2 =	vadd.s32 $0x1BD11BF0, v2;
	v4 =	vor.u32 v62, v4  }
0x2e: {  	v29 =	vshrl.u32 v14, $0x11;
	v43 =	vshll.u32 v14, $0xF;
	v4 =	vxor.u32 v4, v2  }
0x2f: {  	v17 =	vor.u32 v60, v61;
	v39 =	vshrl.u32 v4, $0x11;
	v40 =	vshll.u32 v4, $0xF  }
0x30: {  	v45 =	vor.u32 v63, v36;
	v2 =	vadd.s32 v2, v4;
	v4 =	vor.u32 v39, v40  }
0x31: {  	v55 =	vxor.u32 v48, v5;
	v25 =	vshrl.u32 v15, $0x11;
	v4 =	vxor.u32 v4, v2  }
0x32: {  	v41 =	vshll.u32 v15, $0xF;
	v27 =	vshrl.u32 v4, $0x6;
	v28 =	vshll.u32 v4, $0x1A  }
0x33: {  	v49 =	vor.u32 v29, v43;
	v2 =	vadd.s32 v2, v4;
	v4 =	vor.u32 v27, v28  }
0x34: {  	v7 =	vadd.s32 v7, v15;
	v5 =	vadd.s32 v5, v55;
	v4 =	vxor.u32 v4, v2  }
0x35: {  	v47 =	vor.u32 v25, v41;
	v31 =	vshrl.u32 v4, $0x1A;
	v32 =	vshll.u32 v4, $0x6  }
0x36: {  	v13 =	vxor.u32 v47, v7;
	v2 =	vadd.s32 v2, v4;
	v4 =	vor.u32 v31, v32  }
0x37: {  	v37 =	vshrl.u32 v13, $0x6;
	v38 =	vshll.u32 v13, $0x1A;
	v4 =	vxor.u32 v4, v2  }
0x38: {  	v7 =	vadd.s32 v7, v13;
	v52 =	vor.u32 v44, v30;
	v4 =	vadd.s32 $0x2D, v4  }
0x39: {  	v39 =	vshrl.u32 v55, $0x6;
	v50 =	vshrl.u32 v4, $0xF;
	v51 =	vshll.u32 v4, $0x11  }
0x3a: {  	v40 =	vshll.u32 v55, $0x1A;
	v2 =	vadd.s32 v2, v4;
	v4 =	vor.u32 v50, v51  }
0x3b: {  	v51 =	vor.u32 v37, v38;
	v1 =	vxor.u32 v4, v2;
	v4 =	vadd.s32 v6, v12  }
0x3c: {  	v12 =	vxor.u32 v17, v10;
	v13 =	vxor.u32 v51, v7;
	v6 =	vshrl.u32 v1, $0x3  }
0x3d: {  	v11 =	vshll.u32 v1, $0x1D;
	v1 =	vadd.s32 v2, v1;
	v17 =	vshrl.u32 v12, $0x6  }
0x3e: {  	v58 =	vshll.u32 v12, $0x1A;
	v7 =	vadd.s32 v7, v13;
	v2 =	vor.u32 v6, v11  }
0x3f: {  	v6 =	vadd.s32 v8, v14;
	v8 =	vadd.s32 v9, v16;
	v17 =	vor.u32 v17, v58  }
0x40: {  	v2 =	vxor.u32 v2, v1;
	v56 =	vxor.u32 v49, v6;
	v57 =	vxor.u32 v52, v8  }
0x41: {  	v52 =	vor.u32 v39, v40;
	v9 =	vshrl.u32 v2, $0x10;
	v11 =	vshll.u32 v2, $0x10  }
0x42: {  	v1 =	vadd.s32 v1, v2;
	v43 =	vshrl.u32 v56, $0x6;
	v44 =	vshll.u32 v56, $0x1A  }
0x43: {  	v6 =	vadd.s32 v6, v56;
	v8 =	vadd.s32 v8, v57;
	v55 =	vxor.u32 v52, v5  }
0x44: {  	v2 =	vor.u32 v9, v11;
	v9 =	vxor.u32 v45, v3;
	v11 =	vxor.u32 v46, v4  }
0x45: {  	v45 =	vshrl.u32 v57, $0x6;
	v46 =	vshll.u32 v57, $0x1A;
	v32 =	vshll.u32 v55, $0x6  }
0x46: {  	v5 =	vadd.s32 v5, v55;
	v2 =	vxor.u32 v2, v1;
	v60 =	vshrl.u32 v9, $0x6  }
0x47: {  	v61 =	vshll.u32 v9, $0x1A;
	v62 =	vshrl.u32 v11, $0x6;
	v63 =	vshll.u32 v11, $0x1A  }
0x48: {  	v3 =	vadd.s32 v3, v9;
	v9 =	vor.u32 v45, v46;
	v4 =	vadd.s32 v4, v11  }
0x49: {  	v53 =	vshrl.u32 v2, $0x8;
	v54 =	vshll.u32 v2, $0x18;
	v1 =	vadd.s32 v1, v2  }
0x4a: {  	v49 =	vor.u32 v60, v61;
	v50 =	vor.u32 v62, v63;
	v9 =	vxor.u32 v9, v8  }
0x4b: {  	v61 =	vshrl.u32 v13, $0x1A;
	v62 =	vshll.u32 v13, $0x6;
	v63 =	vshrl.u32 v55, $0x1A  }
0x4c: {  	v2 =	vor.u32 v53, v54;
	v53 =	vor.u32 v43, v44;
	v11 =	vxor.u32 v49, v3  }
0x4d: {  	v54 =	vxor.u32 v50, v4;
	v38 =	vor.u32 v61, v62;
	v39 =	vor.u32 v63, v32  }
0x4e: {  	v8 =	vadd.s32 v8, v9;
	v2 =	vxor.u32 v2, v1;
	v56 =	vxor.u32 v53, v6  }
0x4f: {  	v18 =	vshrl.u32 v11, $0x1A;
	v58 =	vshll.u32 v11, $0x6;
	v60 =	vshll.u32 v54, $0x6  }
0x50: {  	v3 =	vadd.s32 v3, v11;
	v4 =	vadd.s32 v4, v54;
	v2 =	vadd.s32 $0x1BD11BF4, v2  }
0x51: {  	v33 =	vshrl.u32 v56, $0x1A;
	v34 =	vshll.u32 v56, $0x6;
	v18 =	vor.u32 v18, v58  }
0x52: {  	v6 =	vadd.s32 v6, v56;
	v1 =	vadd.s32 v2, v1;
	v59 =	vshrl.u32 v2, $0x13  }
0x53: {  	v2 =	vshll.u32 v2, $0xD;
	v40 =	vor.u32 v33, v34;
	v11 =	vxor.u32 v18, v3  }
0x54: {  	v1 =	vadd.s32 $0x2A, v1;
	v2 =	vor.u32 v59, v2;
	v59 =	vshrl.u32 v54, $0x1A  }
0x55: {  	v43 =	vxor.u32 v40, v6;
	v11 =	vadd.s32 $0x1BD11BF1, v11;
	v2 =	vxor.u32 v2, v1  }
0x56: {  	v37 =	vor.u32 v59, v60;
	v14 =	vadd.s32 $0x1BD11BF1, v43;
	v3 =	vadd.s32 v11, v3  }
0x57: {  	v46 =	vshrl.u32 v11, $0xF;
	v11 =	vshll.u32 v11, $0x11;
	v35 =	vshrl.u32 v2, $0x11  }
0x58: {  	v36 =	vshll.u32 v2, $0xF;
	v1 =	vadd.s32 v1, v2;
	v6 =	vadd.s32 v14, v6  }
0x59: {  	v50 =	vshrl.u32 v14, $0xF;
	v14 =	vshll.u32 v14, $0x11;
	v3 =	vadd.s32 $0x2A, v3  }
0x5a: {  	v11 =	vor.u32 v46, v11;
	v2 =	vor.u32 v35, v36;
	v35 =	vshrl.u32 v9, $0x1A  }
0x5b: {  	v36 =	vshll.u32 v9, $0x6;
	v9 =	vxor.u32 v37, v4;
	v6 =	vadd.s32 $0x2A, v6  }
0x5c: {  	v14 =	vor.u32 v50, v14;
	v11 =	vxor.u32 v11, v3;
	v2 =	vxor.u32 v2, v1  }
0x5d: {  	v9 =	vadd.s32 $0x1BD11BF1, v9;
	v14 =	vxor.u32 v14, v6;
	v54 =	vshrl.u32 v11, $0x3  }
0x5e: {  	v55 =	vshll.u32 v11, $0x1D;
	v3 =	vadd.s32 v3, v11;
	v41 =	vshrl.u32 v2, $0x6  }
0x5f: {  	v42 =	vshll.u32 v2, $0x1A;
	v1 =	vadd.s32 v1, v2;
	v4 =	vadd.s32 v9, v4  }
0x60: {  	v62 =	vshrl.u32 v14, $0x3;
	v63 =	vshll.u32 v14, $0x1D;
	v18 =	vor.u32 v54, v55  }
0x61: {  	v6 =	vadd.s32 v6, v14;
	v2 =	vor.u32 v41, v42;
	v41 =	vxor.u32 v38, v7  }
0x62: {  	v42 =	vxor.u32 v39, v5;
	v4 =	vadd.s32 $0x2A, v4;
	v37 =	vor.u32 v62, v63  }
0x63: {  	v2 =	vxor.u32 v2, v1;
	v13 =	vadd.s32 $0x1BD11BF1, v42;
	v39 =	vxor.u32 v37, v6  }
0x64: {  	v47 =	vshrl.u32 v2, $0x1A;
	v48 =	vshll.u32 v2, $0x6;
	v1 =	vadd.s32 v1, v2  }
0x65: {  	v5 =	vadd.s32 v13, v5;
	v49 =	vshrl.u32 v13, $0xF;
	v13 =	vshll.u32 v13, $0x11  }
0x66: {  	v50 =	vshll.u32 v39, $0x10;
	v6 =	vadd.s32 v6, v39;
	v2 =	vor.u32 v47, v48  }
0x67: {  	v47 =	vshrl.u32 v9, $0xF;
	v9 =	vshll.u32 v9, $0x11;
	v5 =	vadd.s32 $0x2A, v5  }
0x68: {  	v13 =	vor.u32 v49, v13;
	v49 =	vshrl.u32 v39, $0x10;
	v2 =	vxor.u32 v2, v1  }
0x69: {  	v1 =	vadd.s32 $0x1BD11BF0, v1;
	v9 =	vor.u32 v47, v9;
	v13 =	vxor.u32 v13, v5  }
0x6a: {  	v2 =	vadd.s32 $0x5, v2;
	v9 =	vxor.u32 v9, v4;
	v60 =	vshrl.u32 v13, $0x3  }
0x6b: {  	v61 =	vshll.u32 v13, $0x1D;
	v5 =	vadd.s32 v5, v13;
	v1 =	vxor.u32 v1, v2  }
0x6c: {  	v2 =	vadd.s32 v10, v12;
	v12 =	vadd.s32 $0x1BD11BF1, v41;
	v56 =	vshrl.u32 v9, $0x3  }
0x6d: {  	v4 =	vadd.s32 v4, v9;
	v10 =	vxor.u32 v17, v2;
	v7 =	vadd.s32 v12, v7  }
0x6e: {  	v48 =	vshrl.u32 v12, $0xF;
	v12 =	vshll.u32 v12, $0x11;
	v57 =	vshrl.u32 v10, $0x1A  }
0x6f: {  	v17 =	vshll.u32 v10, $0x6;
	v2 =	vadd.s32 v2, v10;
	v7 =	vadd.s32 $0x2A, v7  }
0x70: {  	v12 =	vor.u32 v48, v12;
	v16 =	vor.u32 v57, v17;
	v17 =	vor.u32 v35, v36  }
0x71: {  	v12 =	vxor.u32 v12, v7;
	v57 =	vshll.u32 v9, $0x1D;
	v36 =	vor.u32 v60, v61  }
0x72: {  	v10 =	vxor.u32 v16, v2;
	v44 =	vxor.u32 v17, v8;
	v58 =	vshrl.u32 v12, $0x3  }
0x73: {  	v59 =	vshll.u32 v12, $0x1D;
	v34 =	vor.u32 v56, v57;
	v7 =	vadd.s32 v7, v12  }
0x74: {  	v13 =	vxor.u32 v36, v5;
	v10 =	vadd.s32 $0x1BD11BF1, v10;
	v15 =	vadd.s32 $0x1BD11BF1, v44  }
0x75: {  	v35 =	vor.u32 v58, v59;
	v11 =	vxor.u32 v34, v4;
	v47 =	vshrl.u32 v13, $0x10  }
0x76: {  	v48 =	vshll.u32 v13, $0x10;
	v5 =	vadd.s32 v5, v13;
	v2 =	vadd.s32 v10, v2  }
0x77: {  	v45 =	vshrl.u32 v10, $0xF;
	v10 =	vshll.u32 v10, $0x11;
	v8 =	vadd.s32 v15, v8  }
0x78: {  	v51 =	vshrl.u32 v15, $0xF;
	v15 =	vshll.u32 v15, $0x11;
	v12 =	vxor.u32 v35, v7  }
0x79: {  	v43 =	vshrl.u32 v11, $0x10;
	v44 =	vshll.u32 v11, $0x10;
	v56 =	vor.u32 v47, v48  }
0x7a: {  	v4 =	vadd.s32 v4, v11;
	v2 =	vadd.s32 $0x2A, v2;
	v10 =	vor.u32 v45, v10  }
0x7b: {  	v8 =	vadd.s32 $0x2A, v8;
	v15 =	vor.u32 v51, v15;
	v45 =	vshrl.u32 v12, $0x10  }
0x7c: {  	v46 =	vshll.u32 v12, $0x10;
	v54 =	vor.u32 v43, v44;
	v7 =	vadd.s32 v7, v12  }
0x7d: {  	v59 =	vxor.u32 v56, v5;
	v10 =	vxor.u32 v10, v2;
	v15 =	vxor.u32 v15, v8  }
0x7e: {  	v55 =	vor.u32 v45, v46;
	v57 =	vxor.u32 v54, v4;
	v37 =	vshrl.u32 v59, $0x8  }
0x7f: {  	v5 =	vadd.s32 v5, v59;
	v52 =	vshrl.u32 v10, $0x3;
	v53 =	vshll.u32 v10, $0x1D  }
0x80: {  	v32 =	vshrl.u32 v15, $0x3;
	v33 =	vshll.u32 v15, $0x1D;
	v2 =	vadd.s32 v2, v10  }
0x81: {  	v10 =	vxor.u32 v18, v3;
	v8 =	vadd.s32 v8, v15;
	v58 =	vxor.u32 v55, v7  }
0x82: {  	v34 =	vshll.u32 v57, $0x18;
	v4 =	vadd.s32 v4, v57;
	v16 =	vor.u32 v52, v53  }
0x83: {  	v17 =	vor.u32 v32, v33;
	v18 =	vshrl.u32 v10, $0x10;
	v42 =	vshll.u32 v10, $0x10  }
0x84: {  	v3 =	vadd.s32 v3, v10;
	v33 =	vshrl.u32 v57, $0x8;
	v35 =	vshrl.u32 v58, $0x8  }
0x85: {  	v36 =	vshll.u32 v58, $0x18;
	v7 =	vadd.s32 v7, v58;
	v9 =	vxor.u32 v16, v2  }
0x86: {  	v40 =	vxor.u32 v17, v8;
	v52 =	vor.u32 v18, v42;
	v44 =	vor.u32 v33, v34  }
0x87: {  	v45 =	vor.u32 v35, v36;
	v38 =	vshrl.u32 v9, $0x10;
	v41 =	vshll.u32 v9, $0x10  }
0x88: {  	v51 =	vshrl.u32 v40, $0x10;
	v53 =	vshll.u32 v40, $0x10;
	v2 =	vadd.s32 v2, v9  }
0x89: {  	v9 =	vor.u32 v49, v50;
	v8 =	vadd.s32 v8, v40;
	v11 =	vxor.u32 v52, v3  }
0x8a: {  	v12 =	vxor.u32 v44, v4;
	v13 =	vxor.u32 v45, v7;
	v14 =	vor.u32 v38, v41  }
0x8b: {  	v18 =	vor.u32 v51, v53;
	v9 =	vxor.u32 v9, v6;
	v63 =	vshrl.u32 v11, $0x8  }
0x8c: {  	v32 =	vshll.u32 v11, $0x18;
	v38 =	vshll.u32 v59, $0x18;
	v3 =	vadd.s32 v3, v11  }
0x8d: {  	v12 =	vadd.s32 $0x2, v12;
	v13 =	vadd.s32 $0x2, v13;
	v10 =	vxor.u32 v14, v2  }
0x8e: {  	v62 =	vxor.u32 v18, v8;
	v39 =	vshrl.u32 v9, $0x8;
	v40 =	vshll.u32 v9, $0x18  }
0x8f: {  	v43 =	vor.u32 v63, v32;
	v46 =	vor.u32 v37, v38;
	v6 =	vadd.s32 v6, v9  }
0x90: {  	v4 =	vadd.s32 v12, v4;
	v51 =	vshrl.u32 v12, $0x13;
	v12 =	vshll.u32 v12, $0xD  }
0x91: {  	v7 =	vadd.s32 v13, v7;
	v52 =	vshrl.u32 v13, $0x13;
	v13 =	vshll.u32 v13, $0xD  }
0x92: {  	v60 =	vshrl.u32 v10, $0x8;
	v61 =	vshll.u32 v10, $0x18;
	v41 =	vshrl.u32 v62, $0x8  }
0x93: {  	v42 =	vshll.u32 v62, $0x18;
	v47 =	vor.u32 v39, v40;
	v2 =	vadd.s32 v2, v10  }
0x94: {  	v8 =	vadd.s32 v8, v62;
	v9 =	vxor.u32 v43, v3;
	v14 =	vxor.u32 v46, v5  }
0x95: {  	v4 =	vadd.s32 $0x1BD11BF0, v4;
	v12 =	vor.u32 v51, v12;
	v7 =	vadd.s32 $0x1BD11BF0, v7  }
0x96: {  	v13 =	vor.u32 v52, v13;
	v15 =	vor.u32 v60, v61;
	v10 =	vor.u32 v41, v42  }
0x97: {  	v48 =	vxor.u32 v47, v6;
	v9 =	vadd.s32 $0x2, v9;
	v14 =	vadd.s32 $0x2, v14  }
0x98: {  	v12 =	vxor.u32 v12, v4;
	v13 =	vxor.u32 v13, v7;
	v11 =	vxor.u32 v15, v2  }
0x99: {  	v10 =	vxor.u32 v10, v8;
	v15 =	vadd.s32 $0x2, v48;
	v3 =	vadd.s32 v9, v3  }
0x9a: {  	v50 =	vshrl.u32 v9, $0x13;
	v9 =	vshll.u32 v9, $0xD;
	v5 =	vadd.s32 v14, v5  }
0x9b: {  	v53 =	vshrl.u32 v14, $0x13;
	v14 =	vshll.u32 v14, $0xD;
	v60 =	vshrl.u32 v12, $0x11  }
0x9c: {  	v61 =	vshll.u32 v12, $0xF;
	v62 =	vshrl.u32 v13, $0x11;
	v63 =	vshll.u32 v13, $0xF  }
0x9d: {  	v4 =	vadd.s32 v4, v12;
	v7 =	vadd.s32 v7, v13;
	v11 =	vadd.s32 $0x2, v11  }
0x9e: {  	v10 =	vadd.s32 $0x2, v10;
	v6 =	vadd.s32 v15, v6;
	v54 =	vshrl.u32 v15, $0x13  }
0x9f: {  	v15 =	vshll.u32 v15, $0xD;
	v3 =	vadd.s32 $0x1BD11BF0, v3;
	v9 =	vor.u32 v50, v9  }
0xa0: {  	v5 =	vadd.s32 $0x1BD11BF0, v5;
	v14 =	vor.u32 v53, v14;
	v39 =	vor.u32 v60, v61  }
0xa1: {  	v40 =	vor.u32 v62, v63;
	v2 =	vadd.s32 v11, v2;
	v49 =	vshrl.u32 v11, $0x13  }
0xa2: {  	v11 =	vshll.u32 v11, $0xD;
	v8 =	vadd.s32 v10, v8;
	v55 =	vshrl.u32 v10, $0x13  }
0xa3: {  	v10 =	vshll.u32 v10, $0xD;
	v6 =	vadd.s32 $0x1BD11BF0, v6;
	v15 =	vor.u32 v54, v15  }
0xa4: {  	v9 =	vxor.u32 v9, v3;
	v14 =	vxor.u32 v14, v5;
	v12 =	vxor.u32 v39, v4  }
0xa5: {  	v13 =	vxor.u32 v40, v7;
	v2 =	vadd.s32 $0x1BD11BF0, v2;
	v11 =	vor.u32 v49, v11  }
0xa6: {  	v8 =	vadd.s32 $0x1BD11BF0, v8;
	v10 =	vor.u32 v55, v10;
	v15 =	vxor.u32 v15, v6  }
0xa7: {  	v58 =	vshrl.u32 v9, $0x11;
	v59 =	vshll.u32 v9, $0xF;
	v32 =	vshrl.u32 v14, $0x11  }
0xa8: {  	v33 =	vshll.u32 v14, $0xF;
	v3 =	vadd.s32 v3, v9;
	v5 =	vadd.s32 v5, v14  }
0xa9: {  	v46 =	vshrl.u32 v12, $0x6;
	v47 =	vshll.u32 v12, $0x1A;
	v48 =	vshrl.u32 v13, $0x6  }
0xaa: {  	v49 =	vshll.u32 v13, $0x1A;
	v4 =	vadd.s32 v4, v12;
	v7 =	vadd.s32 v7, v13  }
0xab: {  	v11 =	vxor.u32 v11, v2;
	v10 =	vxor.u32 v10, v8;
	v34 =	vshrl.u32 v15, $0x11  }
0xac: {  	v35 =	vshll.u32 v15, $0xF;
	v38 =	vor.u32 v58, v59;
	v41 =	vor.u32 v32, v33  }
0xad: {  	v6 =	vadd.s32 v6, v15;
	v56 =	vshrl.u32 v11, $0x11;
	v57 =	vshll.u32 v11, $0xF  }
0xae: {  	v36 =	vshrl.u32 v10, $0x11;
	v37 =	vshll.u32 v10, $0xF;
	v42 =	vor.u32 v34, v35  }
0xaf: {  	v2 =	vadd.s32 v2, v11;
	v8 =	vadd.s32 v8, v10;
	v10 =	vxor.u32 v38, v3  }
0xb0: {  	v14 =	vxor.u32 v41, v5;
	v16 =	vor.u32 v56, v57;
	v9 =	vor.u32 v36, v37  }
0xb1: {  	v15 =	vxor.u32 v42, v6;
	v44 =	vshrl.u32 v10, $0x6;
	v45 =	vshll.u32 v10, $0x1A  }
0xb2: {  	v50 =	vshrl.u32 v14, $0x6;
	v51 =	vshll.u32 v14, $0x1A;
	v56 =	vor.u32 v46, v47  }
0xb3: {  	v57 =	vor.u32 v48, v49;
	v3 =	vadd.s32 v3, v10;
	v5 =	vadd.s32 v5, v14  }
0xb4: {  	v11 =	vxor.u32 v16, v2;
	v9 =	vxor.u32 v9, v8;
	v52 =	vshrl.u32 v15, $0x6  }
0xb5: {  	v53 =	vshll.u32 v15, $0x1A;
	v18 =	vor.u32 v44, v45;
	v58 =	vor.u32 v50, v51  }
0xb6: {  	v6 =	vadd.s32 v6, v15;
	v60 =	vxor.u32 v57, v7;
	v16 =	vshrl.u32 v11, $0x6  }
0xb7: {  	v43 =	vshll.u32 v11, $0x1A;
	v54 =	vshrl.u32 v9, $0x6;
	v55 =	vshll.u32 v9, $0x1A  }
0xb8: {  	v59 =	vor.u32 v52, v53;
	v2 =	vadd.s32 v2, v11;
	v11 =	vxor.u32 v18, v3  }
0xb9: {  	v8 =	vadd.s32 v8, v9;
	v9 =	vxor.u32 v56, v4;
	v61 =	vxor.u32 v58, v5  }
0xba: {  	v36 =	vshrl.u32 v60, $0x1A;
	v37 =	vshll.u32 v60, $0x6;
	v7 =	vadd.s32 v7, v60  }
0xbb: {  	v16 =	vor.u32 v16, v43;
	v17 =	vor.u32 v54, v55;
	v15 =	vxor.u32 v59, v6  }
0xbc: {  	v18 =	vshrl.u32 v11, $0x1A;
	v33 =	vshll.u32 v11, $0x6;
	v34 =	vshrl.u32 v9, $0x1A  }
0xbd: {  	v35 =	vshll.u32 v9, $0x6;
	v38 =	vshrl.u32 v61, $0x1A;
	v39 =	vshll.u32 v61, $0x6  }
0xbe: {  	v46 =	vor.u32 v36, v37;
	v3 =	vadd.s32 v3, v11;
	v4 =	vadd.s32 v4, v9  }
0xbf: {  	v5 =	vadd.s32 v5, v61;
	v10 =	vxor.u32 v16, v2;
	v63 =	vxor.u32 v17, v8  }
0xc0: {  	v40 =	vshrl.u32 v15, $0x1A;
	v41 =	vshll.u32 v15, $0x6;
	v43 =	vor.u32 v18, v33  }
0xc1: {  	v45 =	vor.u32 v34, v35;
	v47 =	vor.u32 v38, v39;
	v6 =	vadd.s32 v6, v15  }
0xc2: {  	v49 =	vxor.u32 v46, v7;
	v62 =	vshrl.u32 v10, $0x1A;
	v32 =	vshll.u32 v10, $0x6  }
0xc3: {  	v42 =	vshrl.u32 v63, $0x1A;
	v44 =	vshll.u32 v63, $0x6;
	v2 =	vadd.s32 v2, v10  }
0xc4: {  	v10 =	vor.u32 v40, v41;
	v8 =	vadd.s32 v8, v63;
	v11 =	vxor.u32 v43, v3  }
0xc5: {  	v48 =	vxor.u32 v45, v4;
	v50 =	vxor.u32 v47, v5;
	v13 =	vadd.s32 $0x2D, v49  }
0xc6: {  	v14 =	vor.u32 v62, v32;
	v18 =	vor.u32 v42, v44;
	v10 =	vxor.u32 v10, v6  }
0xc7: {  	v11 =	vadd.s32 $0x2D, v11;
	v12 =	vadd.s32 $0x2D, v48;
	v58 =	vshrl.u32 v13, $0xF  }
0xc8: {  	v59 =	vshll.u32 v13, $0x11;
	v7 =	vadd.s32 v7, v13;
	v9 =	vxor.u32 v14, v2  }
0xc9: {  	v51 =	vxor.u32 v18, v8;
	v14 =	vadd.s32 $0x2D, v50;
	v10 =	vadd.s32 $0x2D, v10  }
0xca: {  	v54 =	vshrl.u32 v11, $0xF;
	v55 =	vshll.u32 v11, $0x11;
	v56 =	vshrl.u32 v12, $0xF  }
0xcb: {  	v57 =	vshll.u32 v12, $0x11;
	v36 =	vor.u32 v58, v59;
	v3 =	vadd.s32 v3, v11  }
0xcc: {  	v4 =	vadd.s32 v4, v12;
	v9 =	vadd.s32 $0x2D, v9;
	v15 =	vadd.s32 $0x2D, v51  }
0xcd: {  	v60 =	vshrl.u32 v14, $0xF;
	v61 =	vshll.u32 v14, $0x11;
	v62 =	vshrl.u32 v10, $0xF  }
0xce: {  	v63 =	vshll.u32 v10, $0x11;
	v33 =	vor.u32 v54, v55;
	v35 =	vor.u32 v56, v57  }
0xcf: {  	v5 =	vadd.s32 v5, v14;
	v6 =	vadd.s32 v6, v10;
	v13 =	vxor.u32 v36, v7  }
0xd0: {  	v52 =	vshrl.u32 v9, $0xF;
	v53 =	vshll.u32 v9, $0x11;
	v32 =	vshrl.u32 v15, $0xF  }
0xd1: {  	v34 =	vshll.u32 v15, $0x11;
	v37 =	vor.u32 v60, v61;
	v2 =	vadd.s32 v2, v9  }
0xd2: {  	v9 =	vor.u32 v62, v63;
	v8 =	vadd.s32 v8, v15;
	v11 =	vxor.u32 v33, v3  }
0xd3: {  	v12 =	vxor.u32 v35, v4;
	v44 =	vshrl.u32 v13, $0x3;
	v45 =	vshll.u32 v13, $0x1D  }
0xd4: {  	v7 =	vadd.s32 v7, v13;
	v16 =	vor.u32 v52, v53;
	v18 =	vor.u32 v32, v34  }
0xd5: {  	v14 =	vxor.u32 v37, v5;
	v9 =	vxor.u32 v9, v6;
	v40 =	vshrl.u32 v11, $0x3  }
0xd6: {  	v41 =	vshll.u32 v11, $0x1D;
	v42 =	vshrl.u32 v12, $0x3;
	v43 =	vshll.u32 v12, $0x1D  }
0xd7: {  	v54 =	vor.u32 v44, v45;
	v3 =	vadd.s32 v3, v11;
	v4 =	vadd.s32 v4, v12  }
0xd8: {  	v10 =	vxor.u32 v16, v2;
	v39 =	vxor.u32 v18, v8;
	v46 =	vshrl.u32 v14, $0x3  }
0xd9: {  	v47 =	vshll.u32 v14, $0x1D;
	v48 =	vshrl.u32 v9, $0x3;
	v49 =	vshll.u32 v9, $0x1D  }
0xda: {  	v52 =	vor.u32 v40, v41;
	v53 =	vor.u32 v42, v43;
	v5 =	vadd.s32 v5, v14  }
0xdb: {  	v6 =	vadd.s32 v6, v9;
	v13 =	vxor.u32 v54, v7;
	v38 =	vshrl.u32 v10, $0x3  }
0xdc: {  	v16 =	vshll.u32 v10, $0x1D;
	v50 =	vshrl.u32 v39, $0x3;
	v51 =	vshll.u32 v39, $0x1D  }
0xdd: {  	v55 =	vor.u32 v46, v47;
	v56 =	vor.u32 v48, v49;
	v2 =	vadd.s32 v2, v10  }
0xde: {  	v8 =	vadd.s32 v8, v39;
	v9 =	vxor.u32 v52, v3;
	v12 =	vxor.u32 v53, v4  }
0xdf: {  	v32 =	vshrl.u32 v13, $0x10;
	v33 =	vshll.u32 v13, $0x10;
	v7 =	vadd.s32 v7, v13  }
0xe0: {  	v15 =	vor.u32 v38, v16;
	v10 =	vor.u32 v50, v51;
	v14 =	vxor.u32 v55, v5  }
0xe1: {  	v57 =	vxor.u32 v56, v6;
	v60 =	vshrl.u32 v9, $0x10;
	v61 =	vshll.u32 v9, $0x10  }
0xe2: {  	v62 =	vshrl.u32 v12, $0x10;
	v63 =	vshll.u32 v12, $0x10;
	v41 =	vor.u32 v32, v33  }
0xe3: {  	v3 =	vadd.s32 v3, v9;
	v4 =	vadd.s32 v4, v12;
	v11 =	vxor.u32 v15, v2  }
0xe4: {  	v10 =	vxor.u32 v10, v8;
	v34 =	vshrl.u32 v14, $0x10;
	v35 =	vshll.u32 v14, $0x10  }
0xe5: {  	v36 =	vshrl.u32 v57, $0x10;
	v37 =	vshll.u32 v57, $0x10;
	v18 =	vor.u32 v60, v61  }
0xe6: {  	v40 =	vor.u32 v62, v63;
	v5 =	vadd.s32 v5, v14;
	v6 =	vadd.s32 v6, v57  }
0xe7: {  	v44 =	vxor.u32 v41, v7;
	v58 =	vshrl.u32 v11, $0x10;
	v59 =	vshll.u32 v11, $0x10  }
0xe8: {  	v38 =	vshrl.u32 v10, $0x10;
	v39 =	vshll.u32 v10, $0x10;
	v42 =	vor.u32 v34, v35  }
0xe9: {  	v43 =	vor.u32 v36, v37;
	v2 =	vadd.s32 v2, v11;
	v11 =	vxor.u32 v18, v3  }
0xea: {  	v8 =	vadd.s32 v8, v10;
	v10 =	vxor.u32 v40, v4;
	v52 =	vshrl.u32 v44, $0x8  }
0xeb: {  	v53 =	vshll.u32 v44, $0x18;
	v7 =	vadd.s32 v7, v44;
	v16 =	vor.u32 v58, v59  }
0xec: {  	v17 =	vor.u32 v38, v39;
	v45 =	vxor.u32 v42, v5;
	v15 =	vxor.u32 v43, v6  }
0xed: {  	v18 =	vshrl.u32 v11, $0x8;
	v49 =	vshll.u32 v11, $0x18;
	v50 =	vshrl.u32 v10, $0x8  }
0xee: {  	v51 =	vshll.u32 v10, $0x18;
	v62 =	vor.u32 v52, v53;
	v3 =	vadd.s32 v3, v11  }
0xef: {  	v4 =	vadd.s32 v4, v10;
	v9 =	vxor.u32 v16, v2;
	v47 =	vxor.u32 v17, v8  }
0xf0: {  	v54 =	vshrl.u32 v45, $0x8;
	v55 =	vshll.u32 v45, $0x18;
	v56 =	vshrl.u32 v15, $0x8  }
0xf1: {  	v57 =	vshll.u32 v15, $0x18;
	v59 =	vor.u32 v18, v49;
	v61 =	vor.u32 v50, v51  }
0xf2: {  	v5 =	vadd.s32 v5, v45;
	v6 =	vadd.s32 v6, v15;
	v23 =	vxor.u32 v62, v7  }
0xf3: {  	v46 =	vshrl.u32 v9, $0x8;
	v48 =	vshll.u32 v9, $0x18;
	v58 =	vshrl.u32 v47, $0x8  }
0xf4: {  	v60 =	vshll.u32 v47, $0x18;
	v63 =	vor.u32 v54, v55;
	v2 =	vadd.s32 v2, v9  }
0xf5: {  	v9 =	vor.u32 v56, v57;
	v8 =	vadd.s32 v8, v47;
	v11 =	vxor.u32 v59, v3  }
0xf6: {  	v22 =	vxor.u32 v61, v4;
	v13 =	vadd.s32 $0x1BD11BF4, v23;
	v14 =	vor.u32 v46, v48  }
0xf7: {  	v18 =	vor.u32 v58, v60;
	v24 =	vxor.u32 v63, v5;
	v9 =	vxor.u32 v9, v6  }
0xf8: {  	v11 =	vadd.s32 $0x1BD11BF4, v11;
	v12 =	vadd.s32 $0x1BD11BF4, v22;
	v7 =	vadd.s32 v13, v7  }
0xf9: {  	v29 =	vshrl.u32 v13, $0x13;
	v13 =	vshll.u32 v13, $0xD;
	v10 =	vxor.u32 v14, v2  }
0xfa: {  	v25 =	vxor.u32 v18, v8;
	v14 =	vadd.s32 $0x1BD11BF4, v24;
	v9 =	vadd.s32 $0x1BD11BF4, v9  }
0xfb: {  	v3 =	vadd.s32 v11, v3;
	v27 =	vshrl.u32 v11, $0x13;
	v11 =	vshll.u32 v11, $0xD  }
0xfc: {  	v4 =	vadd.s32 v12, v4;
	v28 =	vshrl.u32 v12, $0x13;
	v12 =	vshll.u32 v12, $0xD  }
0xfd: {  	v7 =	vadd.s32 $0x2A, v7;
	v13 =	vor.u32 v29, v13;
	v10 =	vadd.s32 $0x1BD11BF4, v10  }
0xfe: {  	v15 =	vadd.s32 $0x1BD11BF4, v25;
	v5 =	vadd.s32 v14, v5;
	v30 =	vshrl.u32 v14, $0x13  }
0xff: {  	v14 =	vshll.u32 v14, $0xD;
	v6 =	vadd.s32 v9, v6;
	v31 =	vshrl.u32 v9, $0x13  }
0x100: {  	v9 =	vshll.u32 v9, $0xD;
	v3 =	vadd.s32 $0x2A, v3;
	v11 =	vor.u32 v27, v11  }
0x101: {  	v4 =	vadd.s32 $0x2A, v4;
	v12 =	vor.u32 v28, v12;
	v13 =	vxor.u32 v13, v7  }
0x102: {  	v2 =	vadd.s32 v10, v2;
	v26 =	vshrl.u32 v10, $0x13;
	v10 =	vshll.u32 v10, $0xD  }
0x103: {  	v8 =	vadd.s32 v15, v8;
	v32 =	vshrl.u32 v15, $0x13;
	v15 =	vshll.u32 v15, $0xD  }
0x104: {  	v5 =	vadd.s32 $0x2A, v5;
	v14 =	vor.u32 v30, v14;
	v6 =	vadd.s32 $0x2A, v6  }
0x105: {  	v9 =	vor.u32 v31, v9;
	v11 =	vxor.u32 v11, v3;
	v12 =	vxor.u32 v12, v4  }
0x106: {  	v39 =	vshrl.u32 v13, $0x11;
	v40 =	vshll.u32 v13, $0xF;
	v7 =	vadd.s32 v7, v13  }
0x107: {  	v2 =	vadd.s32 $0x2A, v2;
	v10 =	vor.u32 v26, v10;
	v8 =	vadd.s32 $0x2A, v8  }
0x108: {  	v15 =	vor.u32 v32, v15;
	v14 =	vxor.u32 v14, v5;
	v9 =	vxor.u32 v9, v6  }
0x109: {  	v35 =	vshrl.u32 v11, $0x11;
	v36 =	vshll.u32 v11, $0xF;
	v37 =	vshrl.u32 v12, $0x11  }
0x10a: {  	v38 =	vshll.u32 v12, $0xF;
	v49 =	vor.u32 v39, v40;
	v3 =	vadd.s32 v3, v11  }
0x10b: {  	v4 =	vadd.s32 v4, v12;
	v10 =	vxor.u32 v10, v2;
	v15 =	vxor.u32 v15, v8  }
0x10c: {  	v41 =	vshrl.u32 v14, $0x11;
	v42 =	vshll.u32 v14, $0xF;
	v43 =	vshrl.u32 v9, $0x11  }
0x10d: {  	v44 =	vshll.u32 v9, $0xF;
	v46 =	vor.u32 v35, v36;
	v48 =	vor.u32 v37, v38  }
0x10e: {  	v5 =	vadd.s32 v5, v14;
	v6 =	vadd.s32 v6, v9;
	v13 =	vxor.u32 v49, v7  }
0x10f: {  	v33 =	vshrl.u32 v10, $0x11;
	v34 =	vshll.u32 v10, $0xF;
	v45 =	vshrl.u32 v15, $0x11  }
0x110: {  	v47 =	vshll.u32 v15, $0xF;
	v50 =	vor.u32 v41, v42;
	v2 =	vadd.s32 v2, v10  }
0x111: {  	v10 =	vor.u32 v43, v44;
	v8 =	vadd.s32 v8, v15;
	v11 =	vxor.u32 v46, v3  }
0x112: {  	v12 =	vxor.u32 v48, v4;
	v57 =	vshrl.u32 v13, $0x6;
	v58 =	vshll.u32 v13, $0x1A  }
0x113: {  	v7 =	vadd.s32 v7, v13;
	v16 =	vor.u32 v33, v34;
	v18 =	vor.u32 v45, v47  }
0x114: {  	v14 =	vxor.u32 v50, v5;
	v10 =	vxor.u32 v10, v6;
	v53 =	vshrl.u32 v11, $0x6  }
0x115: {  	v54 =	vshll.u32 v11, $0x1A;
	v55 =	vshrl.u32 v12, $0x6;
	v56 =	vshll.u32 v12, $0x1A  }
0x116: {  	v35 =	vor.u32 v57, v58;
	v3 =	vadd.s32 v3, v11;
	v4 =	vadd.s32 v4, v12  }
0x117: {  	v9 =	vxor.u32 v16, v2;
	v52 =	vxor.u32 v18, v8;
	v59 =	vshrl.u32 v14, $0x6  }
0x118: {  	v60 =	vshll.u32 v14, $0x1A;
	v61 =	vshrl.u32 v10, $0x6;
	v62 =	vshll.u32 v10, $0x1A  }
0x119: {  	v33 =	vor.u32 v53, v54;
	v34 =	vor.u32 v55, v56;
	v5 =	vadd.s32 v5, v14  }
0x11a: {  	v6 =	vadd.s32 v6, v10;
	v13 =	vxor.u32 v35, v7;
	v51 =	vshrl.u32 v9, $0x6  }
0x11b: {  	v16 =	vshll.u32 v9, $0x1A;
	v63 =	vshrl.u32 v52, $0x6;
	v32 =	vshll.u32 v52, $0x1A  }
0x11c: {  	v36 =	vor.u32 v59, v60;
	v37 =	vor.u32 v61, v62;
	v2 =	vadd.s32 v2, v9  }
0x11d: {  	v8 =	vadd.s32 v8, v52;
	v10 =	vxor.u32 v33, v3;
	v12 =	vxor.u32 v34, v4  }
0x11e: {  	v45 =	vshrl.u32 v13, $0x1A;
	v46 =	vshll.u32 v13, $0x6;
	v7 =	vadd.s32 v7, v13  }
0x11f: {  	v15 =	vor.u32 v51, v16;
	v9 =	vor.u32 v63, v32;
	v14 =	vxor.u32 v36, v5  }
0x120: {  	v38 =	vxor.u32 v37, v6;
	v41 =	vshrl.u32 v10, $0x1A;
	v42 =	vshll.u32 v10, $0x6  }
0x121: {  	v43 =	vshrl.u32 v12, $0x1A;
	v44 =	vshll.u32 v12, $0x6;
	v54 =	vor.u32 v45, v46  }
0x122: {  	v3 =	vadd.s32 v3, v10;
	v4 =	vadd.s32 v4, v12;
	v63 =	vadd.s32 $0x1BD11BF0, v7  }
0x123: {  	v11 =	vxor.u32 v15, v2;
	v9 =	vxor.u32 v9, v8;
	v47 =	vshrl.u32 v14, $0x1A  }
0x124: {  	v48 =	vshll.u32 v14, $0x6;
	v49 =	vshrl.u32 v38, $0x1A;
	v50 =	vshll.u32 v38, $0x6  }
0x125: {  	v18 =	vor.u32 v41, v42;
	v53 =	vor.u32 v43, v44;
	v10 =	vadd.s32 v5, v14  }
0x126: {  	v57 =	vxor.u32 v54, v7;
	v62 =	vadd.s32 $0x1BD11BF0, v4;
	v39 =	vshrl.u32 v11, $0x1A  }
0x127: {  	v40 =	vshll.u32 v11, $0x6;
	v51 =	vshrl.u32 v9, $0x1A;
	v52 =	vshll.u32 v9, $0x6  }
0x128: {  	v55 =	vor.u32 v47, v48;
	v56 =	vor.u32 v49, v50;
	v2 =	vadd.s32 v2, v11  }
0x129: {  	v11 =	vadd.s32 v6, v38;
	v6 =	vxor.u32 v18, v3;
	v8 =	vadd.s32 v8, v9  }
0x12a: {  	v9 =	vxor.u32 v53, v4;
	v12 =	vadd.s32 $0x5, v57;
	v3 =	vadd.s32 $0x1BD11BF0, v3  }
0x12b: {  	v16 =	vor.u32 v39, v40;
	v17 =	vor.u32 v51, v52;
	v58 =	vxor.u32 v55, v10  }
0x12c: {  	v61 =	vadd.s32 $0x5, v6;
	v9 =	vadd.s32 $0x5, v9;
	v10 =	vadd.s32 $0x1BD11BF0, v10  }
0x12d: {  	v7 =	vadd.s32 $0x1BD11BF0, v11;
	v5 =	vxor.u32 v16, v2;
	v60 =	vxor.u32 v17, v8  }
0x12e: {  	v13 =	vadd.s32 $0x5, v58;
	v2 =	vadd.s32 $0x1BD11BF0, v2;
	v4 =	vxor.u32 v3, v61  }
0x12f: {  	s11 =	simm.s32 $0x40;
	v8 =	vadd.s32 $0x1BD11BF0, v8;
	v59 =	vadd.s32 $0x5, v5;
	v5 =	vxor.u32 v56, v11  }
0x130: {  	[tilespmem:s11+$0x30] =	vst v1;
	v3 =	vxor.u32 v62, v9;
	v6 =	vadd.s32 $0x5, v5;
	v1 =	vxor.u32 v2, v59  }
0x131: {  	s13 =	sadd.s32 $0x1, s9;
	s12 =	simm.s32 $0x2;
	v5 =	vadd.s32 $0x5, v60;
	v2 =	vxor.u32 v63, v12;
	[tilespmem:s11+$0xFFFFFFC0] =	vst v1;
	v1 =	vxor.u32 v10, v13  }
.LBB2_3:
0x132: {  	p0 =	sne.s32 s12, $0x3F;
	s14 =	sadd.s32 $0x11800, s13;
	s15 =	sadd.s32 $0xABFE00, s13;
	[tilespmem:s11+$0xFFFFFFD0] =	vst v4;
	v7 =	vxor.u32 v7, v6;
	v8 =	vxor.u32 v8, v5  }
0x133: {  	s16 =	sadd.s32 $0x31EC00, s13;
	v4 =	vadd.s32 s14, v0;
	s14 =	sadd.s32 $0x198200, s13;
	v9 =	vadd.s32 s15, v0;
	[tilespmem:s11+$0xFFFFFFE0] =	vst v3  }
0x134: {  	s15 =	sadd.s32 $0x62C000, s13;
	v3 =	vadd.s32 s14, v0;
	s14 =	sadd.s32 $0x4A5600, s13;
	v5 =	vshrl.u32 v9, $0x13;
	v10 =	vshll.u32 v9, $0xD;
	[tilespmem:s11+$0xFFFFFFF0] =	vst v2  }
0x135: {  	v6 =	vadd.s32 s16, v0;
	v2 =	vadd.s32 s14, v0;
	s14 =	sadd.s32 $0x7B2A00, s13;
	s13 =	sadd.s32 $0x939400, s13;
	v10 =	vor.u32 v5, v10;
	[tilespmem:s11+$0x0] =	vst v1  }
0x136: {  	v1 =	vadd.s32 s15, v0;
	v5 =	vadd.s32 s14, v0;
	v10 =	vxor.u32 v9, v10;
	[tilespmem:s11+$0x10] =	vst v7  }
0x137: {  	v7 =	vadd.s32 s13, v0;
	v11 =	vshrl.u32 v10, $0x11;
	v12 =	vshll.u32 v10, $0xF;
	[tilespmem:s11+$0x20] =	vst v8  }
0x138: {  	v8 =	vshrl.u32 v4, $0x13;
	v9 =	vadd.s32 v9, v10;
	v10 =	vor.u32 v11, v12  }
0x139: {  	v11 =	vshll.u32 v4, $0xD;
	v12 =	vshrl.u32 v3, $0x13;
	v10 =	vxor.u32 v10, v9  }
0x13a: {  	v13 =	vshll.u32 v3, $0xD;
	v14 =	vshrl.u32 v10, $0x6;
	v15 =	vshll.u32 v10, $0x1A  }
0x13b: {  	v16 =	vshrl.u32 v6, $0x13;
	v9 =	vadd.s32 v9, v10;
	v10 =	vor.u32 v14, v15  }
0x13c: {  	v14 =	vshll.u32 v6, $0xD;
	v15 =	vshrl.u32 v2, $0x13;
	v10 =	vxor.u32 v10, v9  }
0x13d: {  	v17 =	vshll.u32 v2, $0xD;
	v18 =	vshrl.u32 v10, $0x1A;
	v19 =	vshll.u32 v10, $0x6  }
0x13e: {  	v20 =	vshrl.u32 v1, $0x13;
	v9 =	vadd.s32 v9, v10;
	v10 =	vor.u32 v18, v19  }
0x13f: {  	v18 =	vshll.u32 v1, $0xD;
	v19 =	vshrl.u32 v5, $0x13;
	v10 =	vxor.u32 v10, v9  }
0x140: {  	v21 =	vshll.u32 v5, $0xD;
	v22 =	vshrl.u32 v7, $0x13;
	v10 =	vadd.s32 $0x1BD11BF1, v10  }
0x141: {  	v9 =	vadd.s32 v10, v9;
	v23 =	vshrl.u32 v10, $0xF;
	v10 =	vshll.u32 v10, $0x11  }
0x142: {  	v24 =	vshll.u32 v7, $0xD;
	v9 =	vadd.s32 $0x2A, v9;
	v10 =	vor.u32 v23, v10  }
0x143: {  	v8 =	vor.u32 v8, v11;
	v11 =	vor.u32 v12, v13;
	v10 =	vxor.u32 v10, v9  }
0x144: {  	v12 =	vor.u32 v16, v14;
	v13 =	vshrl.u32 v10, $0x3;
	v14 =	vshll.u32 v10, $0x1D  }
0x145: {  	v15 =	vor.u32 v15, v17;
	v9 =	vadd.s32 v9, v10;
	v10 =	vor.u32 v13, v14  }
0x146: {  	v13 =	vor.u32 v20, v18;
	v14 =	vor.u32 v19, v21;
	v10 =	vxor.u32 v10, v9  }
0x147: {  	v16 =	vor.u32 v22, v24;
	v17 =	vshrl.u32 v10, $0x10;
	v18 =	vshll.u32 v10, $0x10  }
0x148: {  	v8 =	vxor.u32 v4, v8;
	v9 =	vadd.s32 v9, v10;
	v10 =	vor.u32 v17, v18  }
0x149: {  	v11 =	vxor.u32 v3, v11;
	v12 =	vxor.u32 v6, v12;
	v10 =	vxor.u32 v10, v9  }
0x14a: {  	v15 =	vxor.u32 v2, v15;
	v17 =	vshrl.u32 v10, $0x8;
	v18 =	vshll.u32 v10, $0x18  }
0x14b: {  	v13 =	vxor.u32 v1, v13;
	v9 =	vadd.s32 v9, v10;
	v10 =	vor.u32 v17, v18  }
0x14c: {  	v16 =	vxor.u32 v7, v16;
	v14 =	vxor.u32 v5, v14;
	v10 =	vxor.u32 v10, v9  }
0x14d: {  	v17 =	vshrl.u32 v8, $0x11;
	v18 =	vshll.u32 v8, $0xF;
	v10 =	vadd.s32 $0x2, v10  }
0x14e: {  	v9 =	vadd.s32 v10, v9;
	v19 =	vshrl.u32 v10, $0x13;
	v10 =	vshll.u32 v10, $0xD  }
0x14f: {  	v20 =	vshrl.u32 v11, $0x11;
	v9 =	vadd.s32 $0x1BD11BF0, v9;
	v10 =	vor.u32 v19, v10  }
0x150: {  	v21 =	vshrl.u32 v12, $0x11;
	v19 =	vshll.u32 v11, $0xF;
	v10 =	vxor.u32 v10, v9  }
0x151: {  	v22 =	vshll.u32 v12, $0xF;
	v23 =	vshrl.u32 v10, $0x11;
	v24 =	vshll.u32 v10, $0xF  }
0x152: {  	v25 =	vshrl.u32 v15, $0x11;
	v9 =	vadd.s32 v9, v10;
	v10 =	vor.u32 v23, v24  }
0x153: {  	v23 =	vshll.u32 v15, $0xF;
	v24 =	vshrl.u32 v13, $0x11;
	v10 =	vxor.u32 v10, v9  }
0x154: {  	v26 =	vshll.u32 v13, $0xF;
	v27 =	vshrl.u32 v10, $0x6;
	v28 =	vshll.u32 v10, $0x1A  }
0x155: {  	v29 =	vshrl.u32 v14, $0x11;
	v9 =	vadd.s32 v9, v10;
	v10 =	vor.u32 v27, v28  }
0x156: {  	v27 =	vshll.u32 v14, $0xF;
	v28 =	vshrl.u32 v16, $0x11;
	v10 =	vxor.u32 v10, v9  }
0x157: {  	v30 =	vshll.u32 v16, $0xF;
	v31 =	vshrl.u32 v10, $0x1A;
	v32 =	vshll.u32 v10, $0x6  }
0x158: {  	v17 =	vor.u32 v17, v18;
	v9 =	vadd.s32 v9, v10;
	v10 =	vor.u32 v31, v32  }
0x159: {  	v18 =	vor.u32 v20, v19;
	v19 =	vor.u32 v21, v22;
	v10 =	vxor.u32 v10, v9  }
0x15a: {  	v20 =	vor.u32 v25, v23;
	v21 =	vor.u32 v24, v26;
	v10 =	vadd.s32 $0x2D, v10  }
0x15b: {  	v22 =	vor.u32 v29, v27;
	v23 =	vshrl.u32 v10, $0xF;
	v24 =	vshll.u32 v10, $0x11  }
0x15c: {  	v25 =	vor.u32 v28, v30;
	v9 =	vadd.s32 v9, v10;
	v10 =	vor.u32 v23, v24  }
0x15d: {  	v4 =	vadd.s32 v4, v8;
	v3 =	vadd.s32 v3, v11;
	v8 =	vxor.u32 v10, v9  }
0x15e: {  	v6 =	vadd.s32 v6, v12;
	v10 =	vshrl.u32 v8, $0x3;
	v11 =	vshll.u32 v8, $0x1D  }
0x15f: {  	v2 =	vadd.s32 v2, v15;
	v8 =	vadd.s32 v9, v8;
	v9 =	vor.u32 v10, v11  }
0x160: {  	v1 =	vadd.s32 v1, v13;
	v5 =	vadd.s32 v5, v14;
	v9 =	vxor.u32 v9, v8  }
0x161: {  	v7 =	vadd.s32 v7, v16;
	v10 =	vshrl.u32 v9, $0x10;
	v11 =	vshll.u32 v9, $0x10  }
0x162: {  	v12 =	vxor.u32 v17, v4;
	v8 =	vadd.s32 v8, v9;
	v9 =	vor.u32 v10, v11  }
0x163: {  	v10 =	vxor.u32 v18, v3;
	v11 =	vxor.u32 v19, v6;
	v9 =	vxor.u32 v9, v8  }
0x164: {  	v13 =	vxor.u32 v20, v2;
	v14 =	vshrl.u32 v9, $0x8;
	v15 =	vshll.u32 v9, $0x18  }
0x165: {  	v16 =	vxor.u32 v21, v1;
	v8 =	vadd.s32 v8, v9;
	v9 =	vor.u32 v14, v15  }
0x166: {  	v14 =	vxor.u32 v22, v5;
	v15 =	vxor.u32 v25, v7;
	v9 =	vxor.u32 v9, v8  }
0x167: {  	v17 =	vshrl.u32 v12, $0x6;
	v18 =	vshll.u32 v12, $0x1A;
	v9 =	vadd.s32 $0x1BD11BF4, v9  }
0x168: {  	v8 =	vadd.s32 v9, v8;
	v19 =	vshrl.u32 v9, $0x13;
	v9 =	vshll.u32 v9, $0xD  }
0x169: {  	v20 =	vshrl.u32 v10, $0x6;
	v8 =	vadd.s32 $0x2A, v8;
	v9 =	vor.u32 v19, v9  }
0x16a: {  	v21 =	vshrl.u32 v11, $0x6;
	v19 =	vshll.u32 v10, $0x1A;
	v9 =	vxor.u32 v9, v8  }
0x16b: {  	v22 =	vshll.u32 v11, $0x1A;
	v23 =	vshrl.u32 v9, $0x11;
	v24 =	vshll.u32 v9, $0xF  }
0x16c: {  	v25 =	vshrl.u32 v13, $0x6;
	v8 =	vadd.s32 v8, v9;
	v9 =	vor.u32 v23, v24  }
0x16d: {  	v23 =	vshll.u32 v13, $0x1A;
	v24 =	vshrl.u32 v16, $0x6;
	v9 =	vxor.u32 v9, v8  }
0x16e: {  	v26 =	vshll.u32 v16, $0x1A;
	v27 =	vshrl.u32 v9, $0x6;
	v28 =	vshll.u32 v9, $0x1A  }
0x16f: {  	v29 =	vshrl.u32 v14, $0x6;
	v8 =	vadd.s32 v8, v9;
	v9 =	vor.u32 v27, v28  }
0x170: {  	v27 =	vshll.u32 v14, $0x1A;
	v28 =	vshrl.u32 v15, $0x6;
	v9 =	vxor.u32 v9, v8  }
0x171: {  	v30 =	vshll.u32 v15, $0x1A;
	v31 =	vshrl.u32 v9, $0x1A;
	v32 =	vshll.u32 v9, $0x6  }
0x172: {  	v17 =	vor.u32 v17, v18;
	v8 =	vadd.s32 v8, v9;
	v9 =	vor.u32 v31, v32  }
0x173: {  	v18 =	vor.u32 v20, v19;
	v19 =	vor.u32 v21, v22;
	v9 =	vxor.u32 v9, v8  }
0x174: {  	v20 =	vor.u32 v25, v23;
	v8 =	vadd.s32 $0x1BD11BF0, v8;
	v9 =	vadd.s32 $0x5, v9  }
0x175: {  	s11 =	sadd.s32 $0x80, s11;
	v21 =	vor.u32 v24, v26;
	v22 =	vor.u32 v29, v27;
	v8 =	vxor.u32 v8, v9  }
0x176: {  	v4 =	vadd.s32 v4, v12;
	v3 =	vadd.s32 v3, v10;
	v9 =	vor.u32 v28, v30;
	[tilespmem:s11+$0x30] =	vst v8  }
0x177: {  	v2 =	vadd.s32 v2, v13;
	v1 =	vadd.s32 v1, v16;
	v6 =	vadd.s32 v6, v11  }
0x178: {  	v5 =	vadd.s32 v5, v14;
	v7 =	vadd.s32 v7, v15;
	v8 =	vxor.u32 v17, v4  }
0x179: {  	v10 =	vxor.u32 v18, v3;
	v11 =	vxor.u32 v19, v6;
	v12 =	vxor.u32 v20, v2  }
0x17a: {  	v13 =	vxor.u32 v21, v1;
	v14 =	vxor.u32 v22, v5;
	v9 =	vxor.u32 v9, v7  }
0x17b: {  	v17 =	vshrl.u32 v10, $0x1A;
	v15 =	vshrl.u32 v8, $0x1A;
	v16 =	vshll.u32 v8, $0x6  }
0x17c: {  	v18 =	vshll.u32 v10, $0x6;
	v19 =	vshrl.u32 v11, $0x1A;
	v20 =	vshll.u32 v11, $0x6  }
0x17d: {  	v21 =	vshrl.u32 v12, $0x1A;
	v23 =	vshrl.u32 v13, $0x1A;
	v22 =	vshll.u32 v12, $0x6  }
0x17e: {  	v24 =	vshll.u32 v13, $0x6;
	v25 =	vshrl.u32 v14, $0x1A;
	v26 =	vshll.u32 v14, $0x6  }
0x17f: {  	v27 =	vshll.u32 v9, $0x6;
	v15 =	vor.u32 v15, v16;
	v16 =	vshrl.u32 v9, $0x1A  }
0x180: {  	v17 =	vor.u32 v17, v18;
	v18 =	vor.u32 v19, v20;
	v19 =	vor.u32 v21, v22  }
0x181: {  	v20 =	vor.u32 v23, v24;
	v21 =	vor.u32 v25, v26;
	v16 =	vor.u32 v16, v27  }
0x182: {  	v3 =	vadd.s32 v3, v10;
	v6 =	vadd.s32 v6, v11;
	v4 =	vadd.s32 v4, v8  }
0x183: {  	v2 =	vadd.s32 v2, v12;
	v1 =	vadd.s32 v1, v13;
	v5 =	vadd.s32 v5, v14  }
0x184: {  	v7 =	vadd.s32 v7, v9;
	v10 =	vxor.u32 v17, v3;
	v8 =	vxor.u32 v15, v4  }
0x185: {  	v9 =	vxor.u32 v18, v6;
	v11 =	vxor.u32 v19, v2;
	v12 =	vxor.u32 v20, v1  }
0x186: {  	v13 =	vxor.u32 v21, v5;
	v8 =	vadd.s32 $0x1BD11BF1, v8;
	v14 =	vxor.u32 v16, v7  }
0x187: {  	v10 =	vadd.s32 $0x1BD11BF1, v10;
	v9 =	vadd.s32 $0x1BD11BF1, v9;
	v11 =	vadd.s32 $0x1BD11BF1, v11  }
0x188: {  	v12 =	vadd.s32 $0x1BD11BF1, v12;
	v13 =	vadd.s32 $0x1BD11BF1, v13;
	v14 =	vadd.s32 $0x1BD11BF1, v14  }
0x189: {  	v4 =	vadd.s32 v8, v4;
	v15 =	vshrl.u32 v8, $0xF;
	v8 =	vshll.u32 v8, $0x11  }
0x18a: {  	v3 =	vadd.s32 v10, v3;
	v16 =	vshrl.u32 v10, $0xF;
	v10 =	vshll.u32 v10, $0x11  }
0x18b: {  	v6 =	vadd.s32 v9, v6;
	v17 =	vshrl.u32 v9, $0xF;
	v9 =	vshll.u32 v9, $0x11  }
0x18c: {  	v2 =	vadd.s32 v11, v2;
	v18 =	vshrl.u32 v11, $0xF;
	v11 =	vshll.u32 v11, $0x11  }
0x18d: {  	v1 =	vadd.s32 v12, v1;
	v19 =	vshrl.u32 v12, $0xF;
	v12 =	vshll.u32 v12, $0x11  }
0x18e: {  	v5 =	vadd.s32 v13, v5;
	v20 =	vshrl.u32 v13, $0xF;
	v13 =	vshll.u32 v13, $0x11  }
0x18f: {  	v7 =	vadd.s32 v14, v7;
	v21 =	vshrl.u32 v14, $0xF;
	v14 =	vshll.u32 v14, $0x11  }
0x190: {  	v3 =	vadd.s32 $0x2A, v3;
	v4 =	vadd.s32 $0x2A, v4;
	v8 =	vor.u32 v15, v8  }
0x191: {  	v10 =	vor.u32 v16, v10;
	v6 =	vadd.s32 $0x2A, v6;
	v9 =	vor.u32 v17, v9  }
0x192: {  	v2 =	vadd.s32 $0x2A, v2;
	v11 =	vor.u32 v18, v11;
	v1 =	vadd.s32 $0x2A, v1  }
0x193: {  	v12 =	vor.u32 v19, v12;
	v5 =	vadd.s32 $0x2A, v5;
	v13 =	vor.u32 v20, v13  }
0x194: {  	v8 =	vxor.u32 v8, v4;
	v7 =	vadd.s32 $0x2A, v7;
	v14 =	vor.u32 v21, v14  }
0x195: {  	v10 =	vxor.u32 v10, v3;
	v9 =	vxor.u32 v9, v6;
	v11 =	vxor.u32 v11, v2  }
0x196: {  	v12 =	vxor.u32 v12, v1;
	v13 =	vxor.u32 v13, v5;
	v14 =	vxor.u32 v14, v7  }
0x197: {  	v17 =	vshrl.u32 v10, $0x3;
	v15 =	vshrl.u32 v8, $0x3;
	v16 =	vshll.u32 v8, $0x1D  }
0x198: {  	v18 =	vshll.u32 v10, $0x1D;
	v19 =	vshrl.u32 v9, $0x3;
	v20 =	vshll.u32 v9, $0x1D  }
0x199: {  	v21 =	vshrl.u32 v11, $0x3;
	v22 =	vshll.u32 v11, $0x1D;
	v23 =	vshrl.u32 v12, $0x3  }
0x19a: {  	v24 =	vshll.u32 v12, $0x1D;
	v25 =	vshrl.u32 v13, $0x3;
	v26 =	vshll.u32 v13, $0x1D  }
0x19b: {  	v15 =	vor.u32 v15, v16;
	v16 =	vshrl.u32 v14, $0x3;
	v27 =	vshll.u32 v14, $0x1D  }
0x19c: {  	v17 =	vor.u32 v17, v18;
	v18 =	vor.u32 v19, v20;
	v19 =	vor.u32 v21, v22  }
0x19d: {  	v20 =	vor.u32 v23, v24;
	v21 =	vor.u32 v25, v26;
	v16 =	vor.u32 v16, v27  }
0x19e: {  	v3 =	vadd.s32 v3, v10;
	v6 =	vadd.s32 v6, v9;
	v4 =	vadd.s32 v4, v8  }
0x19f: {  	v2 =	vadd.s32 v2, v11;
	v1 =	vadd.s32 v1, v12;
	v5 =	vadd.s32 v5, v13  }
0x1a0: {  	v9 =	vxor.u32 v17, v3;
	v7 =	vadd.s32 v7, v14;
	v8 =	vxor.u32 v15, v4  }
0x1a1: {  	v10 =	vxor.u32 v18, v6;
	v11 =	vxor.u32 v19, v2;
	v12 =	vxor.u32 v20, v1  }
0x1a2: {  	v14 =	vxor.u32 v21, v5;
	v13 =	vshrl.u32 v8, $0x10;
	v15 =	vxor.u32 v16, v7  }
0x1a3: {  	v17 =	vshrl.u32 v9, $0x10;
	v18 =	vshll.u32 v9, $0x10;
	v16 =	vshll.u32 v8, $0x10  }
0x1a4: {  	v19 =	vshrl.u32 v10, $0x10;
	v20 =	vshll.u32 v10, $0x10;
	v21 =	vshrl.u32 v11, $0x10  }
0x1a5: {  	v22 =	vshll.u32 v11, $0x10;
	v23 =	vshrl.u32 v12, $0x10;
	v24 =	vshll.u32 v12, $0x10  }
0x1a6: {  	v25 =	vshrl.u32 v14, $0x10;
	v26 =	vshll.u32 v14, $0x10;
	v27 =	vshrl.u32 v15, $0x10  }
0x1a7: {  	v13 =	vor.u32 v13, v16;
	v16 =	vor.u32 v17, v18;
	v17 =	vshll.u32 v15, $0x10  }
0x1a8: {  	v18 =	vor.u32 v19, v20;
	v19 =	vor.u32 v21, v22;
	v20 =	vor.u32 v23, v24  }
0x1a9: {  	v4 =	vadd.s32 v4, v8;
	v8 =	vor.u32 v25, v26;
	v17 =	vor.u32 v27, v17  }
0x1aa: {  	v3 =	vadd.s32 v3, v9;
	v6 =	vadd.s32 v6, v10;
	v2 =	vadd.s32 v2, v11  }
0x1ab: {  	v1 =	vadd.s32 v1, v12;
	v5 =	vadd.s32 v5, v14;
	v7 =	vadd.s32 v7, v15  }
0x1ac: {  	v9 =	vxor.u32 v13, v4;
	v10 =	vxor.u32 v16, v3;
	v11 =	vxor.u32 v18, v6  }
0x1ad: {  	v8 =	vxor.u32 v8, v5;
	v12 =	vxor.u32 v19, v2;
	v13 =	vxor.u32 v20, v1  }
0x1ae: {  	v14 =	vshrl.u32 v9, $0x8;
	v15 =	vshll.u32 v9, $0x18;
	v16 =	vxor.u32 v17, v7  }
0x1af: {  	v17 =	vshrl.u32 v10, $0x8;
	v18 =	vshll.u32 v10, $0x18;
	v19 =	vshrl.u32 v11, $0x8  }
0x1b0: {  	v20 =	vshll.u32 v11, $0x18;
	v21 =	vshrl.u32 v12, $0x8;
	v22 =	vshll.u32 v12, $0x18  }
0x1b1: {  	v25 =	vshrl.u32 v8, $0x8;
	v23 =	vshrl.u32 v13, $0x8;
	v24 =	vshll.u32 v13, $0x18  }
0x1b2: {  	v26 =	vshll.u32 v8, $0x18;
	v27 =	vshrl.u32 v16, $0x8;
	v28 =	vshll.u32 v16, $0x18  }
0x1b3: {  	v14 =	vor.u32 v14, v15;
	v15 =	vor.u32 v17, v18;
	v17 =	vor.u32 v19, v20  }
0x1b4: {  	v18 =	vor.u32 v21, v22;
	v19 =	vor.u32 v23, v24;
	v20 =	vor.u32 v25, v26  }
0x1b5: {  	v4 =	vadd.s32 v4, v9;
	v3 =	vadd.s32 v3, v10;
	v9 =	vor.u32 v27, v28  }
0x1b6: {  	v6 =	vadd.s32 v6, v11;
	v2 =	vadd.s32 v2, v12;
	v1 =	vadd.s32 v1, v13  }
0x1b7: {  	v5 =	vadd.s32 v5, v8;
	v7 =	vadd.s32 v7, v16;
	v10 =	vxor.u32 v14, v4  }
0x1b8: {  	v8 =	vxor.u32 v15, v3;
	v11 =	vxor.u32 v17, v6;
	v12 =	vxor.u32 v18, v2  }
0x1b9: {  	v13 =	vxor.u32 v19, v1;
	v14 =	vxor.u32 v20, v5;
	v9 =	vxor.u32 v9, v7  }
0x1ba: {  	v10 =	vadd.s32 $0x2, v10;
	v8 =	vadd.s32 $0x2, v8;
	v11 =	vadd.s32 $0x2, v11  }
0x1bb: {  	v12 =	vadd.s32 $0x2, v12;
	v13 =	vadd.s32 $0x2, v13;
	v14 =	vadd.s32 $0x2, v14  }
0x1bc: {  	v4 =	vadd.s32 v10, v4;
	v15 =	vshrl.u32 v10, $0x13;
	v9 =	vadd.s32 $0x2, v9  }
0x1bd: {  	v10 =	vshll.u32 v10, $0xD;
	v3 =	vadd.s32 v8, v3;
	v16 =	vshrl.u32 v8, $0x13  }
0x1be: {  	v8 =	vshll.u32 v8, $0xD;
	v6 =	vadd.s32 v11, v6;
	v17 =	vshrl.u32 v11, $0x13  }
0x1bf: {  	v11 =	vshll.u32 v11, $0xD;
	v2 =	vadd.s32 v12, v2;
	v18 =	vshrl.u32 v12, $0x13  }
0x1c0: {  	v12 =	vshll.u32 v12, $0xD;
	v1 =	vadd.s32 v13, v1;
	v19 =	vshrl.u32 v13, $0x13  }
0x1c1: {  	v13 =	vshll.u32 v13, $0xD;
	v5 =	vadd.s32 v14, v5;
	v20 =	vshrl.u32 v14, $0x13  }
0x1c2: {  	v14 =	vshll.u32 v14, $0xD;
	v7 =	vadd.s32 v9, v7;
	v21 =	vshrl.u32 v9, $0x13  }
0x1c3: {  	v4 =	vadd.s32 $0x1BD11BF0, v4;
	v10 =	vor.u32 v15, v10;
	v9 =	vshll.u32 v9, $0xD  }
0x1c4: {  	v3 =	vadd.s32 $0x1BD11BF0, v3;
	v8 =	vor.u32 v16, v8;
	v6 =	vadd.s32 $0x1BD11BF0, v6  }
0x1c5: {  	v11 =	vor.u32 v17, v11;
	v2 =	vadd.s32 $0x1BD11BF0, v2;
	v12 =	vor.u32 v18, v12  }
0x1c6: {  	v1 =	vadd.s32 $0x1BD11BF0, v1;
	v13 =	vor.u32 v19, v13;
	v5 =	vadd.s32 $0x1BD11BF0, v5  }
0x1c7: {  	v14 =	vor.u32 v20, v14;
	v7 =	vadd.s32 $0x1BD11BF0, v7;
	v9 =	vor.u32 v21, v9  }
0x1c8: {  	v10 =	vxor.u32 v10, v4;
	v8 =	vxor.u32 v8, v3;
	v11 =	vxor.u32 v11, v6  }
0x1c9: {  	v12 =	vxor.u32 v12, v2;
	v13 =	vxor.u32 v13, v1;
	v14 =	vxor.u32 v14, v5  }
0x1ca: {  	v15 =	vshrl.u32 v10, $0x11;
	v16 =	vshll.u32 v10, $0xF;
	v9 =	vxor.u32 v9, v7  }
0x1cb: {  	v17 =	vshrl.u32 v8, $0x11;
	v18 =	vshll.u32 v8, $0xF;
	v19 =	vshrl.u32 v11, $0x11  }
0x1cc: {  	v20 =	vshll.u32 v11, $0xF;
	v21 =	vshrl.u32 v12, $0x11;
	v22 =	vshll.u32 v12, $0xF  }
0x1cd: {  	v23 =	vshrl.u32 v13, $0x11;
	v24 =	vshll.u32 v13, $0xF;
	v25 =	vshrl.u32 v14, $0x11  }
0x1ce: {  	v26 =	vshll.u32 v14, $0xF;
	v27 =	vshrl.u32 v9, $0x11;
	v28 =	vshll.u32 v9, $0xF  }
0x1cf: {  	v15 =	vor.u32 v15, v16;
	v16 =	vor.u32 v17, v18;
	v17 =	vor.u32 v19, v20  }
0x1d0: {  	v18 =	vor.u32 v21, v22;
	v19 =	vor.u32 v23, v24;
	v20 =	vor.u32 v25, v26  }
0x1d1: {  	v4 =	vadd.s32 v4, v10;
	v3 =	vadd.s32 v3, v8;
	v8 =	vor.u32 v27, v28  }
0x1d2: {  	v6 =	vadd.s32 v6, v11;
	v2 =	vadd.s32 v2, v12;
	v1 =	vadd.s32 v1, v13  }
0x1d3: {  	v5 =	vadd.s32 v5, v14;
	v7 =	vadd.s32 v7, v9;
	v10 =	vxor.u32 v15, v4  }
0x1d4: {  	v9 =	vxor.u32 v16, v3;
	v11 =	vxor.u32 v17, v6;
	v12 =	vxor.u32 v18, v2  }
0x1d5: {  	v13 =	vxor.u32 v19, v1;
	v14 =	vxor.u32 v20, v5;
	v8 =	vxor.u32 v8, v7  }
0x1d6: {  	v15 =	vshrl.u32 v10, $0x6;
	v16 =	vshll.u32 v10, $0x1A;
	v17 =	vshrl.u32 v9, $0x6  }
0x1d7: {  	v18 =	vshll.u32 v9, $0x1A;
	v19 =	vshrl.u32 v11, $0x6;
	v20 =	vshll.u32 v11, $0x1A  }
0x1d8: {  	v21 =	vshrl.u32 v12, $0x6;
	v22 =	vshll.u32 v12, $0x1A;
	v23 =	vshrl.u32 v13, $0x6  }
0x1d9: {  	v24 =	vshll.u32 v13, $0x1A;
	v25 =	vshrl.u32 v14, $0x6;
	v26 =	vshll.u32 v14, $0x1A  }
0x1da: {  	v15 =	vor.u32 v15, v16;
	v16 =	vshrl.u32 v8, $0x6;
	v27 =	vshll.u32 v8, $0x1A  }
0x1db: {  	v17 =	vor.u32 v17, v18;
	v18 =	vor.u32 v19, v20;
	v19 =	vor.u32 v21, v22  }
0x1dc: {  	v20 =	vor.u32 v23, v24;
	v21 =	vor.u32 v25, v26;
	v16 =	vor.u32 v16, v27  }
0x1dd: {  	v4 =	vadd.s32 v4, v10;
	v3 =	vadd.s32 v3, v9;
	v6 =	vadd.s32 v6, v11  }
0x1de: {  	v2 =	vadd.s32 v2, v12;
	v1 =	vadd.s32 v1, v13;
	v5 =	vadd.s32 v5, v14  }
0x1df: {  	v7 =	vadd.s32 v7, v8;
	v9 =	vxor.u32 v15, v4;
	v10 =	vxor.u32 v17, v3  }
0x1e0: {  	v8 =	vxor.u32 v18, v6;
	v11 =	vxor.u32 v19, v2;
	v12 =	vxor.u32 v20, v1  }
0x1e1: {  	v14 =	vxor.u32 v21, v5;
	v13 =	vshrl.u32 v9, $0x1A;
	v15 =	vxor.u32 v16, v7  }
0x1e2: {  	v16 =	vshll.u32 v9, $0x6;
	v17 =	vshrl.u32 v10, $0x1A;
	v18 =	vshll.u32 v10, $0x6  }
0x1e3: {  	v19 =	vshrl.u32 v8, $0x1A;
	v20 =	vshll.u32 v8, $0x6;
	v21 =	vshrl.u32 v11, $0x1A  }
0x1e4: {  	v22 =	vshll.u32 v11, $0x6;
	v23 =	vshrl.u32 v12, $0x1A;
	v24 =	vshll.u32 v12, $0x6  }
0x1e5: {  	v25 =	vshrl.u32 v14, $0x1A;
	v26 =	vshll.u32 v14, $0x6;
	v27 =	vshrl.u32 v15, $0x1A  }
0x1e6: {  	v13 =	vor.u32 v13, v16;
	v16 =	vor.u32 v17, v18;
	v17 =	vshll.u32 v15, $0x6  }
0x1e7: {  	v18 =	vor.u32 v19, v20;
	v19 =	vor.u32 v21, v22;
	v20 =	vor.u32 v23, v24  }
0x1e8: {  	v4 =	vadd.s32 v4, v9;
	v9 =	vor.u32 v25, v26;
	v17 =	vor.u32 v27, v17  }
0x1e9: {  	v3 =	vadd.s32 v3, v10;
	v6 =	vadd.s32 v6, v8;
	v2 =	vadd.s32 v2, v11  }
0x1ea: {  	v1 =	vadd.s32 v1, v12;
	v5 =	vadd.s32 v5, v14;
	v7 =	vadd.s32 v7, v15  }
0x1eb: {  	v8 =	vxor.u32 v13, v4;
	v10 =	vxor.u32 v16, v3;
	v11 =	vxor.u32 v18, v6  }
0x1ec: {  	v12 =	vxor.u32 v19, v2;
	v13 =	vxor.u32 v20, v1;
	v9 =	vxor.u32 v9, v5  }
0x1ed: {  	v8 =	vadd.s32 $0x2D, v8;
	v10 =	vadd.s32 $0x2D, v10;
	v14 =	vxor.u32 v17, v7  }
0x1ee: {  	v11 =	vadd.s32 $0x2D, v11;
	v12 =	vadd.s32 $0x2D, v12;
	v13 =	vadd.s32 $0x2D, v13  }
0x1ef: {  	v9 =	vadd.s32 $0x2D, v9;
	v15 =	vshrl.u32 v8, $0xF;
	v14 =	vadd.s32 $0x2D, v14  }
0x1f0: {  	v16 =	vshll.u32 v8, $0x11;
	v17 =	vshrl.u32 v10, $0xF;
	v18 =	vshll.u32 v10, $0x11  }
0x1f1: {  	v19 =	vshrl.u32 v11, $0xF;
	v20 =	vshll.u32 v11, $0x11;
	v21 =	vshrl.u32 v12, $0xF  }
0x1f2: {  	v22 =	vshll.u32 v12, $0x11;
	v23 =	vshrl.u32 v13, $0xF;
	v24 =	vshll.u32 v13, $0x11  }
0x1f3: {  	v25 =	vshrl.u32 v9, $0xF;
	v26 =	vshll.u32 v9, $0x11;
	v27 =	vshrl.u32 v14, $0xF  }
0x1f4: {  	v15 =	vor.u32 v15, v16;
	v16 =	vor.u32 v17, v18;
	v17 =	vshll.u32 v14, $0x11  }
0x1f5: {  	v18 =	vor.u32 v19, v20;
	v19 =	vor.u32 v21, v22;
	v20 =	vor.u32 v23, v24  }
0x1f6: {  	v4 =	vadd.s32 v4, v8;
	v8 =	vor.u32 v25, v26;
	v17 =	vor.u32 v27, v17  }
0x1f7: {  	v3 =	vadd.s32 v3, v10;
	v6 =	vadd.s32 v6, v11;
	v2 =	vadd.s32 v2, v12  }
0x1f8: {  	v1 =	vadd.s32 v1, v13;
	v5 =	vadd.s32 v5, v9;
	v7 =	vadd.s32 v7, v14  }
0x1f9: {  	v9 =	vxor.u32 v15, v4;
	v10 =	vxor.u32 v16, v3;
	v11 =	vxor.u32 v18, v6  }
0x1fa: {  	v12 =	vxor.u32 v19, v2;
	v13 =	vxor.u32 v20, v1;
	v8 =	vxor.u32 v8, v5  }
0x1fb: {  	v14 =	vshrl.u32 v9, $0x3;
	v15 =	vshll.u32 v9, $0x1D;
	v16 =	vxor.u32 v17, v7  }
0x1fc: {  	v17 =	vshrl.u32 v10, $0x3;
	v18 =	vshll.u32 v10, $0x1D;
	v19 =	vshrl.u32 v11, $0x3  }
0x1fd: {  	v20 =	vshll.u32 v11, $0x1D;
	v21 =	vshrl.u32 v12, $0x3;
	v22 =	vshll.u32 v12, $0x1D  }
0x1fe: {  	v23 =	vshrl.u32 v13, $0x3;
	v24 =	vshll.u32 v13, $0x1D;
	v25 =	vshrl.u32 v8, $0x3  }
0x1ff: {  	v26 =	vshll.u32 v8, $0x1D;
	v27 =	vshrl.u32 v16, $0x3;
	v28 =	vshll.u32 v16, $0x1D  }
0x200: {  	v14 =	vor.u32 v14, v15;
	v15 =	vor.u32 v17, v18;
	v17 =	vor.u32 v19, v20  }
0x201: {  	v18 =	vor.u32 v21, v22;
	v19 =	vor.u32 v23, v24;
	v20 =	vor.u32 v25, v26  }
0x202: {  	v4 =	vadd.s32 v4, v9;
	v3 =	vadd.s32 v3, v10;
	v9 =	vor.u32 v27, v28  }
0x203: {  	v6 =	vadd.s32 v6, v11;
	v2 =	vadd.s32 v2, v12;
	v1 =	vadd.s32 v1, v13  }
0x204: {  	v5 =	vadd.s32 v5, v8;
	v7 =	vadd.s32 v7, v16;
	v10 =	vxor.u32 v14, v4  }
0x205: {  	v8 =	vxor.u32 v15, v3;
	v11 =	vxor.u32 v17, v6;
	v12 =	vxor.u32 v18, v2  }
0x206: {  	v13 =	vxor.u32 v19, v1;
	v14 =	vxor.u32 v20, v5;
	v9 =	vxor.u32 v9, v7  }
0x207: {  	v15 =	vshrl.u32 v10, $0x10;
	v16 =	vshll.u32 v10, $0x10;
	v17 =	vshrl.u32 v8, $0x10  }
0x208: {  	v18 =	vshll.u32 v8, $0x10;
	v19 =	vshrl.u32 v11, $0x10;
	v20 =	vshll.u32 v11, $0x10  }
0x209: {  	v21 =	vshrl.u32 v12, $0x10;
	v22 =	vshll.u32 v12, $0x10;
	v23 =	vshrl.u32 v13, $0x10  }
0x20a: {  	v24 =	vshll.u32 v13, $0x10;
	v25 =	vshrl.u32 v14, $0x10;
	v26 =	vshll.u32 v14, $0x10  }
0x20b: {  	v15 =	vor.u32 v15, v16;
	v16 =	vshrl.u32 v9, $0x10;
	v27 =	vshll.u32 v9, $0x10  }
0x20c: {  	v17 =	vor.u32 v17, v18;
	v18 =	vor.u32 v19, v20;
	v19 =	vor.u32 v21, v22  }
0x20d: {  	v20 =	vor.u32 v23, v24;
	v21 =	vor.u32 v25, v26;
	v16 =	vor.u32 v16, v27  }
0x20e: {  	v4 =	vadd.s32 v4, v10;
	v3 =	vadd.s32 v3, v8;
	v6 =	vadd.s32 v6, v11  }
0x20f: {  	v2 =	vadd.s32 v2, v12;
	v1 =	vadd.s32 v1, v13;
	v5 =	vadd.s32 v5, v14  }
0x210: {  	v7 =	vadd.s32 v7, v9;
	v8 =	vxor.u32 v15, v4;
	v10 =	vxor.u32 v17, v3  }
0x211: {  	v9 =	vxor.u32 v18, v6;
	v11 =	vxor.u32 v19, v2;
	v12 =	vxor.u32 v20, v1  }
0x212: {  	v14 =	vxor.u32 v21, v5;
	v13 =	vshrl.u32 v8, $0x8;
	v15 =	vxor.u32 v16, v7  }
0x213: {  	v16 =	vshll.u32 v8, $0x18;
	v17 =	vshrl.u32 v10, $0x8;
	v18 =	vshll.u32 v10, $0x18  }
0x214: {  	v19 =	vshrl.u32 v9, $0x8;
	v20 =	vshll.u32 v9, $0x18;
	v21 =	vshrl.u32 v11, $0x8  }
0x215: {  	v22 =	vshll.u32 v11, $0x18;
	v23 =	vshrl.u32 v12, $0x8;
	v24 =	vshll.u32 v12, $0x18  }
0x216: {  	v25 =	vshrl.u32 v14, $0x8;
	v26 =	vshll.u32 v14, $0x18;
	v27 =	vshrl.u32 v15, $0x8  }
0x217: {  	v13 =	vor.u32 v13, v16;
	v16 =	vor.u32 v17, v18;
	v17 =	vshll.u32 v15, $0x18  }
0x218: {  	v18 =	vor.u32 v19, v20;
	v19 =	vor.u32 v21, v22;
	v20 =	vor.u32 v23, v24  }
0x219: {  	v4 =	vadd.s32 v4, v8;
	v8 =	vor.u32 v25, v26;
	v17 =	vor.u32 v27, v17  }
0x21a: {  	v3 =	vadd.s32 v3, v10;
	v6 =	vadd.s32 v6, v9;
	v2 =	vadd.s32 v2, v11  }
0x21b: {  	v1 =	vadd.s32 v1, v12;
	v5 =	vadd.s32 v5, v14;
	v7 =	vadd.s32 v7, v15  }
0x21c: {  	v9 =	vxor.u32 v13, v4;
	v10 =	vxor.u32 v16, v3;
	v11 =	vxor.u32 v18, v6  }
0x21d: {  	v12 =	vxor.u32 v19, v2;
	v13 =	vxor.u32 v20, v1;
	v8 =	vxor.u32 v8, v5  }
0x21e: {  	v9 =	vadd.s32 $0x1BD11BF4, v9;
	v10 =	vadd.s32 $0x1BD11BF4, v10;
	v14 =	vxor.u32 v17, v7  }
0x21f: {  	v11 =	vadd.s32 $0x1BD11BF4, v11;
	v12 =	vadd.s32 $0x1BD11BF4, v12;
	v13 =	vadd.s32 $0x1BD11BF4, v13  }
0x220: {  	v8 =	vadd.s32 $0x1BD11BF4, v8;
	v4 =	vadd.s32 v9, v4;
	v14 =	vadd.s32 $0x1BD11BF4, v14  }
0x221: {  	v15 =	vshrl.u32 v9, $0x13;
	v9 =	vshll.u32 v9, $0xD;
	v3 =	vadd.s32 v10, v3  }
0x222: {  	v16 =	vshrl.u32 v10, $0x13;
	v10 =	vshll.u32 v10, $0xD;
	v6 =	vadd.s32 v11, v6  }
0x223: {  	v17 =	vshrl.u32 v11, $0x13;
	v11 =	vshll.u32 v11, $0xD;
	v2 =	vadd.s32 v12, v2  }
0x224: {  	v18 =	vshrl.u32 v12, $0x13;
	v12 =	vshll.u32 v12, $0xD;
	v1 =	vadd.s32 v13, v1  }
0x225: {  	v19 =	vshrl.u32 v13, $0x13;
	v13 =	vshll.u32 v13, $0xD;
	v5 =	vadd.s32 v8, v5  }
0x226: {  	v20 =	vshrl.u32 v8, $0x13;
	v8 =	vshll.u32 v8, $0xD;
	v7 =	vadd.s32 v14, v7  }
0x227: {  	v4 =	vadd.s32 $0x2A, v4;
	v21 =	vshrl.u32 v14, $0x13;
	v14 =	vshll.u32 v14, $0xD  }
0x228: {  	v9 =	vor.u32 v15, v9;
	v3 =	vadd.s32 $0x2A, v3;
	v10 =	vor.u32 v16, v10  }
0x229: {  	v6 =	vadd.s32 $0x2A, v6;
	v11 =	vor.u32 v17, v11;
	v2 =	vadd.s32 $0x2A, v2  }
0x22a: {  	v12 =	vor.u32 v18, v12;
	v1 =	vadd.s32 $0x2A, v1;
	v13 =	vor.u32 v19, v13  }
0x22b: {  	v5 =	vadd.s32 $0x2A, v5;
	v8 =	vor.u32 v20, v8;
	v7 =	vadd.s32 $0x2A, v7  }
0x22c: {  	v9 =	vxor.u32 v9, v4;
	v10 =	vxor.u32 v10, v3;
	v14 =	vor.u32 v21, v14  }
0x22d: {  	v11 =	vxor.u32 v11, v6;
	v12 =	vxor.u32 v12, v2;
	v13 =	vxor.u32 v13, v1  }
0x22e: {  	v8 =	vxor.u32 v8, v5;
	v15 =	vshrl.u32 v9, $0x11;
	v14 =	vxor.u32 v14, v7  }
0x22f: {  	v16 =	vshll.u32 v9, $0xF;
	v17 =	vshrl.u32 v10, $0x11;
	v18 =	vshll.u32 v10, $0xF  }
0x230: {  	v19 =	vshrl.u32 v11, $0x11;
	v20 =	vshll.u32 v11, $0xF;
	v21 =	vshrl.u32 v12, $0x11  }
0x231: {  	v22 =	vshll.u32 v12, $0xF;
	v23 =	vshrl.u32 v13, $0x11;
	v24 =	vshll.u32 v13, $0xF  }
0x232: {  	v25 =	vshrl.u32 v8, $0x11;
	v26 =	vshll.u32 v8, $0xF;
	v27 =	vshrl.u32 v14, $0x11  }
0x233: {  	v15 =	vor.u32 v15, v16;
	v16 =	vor.u32 v17, v18;
	v17 =	vshll.u32 v14, $0xF  }
0x234: {  	v18 =	vor.u32 v19, v20;
	v19 =	vor.u32 v21, v22;
	v20 =	vor.u32 v23, v24  }
0x235: {  	v4 =	vadd.s32 v4, v9;
	v9 =	vor.u32 v25, v26;
	v17 =	vor.u32 v27, v17  }
0x236: {  	v3 =	vadd.s32 v3, v10;
	v6 =	vadd.s32 v6, v11;
	v2 =	vadd.s32 v2, v12  }
0x237: {  	v1 =	vadd.s32 v1, v13;
	v5 =	vadd.s32 v5, v8;
	v7 =	vadd.s32 v7, v14  }
0x238: {  	v8 =	vxor.u32 v15, v4;
	v10 =	vxor.u32 v16, v3;
	v11 =	vxor.u32 v18, v6  }
0x239: {  	v12 =	vxor.u32 v19, v2;
	v13 =	vxor.u32 v20, v1;
	v9 =	vxor.u32 v9, v5  }
0x23a: {  	v14 =	vshrl.u32 v8, $0x6;
	v15 =	vshll.u32 v8, $0x1A;
	v16 =	vxor.u32 v17, v7  }
0x23b: {  	v17 =	vshrl.u32 v10, $0x6;
	v18 =	vshll.u32 v10, $0x1A;
	v19 =	vshrl.u32 v11, $0x6  }
0x23c: {  	v20 =	vshll.u32 v11, $0x1A;
	v21 =	vshrl.u32 v12, $0x6;
	v22 =	vshll.u32 v12, $0x1A  }
0x23d: {  	v23 =	vshrl.u32 v13, $0x6;
	v24 =	vshll.u32 v13, $0x1A;
	v25 =	vshrl.u32 v9, $0x6  }
0x23e: {  	v26 =	vshll.u32 v9, $0x1A;
	v27 =	vshrl.u32 v16, $0x6;
	v28 =	vshll.u32 v16, $0x1A  }
0x23f: {  	v14 =	vor.u32 v14, v15;
	v15 =	vor.u32 v17, v18;
	v17 =	vor.u32 v19, v20  }
0x240: {  	v18 =	vor.u32 v21, v22;
	v19 =	vor.u32 v23, v24;
	v20 =	vor.u32 v25, v26  }
0x241: {  	v4 =	vadd.s32 v4, v8;
	v3 =	vadd.s32 v3, v10;
	v8 =	vor.u32 v27, v28  }
0x242: {  	v6 =	vadd.s32 v6, v11;
	v2 =	vadd.s32 v2, v12;
	v1 =	vadd.s32 v1, v13  }
0x243: {  	v5 =	vadd.s32 v5, v9;
	v7 =	vadd.s32 v7, v16;
	v10 =	vxor.u32 v14, v4  }
0x244: {  	v9 =	vxor.u32 v15, v3;
	v11 =	vxor.u32 v17, v6;
	v12 =	vxor.u32 v18, v2  }
0x245: {  	v13 =	vxor.u32 v19, v1;
	v14 =	vxor.u32 v20, v5;
	v8 =	vxor.u32 v8, v7  }
0x246: {  	v15 =	vshrl.u32 v10, $0x1A;
	v16 =	vshll.u32 v10, $0x6;
	v17 =	vshrl.u32 v9, $0x1A  }
0x247: {  	v18 =	vshll.u32 v9, $0x6;
	v19 =	vshrl.u32 v11, $0x1A;
	v20 =	vshll.u32 v11, $0x6  }
0x248: {  	v21 =	vshrl.u32 v12, $0x1A;
	v22 =	vshll.u32 v12, $0x6;
	v23 =	vshrl.u32 v13, $0x1A  }
0x249: {  	v24 =	vshll.u32 v13, $0x6;
	v25 =	vshrl.u32 v14, $0x1A;
	v26 =	vshll.u32 v14, $0x6  }
0x24a: {  	v15 =	vor.u32 v15, v16;
	v16 =	vshrl.u32 v8, $0x1A;
	v27 =	vshll.u32 v8, $0x6  }
0x24b: {  	v17 =	vor.u32 v17, v18;
	v18 =	vor.u32 v19, v20;
	v19 =	vor.u32 v21, v22  }
0x24c: {  	v20 =	vor.u32 v23, v24;
	v21 =	vor.u32 v25, v26;
	v16 =	vor.u32 v16, v27  }
0x24d: {  	v4 =	vadd.s32 v4, v10;
	v3 =	vadd.s32 v3, v9;
	v9 =	vadd.s32 v6, v11  }
0x24e: {  	v2 =	vadd.s32 v2, v12;
	v1 =	vadd.s32 v1, v13;
	v10 =	vadd.s32 v5, v14  }
0x24f: {  	v8 =	vadd.s32 v7, v8;
	v5 =	vxor.u32 v15, v4;
	v6 =	vxor.u32 v17, v3  }
0x250: {  	v7 =	vxor.u32 v18, v9;
	v11 =	vxor.u32 v19, v2;
	v12 =	vxor.u32 v20, v1  }
0x251: {  	v13 =	vadd.s32 $0x5, v5;
	v5 =	vxor.u32 v21, v10;
	v14 =	vxor.u32 v16, v8  }
0x252: {  	v15 =	vadd.s32 $0x5, v6;
	v16 =	vadd.s32 $0x5, v7;
	v11 =	vadd.s32 $0x5, v11  }
.Ltmp0:
0x253: {  	v12 =	vadd.s32 $0x5, v12;
	v6 =	vadd.s32 $0x5, v5;
	v5 =	vadd.s32 $0x5, v14;
	(pc) =	sbr.rel @p0 .LBB2_3-.Ltmp0, $4  }
0x254: {  	v4 =	vadd.s32 $0x1BD11BF0, v4;
	v3 =	vadd.s32 $0x1BD11BF0, v3;
	v9 =	vadd.s32 $0x1BD11BF0, v9  }
0x255: {  	v2 =	vadd.s32 $0x1BD11BF0, v2;
	v1 =	vadd.s32 $0x1BD11BF0, v1;
	v7 =	vadd.s32 $0x1BD11BF0, v10  }
0x256: {  	v8 =	vadd.s32 $0x1BD11BF0, v8;
	v10 =	vxor.u32 v4, v13;
	v4 =	vxor.u32 v3, v15  }
0x257: {  	s13 =	sadd.s32 s12, s9;
	s12 =	sadd.s32 $0x1, s12;
	v3 =	vxor.u32 v9, v16;
	v2 =	vxor.u32 v2, v11;
	v1 =	vxor.u32 v1, v12;
	[tilespmem:s11+$0xFFFFFFC0] =	vst v10  }
0x258: {  	s12 =	sadd.s32 $0xABFE00, s13;
	s23 =	sadd.s32 $0x11800, s13  }
0x259: {  	v6 =	vxor.u32 v7, v6;
	v5 =	vxor.u32 v8, v5;
	s14 =	sadd.s32 $0x198200, s13;
	s25 =	sadd.s32 $0x4A5600, s13  }
0x25a: {  	s15 =	sadd.s32 $0x62C000, s13;
	s26 =	sadd.s32 $0x7B2A00, s13;
	v9 =	vadd.s32 s12, v0;
	v11 =	vadd.s32 s23, v0;
	v7 =	vadd.s32 s14, v0  }
0x25b: {  	v12 =	vadd.s32 s25, v0;
	v13 =	vadd.s32 s15, v0;
	v16 =	vadd.s32 s26, v0  }
0x25c: {  	v54 =	vshrl.u32 v9, $0x13;
	v10 =	vshll.u32 v9, $0xD;
	v56 =	vshrl.u32 v11, $0x13  }
0x25d: {  	v17 =	vshll.u32 v11, $0xD;
	v20 =	vshrl.u32 v7, $0x13;
	v58 =	vshll.u32 v7, $0xD  }
0x25e: {  	v24 =	vshrl.u32 v12, $0x13;
	v61 =	vshll.u32 v12, $0xD;
	v62 =	vshrl.u32 v13, $0x13  }
0x25f: {  	s24 =	sadd.s32 $0x31EC00, s13;
	v25 =	vshll.u32 v13, $0xD;
	v26 =	vshrl.u32 v16, $0x13;
	v28 =	vshll.u32 v16, $0xD  }
0x260: {  	v8 =	vor.u32 v54, v10;
	v10 =	vadd.s32 s24, v0;
	v36 =	vor.u32 v24, v61  }
0x261: {  	v37 =	vor.u32 v62, v25;
	v40 =	vor.u32 v26, v28;
	v8 =	vxor.u32 v9, v8  }
0x262: {  	v59 =	vshrl.u32 v10, $0x13;
	v21 =	vshll.u32 v10, $0xD;
	v46 =	vxor.u32 v16, v40  }
0x263: {  	v14 =	vshrl.u32 v8, $0x11;
	v15 =	vshll.u32 v8, $0xF;
	v8 =	vadd.s32 v9, v8  }
0x264: {  	s28 =	sadd.s32 $0x939400, s13;
	v35 =	vor.u32 v59, v21;
	v62 =	vshrl.u32 v46, $0x11;
	v16 =	vadd.s32 v16, v46  }
0x265: {  	v55 =	vor.u32 v14, v15;
	v14 =	vadd.s32 s28, v0;
	v15 =	vor.u32 v56, v17  }
0x266: {  	v17 =	vxor.u32 v10, v35;
	v9 =	vxor.u32 v55, v8;
	v63 =	vshrl.u32 v14, $0x13  }
0x267: {  	v29 =	vshll.u32 v14, $0xD;
	v15 =	vxor.u32 v11, v15;
	v54 =	vshrl.u32 v17, $0x11  }
0x268: {  	v56 =	vshll.u32 v17, $0xF;
	v10 =	vadd.s32 v10, v17;
	v18 =	vshrl.u32 v9, $0x6  }
0x269: {  	v19 =	vshll.u32 v9, $0x1A;
	v8 =	vadd.s32 v8, v9;
	v42 =	vor.u32 v63, v29  }
0x26a: {  	v48 =	vshrl.u32 v15, $0x11;
	v49 =	vshll.u32 v15, $0xF;
	v63 =	vshll.u32 v46, $0xF  }
0x26b: {  	v11 =	vadd.s32 v11, v15;
	v57 =	vor.u32 v18, v19;
	v18 =	vor.u32 v20, v58  }
0x26c: {  	v19 =	vxor.u32 v12, v36;
	v20 =	vxor.u32 v13, v37;
	v21 =	vxor.u32 v14, v42  }
0x26d: {  	v26 =	vor.u32 v62, v63;
	v9 =	vxor.u32 v57, v8;
	v18 =	vxor.u32 v7, v18  }
0x26e: {  	v57 =	vshrl.u32 v19, $0x11;
	v22 =	vshrl.u32 v9, $0x1A;
	v23 =	vshll.u32 v9, $0x6  }
0x26f: {  	v58 =	vshll.u32 v19, $0xF;
	v8 =	vadd.s32 v8, v9;
	v60 =	vor.u32 v22, v23  }
0x270: {  	v59 =	vshrl.u32 v20, $0x11;
	v36 =	vshrl.u32 v21, $0x11;
	v9 =	vxor.u32 v60, v8  }
0x271: {  	v12 =	vadd.s32 v12, v19;
	v13 =	vadd.s32 v13, v20;
	v9 =	vadd.s32 $0x1BD11BF1, v9  }
0x272: {  	v8 =	vadd.s32 v9, v8;
	v27 =	vshrl.u32 v9, $0xF;
	v9 =	vshll.u32 v9, $0x11  }
0x273: {  	v14 =	vadd.s32 v14, v21;
	v8 =	vadd.s32 $0x2A, v8;
	v9 =	vor.u32 v27, v9  }
0x274: {  	v50 =	vshrl.u32 v18, $0x11;
	v51 =	vshll.u32 v18, $0xF;
	v9 =	vxor.u32 v9, v8  }
0x275: {  	v28 =	vor.u32 v57, v58;
	v33 =	vshrl.u32 v9, $0x3;
	v30 =	vshll.u32 v9, $0x1D  }
0x276: {  	v18 =	vadd.s32 v7, v18;
	v8 =	vadd.s32 v8, v9;
	v34 =	vor.u32 v33, v30  }
0x277: {  	v23 =	vor.u32 v48, v49;
	v25 =	vor.u32 v50, v51;
	v9 =	vxor.u32 v34, v8  }
0x278: {  	v60 =	vshll.u32 v20, $0xF;
	v38 =	vshrl.u32 v9, $0x10;
	v39 =	vshll.u32 v9, $0x10  }
0x279: {  	v15 =	vxor.u32 v23, v11;
	v8 =	vadd.s32 v8, v9;
	v41 =	vor.u32 v38, v39  }
0x27a: {  	v57 =	vshll.u32 v15, $0x1A;
	v11 =	vadd.s32 v11, v15;
	v9 =	vxor.u32 v41, v8  }
0x27b: {  	v27 =	vor.u32 v54, v56;
	v43 =	vshrl.u32 v9, $0x8;
	v44 =	vshll.u32 v9, $0x18  }
0x27c: {  	v56 =	vshrl.u32 v15, $0x6;
	v8 =	vadd.s32 v8, v9;
	v45 =	vor.u32 v43, v44  }
0x27d: {  	v50 =	vxor.u32 v27, v10;
	v23 =	vor.u32 v56, v57;
	v9 =	vxor.u32 v45, v8  }
0x27e: {  	v63 =	vshll.u32 v50, $0x1A;
	v10 =	vadd.s32 v10, v50;
	v9 =	vadd.s32 $0x2, v9  }
0x27f: {  	v8 =	vadd.s32 v9, v8;
	v47 =	vshrl.u32 v9, $0x13;
	v9 =	vshll.u32 v9, $0xD  }
0x280: {  	v8 =	vadd.s32 $0x1BD11BF0, v8;
	v9 =	vor.u32 v47, v9;
	v47 =	vxor.u32 v25, v18  }
0x281: {  	v39 =	vshll.u32 v21, $0xF;
	v9 =	vxor.u32 v9, v8;
	v25 =	vshrl.u32 v47, $0x6  }
0x282: {  	v58 =	vshll.u32 v47, $0x1A;
	v52 =	vshrl.u32 v9, $0x11;
	v53 =	vshll.u32 v9, $0xF  }
0x283: {  	v47 =	vadd.s32 v18, v47;
	v8 =	vadd.s32 v8, v9;
	v55 =	vor.u32 v52, v53  }
0x284: {  	v25 =	vor.u32 v25, v58;
	v52 =	vxor.u32 v28, v12;
	v9 =	vxor.u32 v55, v8  }
0x285: {  	v53 =	vxor.u32 v26, v16;
	v31 =	vshrl.u32 v9, $0x6;
	v32 =	vshll.u32 v9, $0x1A  }
0x286: {  	v18 =	vxor.u32 v25, v47;
	v8 =	vadd.s32 v8, v9;
	v31 =	vor.u32 v31, v32  }
0x287: {  	v12 =	vadd.s32 v12, v52;
	v16 =	vadd.s32 v16, v53;
	v31 =	vxor.u32 v31, v8  }
0x288: {  	v61 =	vshrl.u32 v31, $0x1A;
	v8 =	vadd.s32 v8, v31;
	v31 =	vshll.u32 v31, $0x6  }
0x289: {  	v25 =	vshll.u32 v18, $0x6;
	v24 =	vor.u32 v61, v31;
	v61 =	vshrl.u32 v50, $0x6  }
0x28a: {  	v9 =	vor.u32 v59, v60;
	v24 =	vxor.u32 v24, v8;
	v27 =	vor.u32 v61, v63  }
0x28b: {  	v9 =	vxor.u32 v9, v13;
	v24 =	vadd.s32 $0x2D, v24;
	v50 =	vxor.u32 v27, v10  }
0x28c: {  	v37 =	vshrl.u32 v24, $0xF;
	v38 =	vshll.u32 v24, $0x11;
	v8 =	vadd.s32 v8, v24  }
0x28d: {  	v24 =	vor.u32 v36, v39;
	v36 =	vshrl.u32 v52, $0x6;
	v27 =	vshll.u32 v50, $0x6  }
0x28e: {  	v10 =	vadd.s32 v10, v50;
	v30 =	vor.u32 v37, v38;
	v37 =	vshll.u32 v52, $0x1A  }
0x28f: {  	v54 =	vxor.u32 v24, v14;
	v40 =	vxor.u32 v30, v8;
	v28 =	vor.u32 v36, v37  }
0x290: {  	v14 =	vadd.s32 v14, v54;
	v41 =	vshrl.u32 v40, $0x3;
	v30 =	vshll.u32 v40, $0x1D  }
0x291: {  	v42 =	vadd.s32 v8, v40;
	v40 =	vshrl.u32 v9, $0x6;
	v43 =	vor.u32 v41, v30  }
0x292: {  	v41 =	vshll.u32 v9, $0x1A;
	v9 =	vadd.s32 v13, v9;
	v8 =	vxor.u32 v43, v42  }
0x293: {  	v30 =	vadd.s32 v47, v18;
	v44 =	vshrl.u32 v8, $0x10;
	v45 =	vshll.u32 v8, $0x10  }
0x294: {  	v43 =	vshrl.u32 v53, $0x6;
	v7 =	vadd.s32 v42, v8;
	v46 =	vor.u32 v44, v45  }
0x295: {  	v44 =	vshll.u32 v53, $0x1A;
	v45 =	vshrl.u32 v54, $0x6;
	v8 =	vxor.u32 v46, v7  }
0x296: {  	v46 =	vshll.u32 v54, $0x1A;
	v26 =	vor.u32 v43, v44;
	v54 =	vshrl.u32 v18, $0x1A  }
0x297: {  	v48 =	vshrl.u32 v8, $0x8;
	v49 =	vshll.u32 v8, $0x18;
	v7 =	vadd.s32 v7, v8  }
0x298: {  	v52 =	vxor.u32 v26, v16;
	v51 =	vor.u32 v48, v49;
	v48 =	vor.u32 v45, v46  }
0x299: {  	v49 =	vxor.u32 v23, v11;
	v8 =	vxor.u32 v51, v7;
	v51 =	vxor.u32 v28, v12  }
0x29a: {  	v17 =	vxor.u32 v48, v14;
	v53 =	vshrl.u32 v49, $0x1A;
	v23 =	vshll.u32 v49, $0x6  }
0x29b: {  	v11 =	vadd.s32 v11, v49;
	v8 =	vadd.s32 $0x1BD11BF4, v8;
	v28 =	vshrl.u32 v51, $0x1A  }
0x29c: {  	v56 =	vshll.u32 v51, $0x6;
	v22 =	vor.u32 v53, v23;
	v61 =	vshrl.u32 v17, $0x1A  }
0x29d: {  	v12 =	vadd.s32 v12, v51;
	v14 =	vadd.s32 v14, v17;
	v7 =	vadd.s32 v8, v7  }
0x29e: {  	v55 =	vshrl.u32 v8, $0x13;
	v8 =	vshll.u32 v8, $0xD;
	v28 =	vor.u32 v28, v56  }
0x29f: {  	v32 =	vxor.u32 v22, v11;
	v7 =	vadd.s32 $0x2A, v7;
	v8 =	vor.u32 v55, v8  }
0x2a0: {  	v55 =	vshrl.u32 v50, $0x1A;
	v35 =	vxor.u32 v28, v12;
	v15 =	vadd.s32 $0x1BD11BF1, v32  }
0x2a1: {  	v8 =	vxor.u32 v8, v7;
	v26 =	vor.u32 v55, v27;
	v18 =	vadd.s32 $0x1BD11BF1, v35  }
0x2a2: {  	v11 =	vadd.s32 v15, v11;
	v59 =	vshrl.u32 v8, $0x11;
	v60 =	vshll.u32 v8, $0xF  }
0x2a3: {  	v7 =	vadd.s32 v7, v8;
	v34 =	vxor.u32 v26, v10;
	v12 =	vadd.s32 v18, v12  }
0x2a4: {  	v11 =	vadd.s32 $0x2A, v11;
	v62 =	vor.u32 v59, v60;
	v59 =	vshrl.u32 v52, $0x1A  }
0x2a5: {  	v60 =	vshll.u32 v52, $0x6;
	v12 =	vadd.s32 $0x2A, v12;
	v8 =	vxor.u32 v62, v7  }
0x2a6: {  	v62 =	vshll.u32 v17, $0x6;
	v23 =	vor.u32 v59, v60;
	v17 =	vadd.s32 $0x1BD11BF1, v34  }
0x2a7: {  	v38 =	vshrl.u32 v8, $0x6;
	v39 =	vshll.u32 v8, $0x1A;
	v7 =	vadd.s32 v7, v8  }
0x2a8: {  	v8 =	vor.u32 v40, v41;
	v10 =	vadd.s32 v17, v10;
	v41 =	vshrl.u32 v17, $0xF  }
0x2a9: {  	v17 =	vshll.u32 v17, $0x11;
	v31 =	vor.u32 v38, v39;
	v8 =	vxor.u32 v8, v9  }
0x2aa: {  	v39 =	vshrl.u32 v15, $0xF;
	v15 =	vshll.u32 v15, $0x11;
	v10 =	vadd.s32 $0x2A, v10  }
0x2ab: {  	v17 =	vor.u32 v41, v17;
	v31 =	vxor.u32 v31, v7;
	v57 =	vshrl.u32 v8, $0x1A  }
0x2ac: {  	v58 =	vshll.u32 v8, $0x6;
	v8 =	vadd.s32 v9, v8;
	v15 =	vor.u32 v39, v15  }
0x2ad: {  	v17 =	vxor.u32 v17, v10;
	v42 =	vshrl.u32 v31, $0x1A;
	v7 =	vadd.s32 v7, v31  }
0x2ae: {  	v31 =	vshll.u32 v31, $0x6;
	v63 =	vor.u32 v57, v58;
	v15 =	vxor.u32 v15, v11  }
0x2af: {  	v50 =	vshrl.u32 v17, $0x3;
	v51 =	vshll.u32 v17, $0x1D;
	v10 =	vadd.s32 v10, v17  }
0x2b0: {  	v24 =	vor.u32 v42, v31;
	v31 =	vadd.s32 v16, v52;
	v36 =	vxor.u32 v63, v8  }
0x2b1: {  	v42 =	vshrl.u32 v18, $0xF;
	v18 =	vshll.u32 v18, $0x11;
	v46 =	vshrl.u32 v15, $0x3  }
0x2b2: {  	v47 =	vshll.u32 v15, $0x1D;
	v26 =	vor.u32 v50, v51;
	v11 =	vadd.s32 v11, v15  }
0x2b3: {  	v24 =	vxor.u32 v24, v7;
	v7 =	vadd.s32 $0x1BD11BF0, v7;
	v37 =	vxor.u32 v23, v31  }
0x2b4: {  	v19 =	vadd.s32 $0x1BD11BF1, v36;
	v18 =	vor.u32 v42, v18;
	v22 =	vor.u32 v46, v47  }
0x2b5: {  	v17 =	vxor.u32 v26, v10;
	v24 =	vadd.s32 $0x5, v24;
	v20 =	vadd.s32 $0x1BD11BF1, v37  }
0x2b6: {  	v8 =	vadd.s32 v19, v8;
	v43 =	vshrl.u32 v19, $0xF;
	v19 =	vshll.u32 v19, $0x11  }
0x2b7: {  	v18 =	vxor.u32 v18, v12;
	v15 =	vxor.u32 v22, v11;
	v26 =	vshrl.u32 v17, $0x10  }
0x2b8: {  	v10 =	vadd.s32 v10, v17;
	v7 =	vxor.u32 v7, v24;
	v24 =	vor.u32 v54, v25  }
0x2b9: {  	v25 =	vor.u32 v61, v62;
	v9 =	vadd.s32 v20, v31;
	v44 =	vshrl.u32 v20, $0xF  }
0x2ba: {  	v20 =	vshll.u32 v20, $0x11;
	v8 =	vadd.s32 $0x2A, v8;
	v19 =	vor.u32 v43, v19  }
0x2bb: {  	v52 =	vshrl.u32 v18, $0x3;
	v53 =	vshll.u32 v18, $0x1D;
	v12 =	vadd.s32 v12, v18  }
0x2bc: {  	v61 =	vshrl.u32 v15, $0x10;
	v36 =	vshll.u32 v15, $0x10;
	v11 =	vadd.s32 v11, v15  }
0x2bd: {  	v33 =	vxor.u32 v24, v30;
	v38 =	vxor.u32 v25, v14;
	v9 =	vadd.s32 $0x2A, v9  }
0x2be: {  	v20 =	vor.u32 v44, v20;
	v19 =	vxor.u32 v19, v8;
	v28 =	vor.u32 v52, v53  }
0x2bf: {  	v16 =	vadd.s32 $0x1BD11BF1, v33;
	v21 =	vadd.s32 $0x1BD11BF1, v38;
	v20 =	vxor.u32 v20, v9  }
0x2c0: {  	v54 =	vshrl.u32 v19, $0x3;
	v55 =	vshll.u32 v19, $0x1D;
	v8 =	vadd.s32 v8, v19  }
0x2c1: {  	v18 =	vxor.u32 v28, v12;
	v38 =	vshll.u32 v17, $0x10;
	v13 =	vadd.s32 v16, v30  }
0x2c2: {  	v40 =	vshrl.u32 v16, $0xF;
	v16 =	vshll.u32 v16, $0x11;
	v14 =	vadd.s32 v21, v14  }
0x2c3: {  	v45 =	vshrl.u32 v21, $0xF;
	v21 =	vshll.u32 v21, $0x11;
	v56 =	vshrl.u32 v20, $0x3  }
0x2c4: {  	v57 =	vshll.u32 v20, $0x1D;
	v60 =	vor.u32 v54, v55;
	v9 =	vadd.s32 v9, v20  }
0x2c5: {  	v28 =	vshrl.u32 v18, $0x10;
	v39 =	vshll.u32 v18, $0x10;
	v20 =	vor.u32 v61, v36  }
0x2c6: {  	v26 =	vor.u32 v26, v38;
	v12 =	vadd.s32 v12, v18;
	v13 =	vadd.s32 $0x2A, v13  }
0x2c7: {  	v16 =	vor.u32 v40, v16;
	v14 =	vadd.s32 $0x2A, v14;
	v21 =	vor.u32 v45, v21  }
0x2c8: {  	v23 =	vor.u32 v56, v57;
	v19 =	vxor.u32 v60, v8;
	v28 =	vor.u32 v28, v39  }
0x2c9: {  	v51 =	vxor.u32 v26, v10;
	v16 =	vxor.u32 v16, v13;
	v21 =	vxor.u32 v21, v14  }
0x2ca: {  	v62 =	vxor.u32 v23, v9;
	v40 =	vshrl.u32 v19, $0x10;
	v41 =	vshll.u32 v19, $0x10  }
0x2cb: {  	v8 =	vadd.s32 v8, v19;
	v52 =	vxor.u32 v28, v12;
	v26 =	vshrl.u32 v51, $0x8  }
0x2cc: {  	v57 =	vshll.u32 v51, $0x18;
	v10 =	vadd.s32 v10, v51;
	v48 =	vshrl.u32 v16, $0x3  }
0x2cd: {  	v49 =	vshll.u32 v16, $0x1D;
	v58 =	vshrl.u32 v21, $0x3;
	v59 =	vshll.u32 v21, $0x1D  }
0x2ce: {  	v13 =	vadd.s32 v13, v16;
	v14 =	vadd.s32 v14, v21;
	v42 =	vshrl.u32 v62, $0x10  }
0x2cf: {  	v43 =	vshll.u32 v62, $0x10;
	v46 =	vor.u32 v40, v41;
	v9 =	vadd.s32 v9, v62  }
0x2d0: {  	v28 =	vshrl.u32 v52, $0x8;
	v26 =	vor.u32 v26, v57;
	v12 =	vadd.s32 v12, v52  }
0x2d1: {  	v24 =	vor.u32 v48, v49;
	v25 =	vor.u32 v58, v59;
	v47 =	vor.u32 v42, v43  }
0x2d2: {  	v49 =	vxor.u32 v20, v11;
	v53 =	vxor.u32 v46, v8;
	v58 =	vshll.u32 v52, $0x18  }
0x2d3: {  	v18 =	vxor.u32 v26, v10;
	v16 =	vxor.u32 v24, v13;
	v63 =	vxor.u32 v25, v14  }
0x2d4: {  	v15 =	vxor.u32 v47, v9;
	v54 =	vshrl.u32 v49, $0x8;
	v55 =	vshll.u32 v49, $0x18  }
0x2d5: {  	v59 =	vshrl.u32 v53, $0x8;
	v60 =	vshll.u32 v53, $0x18;
	v28 =	vor.u32 v28, v58  }
0x2d6: {  	v11 =	vadd.s32 v11, v49;
	v8 =	vadd.s32 v8, v53;
	v18 =	vadd.s32 $0x2, v18  }
0x2d7: {  	v24 =	vshrl.u32 v16, $0x10;
	v37 =	vshll.u32 v16, $0x10;
	v44 =	vshrl.u32 v63, $0x10  }
0x2d8: {  	v45 =	vshll.u32 v63, $0x10;
	v13 =	vadd.s32 v13, v16;
	v14 =	vadd.s32 v14, v63  }
0x2d9: {  	v61 =	vshrl.u32 v15, $0x8;
	v21 =	vor.u32 v54, v55;
	v62 =	vshll.u32 v15, $0x18  }
0x2da: {  	v34 =	vor.u32 v59, v60;
	v9 =	vadd.s32 v9, v15;
	v19 =	vxor.u32 v28, v12  }
0x2db: {  	v10 =	vadd.s32 v18, v10;
	v41 =	vshrl.u32 v18, $0x13;
	v18 =	vshll.u32 v18, $0xD  }
0x2dc: {  	v24 =	vor.u32 v24, v37;
	v48 =	vor.u32 v44, v45;
	v22 =	vor.u32 v61, v62  }
0x2dd: {  	v36 =	vxor.u32 v21, v11;
	v20 =	vxor.u32 v34, v8;
	v19 =	vadd.s32 $0x2, v19  }
0x2de: {  	v10 =	vadd.s32 $0x1BD11BF0, v10;
	v18 =	vor.u32 v41, v18;
	v50 =	vxor.u32 v24, v13  }
0x2df: {  	v23 =	vxor.u32 v48, v14;
	v38 =	vxor.u32 v22, v9;
	v17 =	vadd.s32 $0x2, v36  }
0x2e0: {  	v20 =	vadd.s32 $0x2, v20;
	v12 =	vadd.s32 v19, v12;
	v42 =	vshrl.u32 v19, $0x13  }
0x2e1: {  	v19 =	vshll.u32 v19, $0xD;
	v18 =	vxor.u32 v18, v10;
	v24 =	vshrl.u32 v50, $0x8  }
0x2e2: {  	v56 =	vshll.u32 v50, $0x18;
	v63 =	vshrl.u32 v23, $0x8;
	v33 =	vshll.u32 v23, $0x18  }
0x2e3: {  	v13 =	vadd.s32 v13, v50;
	v14 =	vadd.s32 v14, v23;
	v21 =	vadd.s32 $0x2, v38  }
0x2e4: {  	v11 =	vadd.s32 v17, v11;
	v39 =	vshrl.u32 v17, $0x13;
	v17 =	vshll.u32 v17, $0xD  }
0x2e5: {  	v8 =	vadd.s32 v20, v8;
	v43 =	vshrl.u32 v20, $0x13;
	v20 =	vshll.u32 v20, $0xD  }
0x2e6: {  	v12 =	vadd.s32 $0x1BD11BF0, v12;
	v19 =	vor.u32 v42, v19;
	v50 =	vshrl.u32 v18, $0x11  }
0x2e7: {  	v51 =	vshll.u32 v18, $0xF;
	v10 =	vadd.s32 v10, v18;
	v24 =	vor.u32 v24, v56  }
0x2e8: {  	v35 =	vor.u32 v63, v33;
	v9 =	vadd.s32 v21, v9;
	v44 =	vshrl.u32 v21, $0x13  }
0x2e9: {  	v21 =	vshll.u32 v21, $0xD;
	v11 =	vadd.s32 $0x1BD11BF0, v11;
	v17 =	vor.u32 v39, v17  }
0x2ea: {  	v8 =	vadd.s32 $0x1BD11BF0, v8;
	v20 =	vor.u32 v43, v20;
	v19 =	vxor.u32 v19, v12  }
0x2eb: {  	v26 =	vor.u32 v50, v51;
	v37 =	vxor.u32 v24, v13;
	v16 =	vxor.u32 v35, v14  }
0x2ec: {  	v9 =	vadd.s32 $0x1BD11BF0, v9;
	v21 =	vor.u32 v44, v21;
	v17 =	vxor.u32 v17, v11  }
0x2ed: {  	v20 =	vxor.u32 v20, v8;
	v52 =	vshrl.u32 v19, $0x11;
	v53 =	vshll.u32 v19, $0xF  }
0x2ee: {  	v12 =	vadd.s32 v12, v19;
	v18 =	vxor.u32 v26, v10;
	v15 =	vadd.s32 $0x2, v37  }
0x2ef: {  	v16 =	vadd.s32 $0x2, v16;
	v21 =	vxor.u32 v21, v9;
	v46 =	vshrl.u32 v17, $0x11  }
0x2f0: {  	v47 =	vshll.u32 v17, $0xF;
	v54 =	vshrl.u32 v20, $0x11;
	v55 =	vshll.u32 v20, $0xF  }
0x2f1: {  	v28 =	vor.u32 v52, v53;
	v11 =	vadd.s32 v11, v17;
	v8 =	vadd.s32 v8, v20  }
0x2f2: {  	v26 =	vshrl.u32 v18, $0x6;
	v37 =	vshll.u32 v18, $0x1A;
	v10 =	vadd.s32 v10, v18  }
0x2f3: {  	v13 =	vadd.s32 v15, v13;
	v40 =	vshrl.u32 v15, $0x13;
	v15 =	vshll.u32 v15, $0xD  }
0x2f4: {  	v14 =	vadd.s32 v16, v14;
	v45 =	vshrl.u32 v16, $0x13;
	v16 =	vshll.u32 v16, $0xD  }
0x2f5: {  	v56 =	vshrl.u32 v21, $0x11;
	v22 =	vor.u32 v46, v47;
	v57 =	vshll.u32 v21, $0xF  }
0x2f6: {  	v60 =	vor.u32 v54, v55;
	v9 =	vadd.s32 v9, v21;
	v19 =	vxor.u32 v28, v12  }
0x2f7: {  	v26 =	vor.u32 v26, v37;
	v13 =	vadd.s32 $0x1BD11BF0, v13;
	v15 =	vor.u32 v40, v15  }
0x2f8: {  	v14 =	vadd.s32 $0x1BD11BF0, v14;
	v16 =	vor.u32 v45, v16;
	v23 =	vor.u32 v56, v57  }
0x2f9: {  	v17 =	vxor.u32 v22, v11;
	v20 =	vxor.u32 v60, v8;
	v28 =	vshrl.u32 v19, $0x6  }
0x2fa: {  	v38 =	vshll.u32 v19, $0x1A;
	v12 =	vadd.s32 v12, v19;
	v15 =	vxor.u32 v15, v13  }
0x2fb: {  	v16 =	vxor.u32 v16, v14;
	v21 =	vxor.u32 v23, v9;
	v22 =	vshrl.u32 v17, $0x6  }
0x2fc: {  	v63 =	vshll.u32 v17, $0x1A;
	v39 =	vshrl.u32 v20, $0x6;
	v40 =	vshll.u32 v20, $0x1A  }
0x2fd: {  	v28 =	vor.u32 v28, v38;
	v11 =	vadd.s32 v11, v17;
	v8 =	vadd.s32 v8, v20  }
0x2fe: {  	v48 =	vshrl.u32 v15, $0x11;
	v49 =	vshll.u32 v15, $0xF;
	v58 =	vshrl.u32 v16, $0x11  }
0x2ff: {  	v59 =	vshll.u32 v16, $0xF;
	v13 =	vadd.s32 v13, v15;
	v14 =	vadd.s32 v14, v16  }
0x300: {  	v41 =	vshrl.u32 v21, $0x6;
	v22 =	vor.u32 v22, v63;
	v42 =	vshll.u32 v21, $0x1A  }
0x301: {  	v45 =	vor.u32 v39, v40;
	v9 =	vadd.s32 v9, v21;
	v24 =	vor.u32 v48, v49  }
0x302: {  	v61 =	vor.u32 v58, v59;
	v23 =	vor.u32 v41, v42;
	v46 =	vxor.u32 v22, v11  }
0x303: {  	v48 =	vxor.u32 v26, v10;
	v49 =	vxor.u32 v28, v12;
	v50 =	vxor.u32 v45, v8  }
0x304: {  	v62 =	vxor.u32 v24, v13;
	v15 =	vxor.u32 v61, v14;
	v51 =	vshrl.u32 v46, $0x1A  }
0x305: {  	v21 =	vxor.u32 v23, v9;
	v53 =	vshll.u32 v46, $0x6;
	v26 =	vshrl.u32 v48, $0x1A  }
0x306: {  	v55 =	vshll.u32 v48, $0x6;
	v28 =	vshrl.u32 v49, $0x1A;
	v56 =	vshll.u32 v49, $0x6  }
0x307: {  	v57 =	vshrl.u32 v50, $0x1A;
	v58 =	vshll.u32 v50, $0x6;
	v11 =	vadd.s32 v11, v46  }
0x308: {  	v10 =	vadd.s32 v10, v48;
	v12 =	vadd.s32 v12, v49;
	v8 =	vadd.s32 v8, v50  }
0x309: {  	v24 =	vshrl.u32 v62, $0x6;
	v36 =	vshll.u32 v62, $0x1A;
	v43 =	vshrl.u32 v15, $0x6  }
0x30a: {  	v44 =	vshll.u32 v15, $0x1A;
	v13 =	vadd.s32 v13, v62;
	v14 =	vadd.s32 v14, v15  }
0x30b: {  	v59 =	vshrl.u32 v21, $0x1A;
	v20 =	vor.u32 v51, v53;
	v60 =	vshll.u32 v21, $0x6  }
0x30c: {  	v26 =	vor.u32 v26, v55;
	v28 =	vor.u32 v28, v56;
	v63 =	vor.u32 v57, v58  }
0x30d: {  	v9 =	vadd.s32 v9, v21;
	v24 =	vor.u32 v24, v36;
	v25 =	vor.u32 v43, v44  }
0x30e: {  	v33 =	vor.u32 v59, v60;
	v35 =	vxor.u32 v20, v11;
	v36 =	vxor.u32 v26, v10  }
0x30f: {  	v37 =	vxor.u32 v28, v12;
	v38 =	vxor.u32 v63, v8;
	v47 =	vxor.u32 v24, v13  }
0x310: {  	v52 =	vxor.u32 v25, v14;
	v16 =	vxor.u32 v33, v9;
	v15 =	vadd.s32 $0x2D, v35  }
0x311: {  	v18 =	vadd.s32 $0x2D, v36;
	v19 =	vadd.s32 $0x2D, v37;
	v20 =	vadd.s32 $0x2D, v38  }
0x312: {  	v24 =	vshrl.u32 v47, $0x1A;
	v54 =	vshll.u32 v47, $0x6;
	v61 =	vshrl.u32 v52, $0x1A  }
0x313: {  	v62 =	vshll.u32 v52, $0x6;
	v13 =	vadd.s32 v13, v47;
	v14 =	vadd.s32 v14, v52  }
0x314: {  	v40 =	vshrl.u32 v15, $0xF;
	v16 =	vadd.s32 $0x2D, v16;
	v41 =	vshll.u32 v15, $0x11  }
0x315: {  	v44 =	vshrl.u32 v18, $0xF;
	v45 =	vshll.u32 v18, $0x11;
	v46 =	vshrl.u32 v19, $0xF  }
0x316: {  	v47 =	vshll.u32 v19, $0x11;
	v48 =	vshrl.u32 v20, $0xF;
	v49 =	vshll.u32 v20, $0x11  }
0x317: {  	v11 =	vadd.s32 v11, v15;
	v10 =	vadd.s32 v10, v18;
	v12 =	vadd.s32 v12, v19  }
0x318: {  	v8 =	vadd.s32 v8, v20;
	v24 =	vor.u32 v24, v54;
	v34 =	vor.u32 v61, v62  }
0x319: {  	v50 =	vshrl.u32 v16, $0xF;
	v22 =	vor.u32 v40, v41;
	v51 =	vshll.u32 v16, $0x11  }
0x31a: {  	v26 =	vor.u32 v44, v45;
	v28 =	vor.u32 v46, v47;
	v54 =	vor.u32 v48, v49  }
0x31b: {  	v9 =	vadd.s32 v9, v16;
	v17 =	vxor.u32 v24, v13;
	v39 =	vxor.u32 v34, v14  }
0x31c: {  	v55 =	vor.u32 v50, v51;
	v57 =	vxor.u32 v22, v11;
	v18 =	vxor.u32 v26, v10  }
0x31d: {  	v19 =	vxor.u32 v28, v12;
	v20 =	vxor.u32 v54, v8;
	v17 =	vadd.s32 $0x2D, v17  }
0x31e: {  	v21 =	vadd.s32 $0x2D, v39;
	v15 =	vxor.u32 v55, v9;
	v58 =	vshrl.u32 v57, $0x3  }
0x31f: {  	v22 =	vshll.u32 v57, $0x1D;
	v26 =	vshrl.u32 v18, $0x3;
	v60 =	vshll.u32 v18, $0x1D  }
0x320: {  	v28 =	vshrl.u32 v19, $0x3;
	v61 =	vshll.u32 v19, $0x1D;
	v62 =	vshrl.u32 v20, $0x3  }
0x321: {  	v63 =	vshll.u32 v20, $0x1D;
	v11 =	vadd.s32 v11, v57;
	v10 =	vadd.s32 v10, v18  }
0x322: {  	v12 =	vadd.s32 v12, v19;
	v8 =	vadd.s32 v8, v20;
	v42 =	vshrl.u32 v17, $0xF  }
0x323: {  	v43 =	vshll.u32 v17, $0x11;
	v52 =	vshrl.u32 v21, $0xF;
	v53 =	vshll.u32 v21, $0x11  }
0x324: {  	v13 =	vadd.s32 v13, v17;
	v14 =	vadd.s32 v14, v21;
	v36 =	vshrl.u32 v15, $0x3  }
0x325: {  	v21 =	vor.u32 v58, v22;
	v37 =	vshll.u32 v15, $0x1D;
	v26 =	vor.u32 v26, v60  }
0x326: {  	v28 =	vor.u32 v28, v61;
	v40 =	vor.u32 v62, v63;
	v9 =	vadd.s32 v9, v15  }
0x327: {  	v24 =	vor.u32 v42, v43;
	v56 =	vor.u32 v52, v53;
	v22 =	vor.u32 v36, v37  }
0x328: {  	v42 =	vxor.u32 v21, v11;
	v18 =	vxor.u32 v26, v10;
	v19 =	vxor.u32 v28, v12  }
0x329: {  	v20 =	vxor.u32 v40, v8;
	v17 =	vxor.u32 v24, v13;
	v23 =	vxor.u32 v56, v14  }
0x32a: {  	v44 =	vxor.u32 v22, v9;
	v45 =	vshrl.u32 v42, $0x10;
	v46 =	vshll.u32 v42, $0x10  }
0x32b: {  	v26 =	vshrl.u32 v18, $0x10;
	v48 =	vshll.u32 v18, $0x10;
	v28 =	vshrl.u32 v19, $0x10  }
0x32c: {  	v49 =	vshll.u32 v19, $0x10;
	v50 =	vshrl.u32 v20, $0x10;
	v51 =	vshll.u32 v20, $0x10  }
0x32d: {  	v11 =	vadd.s32 v11, v42;
	v10 =	vadd.s32 v10, v18;
	v12 =	vadd.s32 v12, v19  }
0x32e: {  	v8 =	vadd.s32 v8, v20;
	v24 =	vshrl.u32 v17, $0x3;
	v59 =	vshll.u32 v17, $0x1D  }
0x32f: {  	v38 =	vshrl.u32 v23, $0x3;
	v39 =	vshll.u32 v23, $0x1D;
	v13 =	vadd.s32 v13, v17  }
0x330: {  	v14 =	vadd.s32 v14, v23;
	v52 =	vshrl.u32 v44, $0x10;
	v22 =	vor.u32 v45, v46  }
0x331: {  	v53 =	vshll.u32 v44, $0x10;
	v26 =	vor.u32 v26, v48;
	v28 =	vor.u32 v28, v49  }
0x332: {  	v56 =	vor.u32 v50, v51;
	v9 =	vadd.s32 v9, v44;
	v24 =	vor.u32 v24, v59  }
0x333: {  	v41 =	vor.u32 v38, v39;
	v23 =	vor.u32 v52, v53;
	v57 =	vxor.u32 v22, v11  }
0x334: {  	v59 =	vxor.u32 v26, v10;
	v60 =	vxor.u32 v28, v12;
	v61 =	vxor.u32 v56, v8  }
0x335: {  	v43 =	vxor.u32 v24, v13;
	v16 =	vxor.u32 v41, v14;
	v62 =	vshrl.u32 v57, $0x8  }
0x336: {  	v21 =	vxor.u32 v23, v9;
	v36 =	vshll.u32 v57, $0x18;
	v26 =	vshrl.u32 v59, $0x8  }
0x337: {  	v38 =	vshll.u32 v59, $0x18;
	v28 =	vshrl.u32 v60, $0x8;
	v39 =	vshll.u32 v60, $0x18  }
0x338: {  	v40 =	vshrl.u32 v61, $0x8;
	v41 =	vshll.u32 v61, $0x18;
	v11 =	vadd.s32 v11, v57  }
0x339: {  	v10 =	vadd.s32 v10, v59;
	v12 =	vadd.s32 v12, v60;
	v8 =	vadd.s32 v8, v61  }
0x33a: {  	v24 =	vshrl.u32 v43, $0x10;
	v47 =	vshll.u32 v43, $0x10;
	v54 =	vshrl.u32 v16, $0x10  }
0x33b: {  	v55 =	vshll.u32 v16, $0x10;
	v13 =	vadd.s32 v13, v43;
	v14 =	vadd.s32 v14, v16  }
0x33c: {  	v42 =	vshrl.u32 v21, $0x8;
	v20 =	vor.u32 v62, v36;
	v43 =	vshll.u32 v21, $0x18  }
0x33d: {  	v26 =	vor.u32 v26, v38;
	v28 =	vor.u32 v28, v39;
	v46 =	vor.u32 v40, v41  }
0x33e: {  	v9 =	vadd.s32 v9, v21;
	v24 =	vor.u32 v24, v47;
	v25 =	vor.u32 v54, v55  }
0x33f: {  	v47 =	vor.u32 v42, v43;
	v49 =	vxor.u32 v20, v11;
	v50 =	vxor.u32 v26, v10  }
0x340: {  	v51 =	vxor.u32 v28, v12;
	v52 =	vxor.u32 v46, v8;
	v58 =	vxor.u32 v24, v13  }
0x341: {  	v63 =	vxor.u32 v25, v14;
	v15 =	vxor.u32 v47, v9;
	v16 =	vadd.s32 $0x1BD11BF4, v49  }
0x342: {  	v18 =	vadd.s32 $0x1BD11BF4, v50;
	v19 =	vadd.s32 $0x1BD11BF4, v51;
	v20 =	vadd.s32 $0x1BD11BF4, v52  }
0x343: {  	v24 =	vshrl.u32 v58, $0x8;
	v37 =	vshll.u32 v58, $0x18;
	v44 =	vshrl.u32 v63, $0x8  }
0x344: {  	v45 =	vshll.u32 v63, $0x18;
	v13 =	vadd.s32 v13, v58;
	v14 =	vadd.s32 v14, v63  }
0x345: {  	v11 =	vadd.s32 v16, v11;
	v15 =	vadd.s32 $0x1BD11BF4, v15;
	v54 =	vshrl.u32 v16, $0x13  }
0x346: {  	v16 =	vshll.u32 v16, $0xD;
	v10 =	vadd.s32 v18, v10;
	v56 =	vshrl.u32 v18, $0x13  }
0x347: {  	v18 =	vshll.u32 v18, $0xD;
	v12 =	vadd.s32 v19, v12;
	v57 =	vshrl.u32 v19, $0x13  }
0x348: {  	v19 =	vshll.u32 v19, $0xD;
	v8 =	vadd.s32 v20, v8;
	v58 =	vshrl.u32 v20, $0x13  }
0x349: {  	v20 =	vshll.u32 v20, $0xD;
	v24 =	vor.u32 v24, v37;
	v48 =	vor.u32 v44, v45  }
0x34a: {  	v9 =	vadd.s32 v15, v9;
	v59 =	vshrl.u32 v15, $0x13;
	v15 =	vshll.u32 v15, $0xD  }
0x34b: {  	v11 =	vadd.s32 $0x2A, v11;
	v16 =	vor.u32 v54, v16;
	v10 =	vadd.s32 $0x2A, v10  }
0x34c: {  	v18 =	vor.u32 v56, v18;
	v12 =	vadd.s32 $0x2A, v12;
	v19 =	vor.u32 v57, v19  }
0x34d: {  	v8 =	vadd.s32 $0x2A, v8;
	v20 =	vor.u32 v58, v20;
	v17 =	vxor.u32 v24, v13  }
0x34e: {  	v53 =	vxor.u32 v48, v14;
	v9 =	vadd.s32 $0x2A, v9;
	v15 =	vor.u32 v59, v15  }
0x34f: {  	v16 =	vxor.u32 v16, v11;
	v18 =	vxor.u32 v18, v10;
	v19 =	vxor.u32 v19, v12  }
0x350: {  	v20 =	vxor.u32 v20, v8;
	v17 =	vadd.s32 $0x1BD11BF4, v17;
	v21 =	vadd.s32 $0x1BD11BF4, v53  }
0x351: {  	v61 =	vshrl.u32 v16, $0x11;
	v15 =	vxor.u32 v15, v9;
	v62 =	vshll.u32 v16, $0xF  }
0x352: {  	v37 =	vshrl.u32 v18, $0x11;
	v38 =	vshll.u32 v18, $0xF;
	v39 =	vshrl.u32 v19, $0x11  }
0x353: {  	v40 =	vshll.u32 v19, $0xF;
	v41 =	vshrl.u32 v20, $0x11;
	v42 =	vshll.u32 v20, $0xF  }
0x354: {  	v11 =	vadd.s32 v11, v16;
	v10 =	vadd.s32 v10, v18;
	v12 =	vadd.s32 v12, v19  }
0x355: {  	v8 =	vadd.s32 v8, v20;
	v13 =	vadd.s32 v17, v13;
	v55 =	vshrl.u32 v17, $0x13  }
0x356: {  	v17 =	vshll.u32 v17, $0xD;
	v14 =	vadd.s32 v21, v14;
	v60 =	vshrl.u32 v21, $0x13  }
0x357: {  	v21 =	vshll.u32 v21, $0xD;
	v43 =	vshrl.u32 v15, $0x11;
	v22 =	vor.u32 v61, v62  }
0x358: {  	v44 =	vshll.u32 v15, $0xF;
	v26 =	vor.u32 v37, v38;
	v28 =	vor.u32 v39, v40  }
0x359: {  	v47 =	vor.u32 v41, v42;
	v9 =	vadd.s32 v9, v15;
	v13 =	vadd.s32 $0x2A, v13  }
0x35a: {  	v17 =	vor.u32 v55, v17;
	v14 =	vadd.s32 $0x2A, v14;
	v21 =	vor.u32 v60, v21  }
0x35b: {  	v48 =	vor.u32 v43, v44;
	v50 =	vxor.u32 v22, v11;
	v18 =	vxor.u32 v26, v10  }
0x35c: {  	v19 =	vxor.u32 v28, v12;
	v20 =	vxor.u32 v47, v8;
	v17 =	vxor.u32 v17, v13  }
0x35d: {  	v21 =	vxor.u32 v21, v14;
	v16 =	vxor.u32 v48, v9;
	v51 =	vshrl.u32 v50, $0x6  }
0x35e: {  	v22 =	vshll.u32 v50, $0x1A;
	v26 =	vshrl.u32 v18, $0x6;
	v53 =	vshll.u32 v18, $0x1A  }
0x35f: {  	v28 =	vshrl.u32 v19, $0x6;
	v54 =	vshll.u32 v19, $0x1A;
	v55 =	vshrl.u32 v20, $0x6  }
0x360: {  	v56 =	vshll.u32 v20, $0x1A;
	v11 =	vadd.s32 v11, v50;
	v10 =	vadd.s32 v10, v18  }
0x361: {  	v12 =	vadd.s32 v12, v19;
	v8 =	vadd.s32 v8, v20;
	v63 =	vshrl.u32 v17, $0x11  }
0x362: {  	v36 =	vshll.u32 v17, $0xF;
	v45 =	vshrl.u32 v21, $0x11;
	v46 =	vshll.u32 v21, $0xF  }
0x363: {  	v13 =	vadd.s32 v13, v17;
	v14 =	vadd.s32 v14, v21;
	v57 =	vshrl.u32 v16, $0x6  }
0x364: {  	v21 =	vor.u32 v51, v22;
	v58 =	vshll.u32 v16, $0x1A;
	v26 =	vor.u32 v26, v53  }
0x365: {  	v28 =	vor.u32 v28, v54;
	v61 =	vor.u32 v55, v56;
	v9 =	vadd.s32 v9, v16  }
0x366: {  	v24 =	vor.u32 v63, v36;
	v49 =	vor.u32 v45, v46;
	v22 =	vor.u32 v57, v58  }
0x367: {  	v63 =	vxor.u32 v21, v11;
	v18 =	vxor.u32 v26, v10;
	v19 =	vxor.u32 v28, v12  }
0x368: {  	v20 =	vxor.u32 v61, v8;
	v17 =	vxor.u32 v24, v13;
	v23 =	vxor.u32 v49, v14  }
0x369: {  	v37 =	vxor.u32 v22, v9;
	v38 =	vshrl.u32 v63, $0x1A;
	v39 =	vshll.u32 v63, $0x6  }
0x36a: {  	v26 =	vshrl.u32 v18, $0x1A;
	v41 =	vshll.u32 v18, $0x6;
	v28 =	vshrl.u32 v19, $0x1A  }
0x36b: {  	v42 =	vshll.u32 v19, $0x6;
	v43 =	vshrl.u32 v20, $0x1A;
	v44 =	vshll.u32 v20, $0x6  }
0x36c: {  	v11 =	vadd.s32 v11, v63;
	v10 =	vadd.s32 v10, v18;
	v12 =	vadd.s32 v12, v19  }
0x36d: {  	[tilespmem:s11+$0xFFFFFFF0] =	vst v2;
	v2 =	vadd.s32 v8, v20;
	v24 =	vshrl.u32 v17, $0x6;
	v52 =	vshll.u32 v17, $0x1A  }
0x36e: {  	v59 =	vshrl.u32 v23, $0x6;
	v60 =	vshll.u32 v23, $0x1A;
	v13 =	vadd.s32 v13, v17  }
0x36f: {  	v14 =	vadd.s32 v14, v23;
	v45 =	vshrl.u32 v37, $0x1A;
	v22 =	vor.u32 v38, v39  }
0x370: {  	v46 =	vshll.u32 v37, $0x6;
	v26 =	vor.u32 v26, v41;
	v28 =	vor.u32 v28, v42  }
0x371: {  	v49 =	vor.u32 v43, v44;
	v61 =	vadd.s32 $0x1BD11BF0, v12;
	v24 =	vor.u32 v24, v52  }
0x372: {  	v62 =	vor.u32 v59, v60;
	v50 =	vor.u32 v45, v46;
	v52 =	vadd.s32 v9, v37  }
0x373: {  	v53 =	vxor.u32 v22, v11;
	v55 =	vxor.u32 v26, v10;
	v56 =	vxor.u32 v28, v12  }
0x374: {  	[tilespmem:s11+$0xFFFFFFD0] =	vst v4;
	v57 =	vxor.u32 v49, v2;
	v11 =	vadd.s32 $0x1BD11BF0, v11;
	v10 =	vadd.s32 $0x1BD11BF0, v10  }
0x375: {  	[tilespmem:s11+$0xFFFFFFE0] =	vst v3;
	v2 =	vadd.s32 $0x1BD11BF0, v2;
	v36 =	vxor.u32 v24, v13;
	v15 =	vxor.u32 v62, v14  }
0x376: {  	[tilespmem:s11+$0x0] =	vst v1;
	v9 =	vadd.s32 $0x5, v53;
	v4 =	vxor.u32 v50, v52;
	v60 =	vadd.s32 $0x5, v55  }
0x377: {  	[tilespmem:s11+$0x10] =	vst v6;
	v63 =	vadd.s32 $0x1BD11BF0, v52;
	v24 =	vshrl.u32 v36, $0x1A;
	v40 =	vshll.u32 v36, $0x6  }
0x378: {  	s29 =	sadd.s32 $0x80, s11;
	[tilespmem:s11+$0x20] =	vst v5;
	v47 =	vshrl.u32 v15, $0x1A;
	v48 =	vshll.u32 v15, $0x6;
	v3 =	vadd.s32 v13, v36  }
0x379: {  	[tilespmem:s29+$0x30] =	vst v7;
	v54 =	vadd.s32 v14, v15;
	v59 =	vxor.u32 v11, v9;
	v24 =	vor.u32 v24, v40  }
0x37a: {  	v62 =	vxor.u32 v10, v60;
	v4 =	vadd.s32 $0x5, v4;
	[tilespmem:s29+$0xFFFFFFC0] =	vst v59;
	v1 =	vxor.u32 v24, v3  }
0x37b: {  	[tilespmem:s29+$0xFFFFFFE0] =	vst v62;
	v4 =	vxor.u32 v63, v4;
	v3 =	vadd.s32 $0x1BD11BF0, v3;
	v1 =	vadd.s32 $0x5, v1  }
0x37c: {  	v51 =	vor.u32 v47, v48;
	[tilespmem:s29+$0x10] =	vst v4;
	v1 =	vxor.u32 v3, v1;
	v3 =	vadd.s32 $0x5, v56  }
0x37d: {  	s30 =	sshll.u32 s10, $0xD;
	v58 =	vxor.u32 v51, v54;
	[tilespmem:s29+$0xFFFFFFD0] =	vst v1;
	v1 =	vadd.s32 $0x5, v57;
	v3 =	vxor.u32 v61, v3  }
0x37e: {  	s10 =	sadd.s32 $0x1, s10;
	s12 =	sadd.s32 s4, s30;
	v1 =	vxor.u32 v2, v1;
	[tilespmem:s29+$0xFFFFFFF0] =	vst v3;
	v2 =	vadd.s32 $0x5, v58;
	v3 =	vadd.s32 $0x1BD11BF0, v54  }
0x37f: {  	p0 =	sne.s32 s10, $0xE;
	s12 =	sshrl.u32 s12, $0x3;
	[tilespmem:s29+$0x0] =	vst v1;
	v1 =	vxor.u32 v3, v2  }
.Ltmp1:
0x380: {  	s31 =	sadd.s32 s3, s12;
	[tilespmem:s29+$0x20] =	vst v1;
	(pc) =	sbr.rel @p0 .LBB2_2-.Ltmp1, $4  }
0x381: {  	[hbm4b:s31+s1] =	stream.linear.scatter [tilespmem:s1], [sflag:$0x1], $0x2000, $0x38;
	[tilespmem:$0x2000] =	vst v63  }
0x382: {  	_ =	swait.ge [sflag:s7], $0x2000  }
0x383: {  	[sflag:s7] =	ssyncset.done $0x0  }
0x384: {  	s9 =	sadd.s32 $0x40, s9;
	[sflag:s7] =	ssyncadd.s32 $0xFFFFE000  }
0x385: {  	s8 =	sadd.s32 $0x1, s8  }
0x386: {  	p0 =	sne.s32 s8, s5  }
.Ltmp2:
0x387: {  	_ = 	snop;
	(pc) =	sbr.rel @p0 .LBB2_1-.Ltmp2, $1  }
0x388: {  	_ =	sdelay $0x3  }
0x389: {  	_ =	sfence.sel $0x180000  }
0x38a: {  	[bflag:$0x0] =	sbarrier.arrive $0xFFFF  }
0x38b: {  	p0 =	sne.s32 s2, $0x0;
	_ =	strace $0x90000047  }
0x38c: {  	s0 =	sadd.s32 @!p0 $0x100000, s0;
	[bflag:$0x2] =	sbarrier.arrive $0xFFFF  }
0x38d: {  	[sflag:s0] =	ssyncadd.tile.s32 @!p0 $0x1;
	_ =	shalt  }
.Lfunc_end2:
_tile_overlayer_lowered:
.L_overlay_start_2:
0x38e: {  	(tag) =	ssettag $0x2  }
0x38f: {  	s0 =	rddreg [dreg:$0x0];
	s2 =	stileid.u32  }
0x390: {  	s1 =	rddreg [dreg:$0x1];
	p0 =	sne.s32 s2, $0x0  }
0x391: {  	s3 =	rddreg [dreg:$0x2];
	[bflag:$0x3] =	sbarrier.arrive $0xFFFF;
	s2 =	simm.s32 @!p0 $0x1C01  }
0x392: {  	[timem:s3], [sflag:s2] =	dma.local @!p0 [hbm:s0], s1  }
0x393: {  	s0 =	simm.s32 @!p0 $0x1  }
0x394: {  	_ =	swait.ge @!p0 [sflag:s0], s1  }
0x395: {  	s1 =	ssub.s32 @!p0 $0x0, s1;
	[sflag:s0] =	ssyncset.done @!p0 $0x0  }
0x396: {  	[sflag:s0] =	ssyncadd.s32 @!p0 s1  }
0x397: {  	[bflag:$0x3] =	sbarrier.arrive $0xFFFF  }
0x398: {  	_ =	shalt  }

</sc_bundles>
